<compile_context>
chip_gen: v7x
topology: tpu7x:2x2x1
jax: 0.10.2.dev20260603
libtpu: 0.0.44.dev20260713+nightly
codegen_flags: <defaults>
</compile_context>

<pallas_src>
import functools

import jax
import jax.numpy as jnp
from jax import lax
from jax.experimental import pallas as pl
from jax.experimental.pallas import tpu as pltpu
from jax.experimental.pallas import tpu_sc as plsc

BATCH = 4096
NEG = 200
DIM = 64
NC = 2
NS = 16
NW = NC * NS
BPW = BATCH // NW
LANES = 16
T1_OFF = 56
NEG_B = NEG - 128
NEG_PAD = 208


def _score_body(hidx_hbm, pidx_hbm, t0_hbm, t1_hbm, ent_hbm, rel2_hbm,
                posi_out, o0_out, o1_out,
                hidx_v, pidx_v, t0_v, t1_v, rel2_v,
                hrows, prows, hr_rows, posi_buf,
                trows0, trows1, sbuf0, sbuf1,
                psem, gsem0, gsem1, ssem0, ssem1):
    wid = lax.axis_index("s") * NC + lax.axis_index("c")
    base = wid * BPW

    pltpu.sync_copy(hidx_hbm.at[pl.ds(base, BPW)], hidx_v)
    pltpu.sync_copy(pidx_hbm.at[pl.ds(base, BPW)], pidx_v)
    pltpu.sync_copy(t0_hbm.at[pl.ds(base, BPW)], t0_v)
    pltpu.sync_copy(t1_hbm.at[pl.ds(base, BPW)], t1_v)
    pltpu.sync_copy(rel2_hbm.at[pl.ds(base // 2, BPW // 2)], rel2_v)

    c_h = pltpu.async_copy(ent_hbm.at[hidx_v], hrows, psem)
    c_p = pltpu.async_copy(ent_hbm.at[pidx_v], prows, psem)

    def issue_tail_gather(b, trows, gsem):
        pltpu.async_copy(ent_hbm.at[t0_v.at[b]],
                         trows.at[pl.ds(0, 128)], gsem)
        pltpu.async_copy(ent_hbm.at[t1_v.at[b, pl.ds(T1_OFF, NEG_B)]],
                         trows.at[pl.ds(128, NEG_B)], gsem)

    def drain_tail_gather(trows, gsem):
        pltpu.make_async_copy(ent_hbm.at[pl.ds(0, NEG)],
                              trows.at[pl.ds(0, NEG)], gsem).wait()

    issue_tail_gather(0, trows0, gsem0)
    issue_tail_gather(1, trows1, gsem1)

    c_h.wait()
    c_p.wait()

    lane_iota = lax.iota(jnp.int32, LANES)
    NGRP = NEG_PAD // LANES

    def hr_body(bp, carry):
        for half in range(2):
            b = 2 * bp + half
            for c in range(DIM // LANES):
                h = hrows[b, pl.ds(c * LANES, LANES)]
                r = rel2_v[bp, pl.ds(half * DIM + c * LANES, LANES)]
                hr_rows[b, pl.ds(c * LANES, LANES)] = h * r
        return carry

    lax.fori_loop(0, BPW // 2, hr_body, 0, unroll=4)

    def posi_group(g, carry):
        rows = lane_iota + g * LANES

        def d_body(d, acc):
            col = (lane_iota + d) & (DIM - 1)
            gh = plsc.load_gather(hr_rows, [rows, col])
            gp = plsc.load_gather(prows, [rows, col])
            return acc + gh * gp

        acc = lax.fori_loop(0, DIM, d_body,
                            jnp.zeros((LANES,), jnp.float32), unroll=8)
        posi_buf[pl.ds(g * LANES, LANES)] = acc
        return carry

    lax.fori_loop(0, BPW // LANES, posi_group, 0, unroll=False)

    def compute_scores(b, trows, sbuf):
        brow = jnp.full((LANES,), b, jnp.int32)

        def d_body(d, accs):
            col = (lane_iota + d) & (DIM - 1)
            hv = plsc.load_gather(hr_rows, [brow, col])
            return tuple(
                accs[j] + hv * plsc.load_gather(
                    trows, [lane_iota + j * LANES, col])
                for j in range(NGRP))

        accs = lax.fori_loop(
            0, DIM, d_body,
            tuple(jnp.zeros((LANES,), jnp.float32) for _ in range(NGRP)),
            unroll=4)
        for j in range(NGRP):
            sbuf[pl.ds(j * LANES, LANES)] = accs[j]

    def half(i, b, trows, gsem, sbuf, ssem):
        drain_tail_gather(trows, gsem)

        @pl.when(i > 0)
        def _():
            pltpu.make_async_copy(sbuf.at[pl.ds(0, 128)],
                                  o0_out.at[0], ssem).wait()
            pltpu.make_async_copy(sbuf.at[pl.ds(0, 128)],
                                  o1_out.at[0], ssem).wait()

        compute_scores(b, trows, sbuf)
        pltpu.async_copy(sbuf.at[pl.ds(0, 128)],
                         o0_out.at[base + b], ssem)
        pltpu.async_copy(sbuf.at[pl.ds(72, 128)],
                         o1_out.at[base + b], ssem)

        @pl.when(b + 2 < BPW)
        def _():
            issue_tail_gather(b + 2, trows, gsem)

    def outer(i, carry):
        half(i, 2 * i, trows0, gsem0, sbuf0, ssem0)
        half(i, 2 * i + 1, trows1, gsem1, sbuf1, ssem1)
        return carry

    lax.fori_loop(0, BPW // 2, outer, 0, unroll=False)

    for sbuf, ssem in ((sbuf0, ssem0), (sbuf1, ssem1)):
        pltpu.make_async_copy(sbuf.at[pl.ds(0, 128)],
                              o0_out.at[0], ssem).wait()
        pltpu.make_async_copy(sbuf.at[pl.ds(0, 128)],
                              o1_out.at[0], ssem).wait()
    pltpu.sync_copy(posi_buf, posi_out.at[pl.ds(base, BPW)])


@functools.cache
def _sc_score_kernel():
    return pl.kernel(
        _score_body,
        out_type=[
            jax.ShapeDtypeStruct((BATCH,), jnp.float32),
            jax.ShapeDtypeStruct((BATCH, 128), jnp.float32),
            jax.ShapeDtypeStruct((BATCH, 128), jnp.float32),
        ],
        mesh=plsc.VectorSubcoreMesh(core_axis_name="c", subcore_axis_name="s",
                                    num_cores=NC, num_subcores=NS),
        compiler_params=pltpu.CompilerParams(needs_layout_passes=False,
                                             use_tc_tiling_on_sc=False),
        scratch_types=[
            pltpu.VMEM((BPW,), jnp.int32),
            pltpu.VMEM((BPW,), jnp.int32),
            pltpu.VMEM((BPW, 128), jnp.int32),
            pltpu.VMEM((BPW, 128), jnp.int32),
            pltpu.VMEM((BPW // 2, 128), jnp.float32),
            pltpu.VMEM((BPW, DIM), jnp.float32),
            pltpu.VMEM((BPW, DIM), jnp.float32),
            pltpu.VMEM((BPW, DIM), jnp.float32),
            pltpu.VMEM((BPW,), jnp.float32),
            pltpu.VMEM((NEG_PAD, DIM), jnp.float32),
            pltpu.VMEM((NEG_PAD, DIM), jnp.float32),
            pltpu.VMEM((NEG_PAD,), jnp.float32),
            pltpu.VMEM((NEG_PAD,), jnp.float32),
            pltpu.SemaphoreType.DMA,
            pltpu.SemaphoreType.DMA,
            pltpu.SemaphoreType.DMA,
            pltpu.SemaphoreType.DMA,
            pltpu.SemaphoreType.DMA,
        ],
    )


def _pre_body(tp_ref, t0_ref, t1_ref):
    t0_ref[...] = tp_ref[:, :128]
    t1_ref[...] = tp_ref[:, NEG - 128:]


_pre_call = pl.pallas_call(
    _pre_body,
    out_shape=[
        jax.ShapeDtypeStruct((BATCH, 128), jnp.int32),
        jax.ShapeDtypeStruct((BATCH, 128), jnp.int32),
    ],
)


def _log_sigmoid(x):
    return jnp.minimum(x, 0.0) - jnp.log1p(jnp.exp(-jnp.abs(x)))


def _ls_body(posi_ref, o0_ref, o1_ref, posi1_ref, nega1_ref, nega_ref):
    posi1_ref[...] = _log_sigmoid(posi_ref[...])
    n0 = o0_ref[...]
    n1 = o1_ref[...][:, T1_OFF:]
    nega_ref[:, :128] = n0
    nega_ref[:, 128:] = n1
    s = (jnp.sum(_log_sigmoid(-n0), axis=1, keepdims=True)
         + jnp.sum(_log_sigmoid(-n1), axis=1, keepdims=True))
    nega1_ref[...] = s * (1.0 / NEG)


_ls_call = pl.pallas_call(
    _ls_body,
    out_shape=[
        jax.ShapeDtypeStruct((BATCH // 128, 128), jnp.float32),
        jax.ShapeDtypeStruct((BATCH, 1), jnp.float32),
        jax.ShapeDtypeStruct((BATCH, NEG), jnp.float32),
    ],
)


def kernel(head_part, tail_part, entity_embedding, relation_embedding):
    hidx = head_part[:, 0].astype(jnp.int32)
    ridx = head_part[:, 1].astype(jnp.int32)
    pidx = head_part[:, 2].astype(jnp.int32)
    t0, t1 = _pre_call(tail_part.astype(jnp.int32))
    rel2 = jnp.take(relation_embedding, ridx, axis=0).reshape(
        BATCH // 2, 2 * DIM)
    posi_score, o0, o1 = _sc_score_kernel()(hidx, pidx, t0, t1,
                                            entity_embedding, rel2)
    posi1, nega1, nega_score = _ls_call(
        posi_score.reshape(BATCH // 128, 128), o0, o1)
    return (posi1.reshape(BATCH), nega1.reshape(BATCH), nega_score)

# --- scband reference (transcript-rebuilt; emitter-appended) ---
"""Pipeline reference for scband-embedding-layer-11553462026693 (READ-ONLY COPY).

The authoritative reference and input builder live on the scoring server;
editing this copy changes nothing except your own understanding.
"""

import jax, jax.numpy as jnp
import numpy as np

NENTITY = 1000000
NRELATION = 1000000
HIDDEN_DIM = 64
GAMMA = 12.0
EPSILON = 2.0
BATCH = 4096
NEG = 200


def setup_inputs(seed: int = 0) -> dict:
    key = jax.random.key(seed)
    k1, k2, k3, k4 = jax.random.split(key, 4)
    emb_range = (GAMMA + EPSILON) / HIDDEN_DIM
    head_part = jax.random.randint(k1, (BATCH, 3), 0, NENTITY, dtype=jnp.int64 if jax.config.jax_enable_x64 else jnp.int32)
    tail_part = jax.random.randint(k2, (BATCH, NEG), 0, NENTITY, dtype=jnp.int64 if jax.config.jax_enable_x64 else jnp.int32)
    entity_embedding = jax.random.uniform(k3, (NENTITY, HIDDEN_DIM), dtype=jnp.float32, minval=-emb_range, maxval=emb_range)
    relation_embedding = jax.random.uniform(k4, (NRELATION, HIDDEN_DIM), dtype=jnp.float32, minval=-emb_range, maxval=emb_range)
    return {
        "head_part": head_part,
        "tail_part": tail_part,
        "entity_embedding": entity_embedding,
        "relation_embedding": relation_embedding,
    }


def reference(head_part, tail_part, entity_embedding, relation_embedding):
    batch_size, negative_sample_size = tail_part.shape[0], tail_part.shape[1]
    # gathers (index_select equivalents)
    head = jnp.take(entity_embedding, head_part[:, 0], axis=0)[:, None, :]
    relation = jnp.take(relation_embedding, head_part[:, 1], axis=0)[:, None, :]
    nega_tail = jnp.take(entity_embedding, tail_part.reshape(-1), axis=0).reshape(batch_size, negative_sample_size, -1)
    posi_tail = jnp.take(entity_embedding, head_part[:, 2], axis=0)[:, None, :]
    # DistMult-style scoring
    nega_score = (head * (relation * nega_tail)).sum(axis=2)
    posi_score = (head * (relation * posi_tail)).sum(axis=2)
    nega_score1 = jax.nn.log_sigmoid(-nega_score).mean(axis=1)
    posi_score1 = jnp.squeeze(jax.nn.log_sigmoid(posi_score))
    return (posi_score1, nega_score1, nega_score)

if __name__ == "__main__":
    import jax
    _d = setup_inputs()
    print(jax.jit(kernel)(*tuple(_d.values())))

</pallas_src>

<mosaic_0001>
#map = affine_map<(d0, d1) -> (0)>
#map1 = affine_map<(d0, d1) -> (0, 0)>
module attributes {stable_mosaic.version = 14 : i64} {
  func.func @_score_body(%arg0: i32, %arg1: i32, %arg2: memref<4096xi32, #tpu.memory_space<hbm>>, %arg3: memref<4096xi32, #tpu.memory_space<hbm>>, %arg4: memref<4096x128xi32, #tpu.memory_space<hbm>>, %arg5: memref<4096x128xi32, #tpu.memory_space<hbm>>, %arg6: memref<1000000x64xf32, #tpu.memory_space<hbm>>, %arg7: memref<2048x128xf32, #tpu.memory_space<hbm>>, %arg8: memref<4096xf32, #tpu.memory_space<hbm>>, %arg9: memref<4096x128xf32, #tpu.memory_space<hbm>>, %arg10: memref<4096x128xf32, #tpu.memory_space<hbm>>, %arg11: memref<128xi32, #tpu.memory_space<vmem>>, %arg12: memref<128xi32, #tpu.memory_space<vmem>>, %arg13: memref<128x128xi32, #tpu.memory_space<vmem>>, %arg14: memref<128x128xi32, #tpu.memory_space<vmem>>, %arg15: memref<64x128xf32, #tpu.memory_space<vmem>>, %arg16: memref<128x64xf32, #tpu.memory_space<vmem>>, %arg17: memref<128x64xf32, #tpu.memory_space<vmem>>, %arg18: memref<128x64xf32, #tpu.memory_space<vmem>>, %arg19: memref<128xf32, #tpu.memory_space<vmem>>, %arg20: memref<208x64xf32, #tpu.memory_space<vmem>>, %arg21: memref<208x64xf32, #tpu.memory_space<vmem>>, %arg22: memref<208xf32, #tpu.memory_space<vmem>>, %arg23: memref<208xf32, #tpu.memory_space<vmem>>, %arg24: memref<!tpu.dma_semaphore, #tpu.memory_space<semaphore_mem>>, %arg25: memref<!tpu.dma_semaphore, #tpu.memory_space<semaphore_mem>>, %arg26: memref<!tpu.dma_semaphore, #tpu.memory_space<semaphore_mem>>, %arg27: memref<!tpu.dma_semaphore, #tpu.memory_space<semaphore_mem>>, %arg28: memref<!tpu.dma_semaphore, #tpu.memory_space<semaphore_mem>>) attributes {dimension_semantics = [#tpu.dimension_semantics<core_parallel>, #tpu.dimension_semantics<subcore_parallel>], iteration_bounds = array<i64: 2, 16>, scalar_prefetch = 0 : i64, scratch_operands = 18 : i64, tpu.core_type = #tpu.core_type<sc_vector_subcore>, window_params = [{transform_indices = #map}, {transform_indices = #map}, {transform_indices = #map1}, {transform_indices = #map1}, {transform_indices = #map1}, {transform_indices = #map1}, {transform_indices = #map}, {transform_indices = #map1}, {transform_indices = #map1}]} {
    %mul3A = arith.constant 2 : i32
    %mul3A_0 = arith.muli %arg1, %mul3A : i32
    %add3A = arith.addi %mul3A_0, %arg0 : i32
    %mul3A_1 = arith.constant 128 : i32
    %mul3A_2 = arith.muli %add3A, %mul3A_1 : i32
    "tpu.region"() ({
      %run_scoped3A = tpu.sem_alloc : memref<!tpu.dma_semaphore, #tpu.memory_space<semaphore_mem>>
      %dma_start3A_130 = tpu.memref_slice %arg2[%mul3A_2] : memref<4096xi32, #tpu.memory_space<hbm>> -> memref<128xi32, #tpu.memory_space<hbm>>
      %dma_start3A_131 = tpu.memref_slice %arg2[%mul3A_2] : memref<4096xi32, #tpu.memory_space<hbm>> -> memref<128xi32, #tpu.memory_space<hbm>>
      tpu.enqueue_dma source(%dma_start3A_131 : memref<128xi32, #tpu.memory_space<hbm>>) target(%arg11 : memref<128xi32, #tpu.memory_space<vmem>>) target_semaphore(%run_scoped3A : memref<!tpu.dma_semaphore, #tpu.memory_space<semaphore_mem>>)
      %dma_wait3A_132 = tpu.memref_slice %arg2[%mul3A_2] : memref<4096xi32, #tpu.memory_space<hbm>> -> memref<128xi32, #tpu.memory_space<hbm>>
      %dma_wait3A_133 = tpu.memref_slice %arg2[%mul3A_2] : memref<4096xi32, #tpu.memory_space<hbm>> -> memref<128xi32, #tpu.memory_space<hbm>>
      tpu.wait_dma2 semaphore(%run_scoped3A : memref<!tpu.dma_semaphore, #tpu.memory_space<semaphore_mem>>) src(%dma_wait3A_133 : memref<128xi32, #tpu.memory_space<hbm>>) dst(%arg11 : memref<128xi32, #tpu.memory_space<vmem>>)
      tpu.yield
    }) : () -> ()
    "tpu.region"() ({
      %run_scoped3A = tpu.sem_alloc : memref<!tpu.dma_semaphore, #tpu.memory_space<semaphore_mem>>
      %dma_start3A_130 = tpu.memref_slice %arg3[%mul3A_2] : memref<4096xi32, #tpu.memory_space<hbm>> -> memref<128xi32, #tpu.memory_space<hbm>>
      %dma_start3A_131 = tpu.memref_slice %arg3[%mul3A_2] : memref<4096xi32, #tpu.memory_space<hbm>> -> memref<128xi32, #tpu.memory_space<hbm>>
      tpu.enqueue_dma source(%dma_start3A_131 : memref<128xi32, #tpu.memory_space<hbm>>) target(%arg12 : memref<128xi32, #tpu.memory_space<vmem>>) target_semaphore(%run_scoped3A : memref<!tpu.dma_semaphore, #tpu.memory_space<semaphore_mem>>)
      %dma_wait3A_132 = tpu.memref_slice %arg3[%mul3A_2] : memref<4096xi32, #tpu.memory_space<hbm>> -> memref<128xi32, #tpu.memory_space<hbm>>
      %dma_wait3A_133 = tpu.memref_slice %arg3[%mul3A_2] : memref<4096xi32, #tpu.memory_space<hbm>> -> memref<128xi32, #tpu.memory_space<hbm>>
      tpu.wait_dma2 semaphore(%run_scoped3A : memref<!tpu.dma_semaphore, #tpu.memory_space<semaphore_mem>>) src(%dma_wait3A_133 : memref<128xi32, #tpu.memory_space<hbm>>) dst(%arg12 : memref<128xi32, #tpu.memory_space<vmem>>)
      tpu.yield
    }) : () -> ()
    "tpu.region"() ({
      %run_scoped3A = tpu.sem_alloc : memref<!tpu.dma_semaphore, #tpu.memory_space<semaphore_mem>>
      %dma_start3A_130 = arith.constant 0 : i32
      %dma_start3A_131 = tpu.memref_slice %arg4[%mul3A_2, %dma_start3A_130] : memref<4096x128xi32, #tpu.memory_space<hbm>> -> memref<128x128xi32, #tpu.memory_space<hbm>>
      %dma_start3A_132 = arith.constant 0 : i32
      %dma_start3A_133 = tpu.memref_slice %arg4[%mul3A_2, %dma_start3A_132] : memref<4096x128xi32, #tpu.memory_space<hbm>> -> memref<128x128xi32, #tpu.memory_space<hbm>>
      tpu.enqueue_dma source(%dma_start3A_133 : memref<128x128xi32, #tpu.memory_space<hbm>>) target(%arg13 : memref<128x128xi32, #tpu.memory_space<vmem>>) target_semaphore(%run_scoped3A : memref<!tpu.dma_semaphore, #tpu.memory_space<semaphore_mem>>)
      %dma_wait3A_134 = arith.constant 0 : i32
      %dma_wait3A_135 = tpu.memref_slice %arg4[%mul3A_2, %dma_wait3A_134] : memref<4096x128xi32, #tpu.memory_space<hbm>> -> memref<128x128xi32, #tpu.memory_space<hbm>>
      %dma_wait3A_136 = arith.constant 0 : i32
      %dma_wait3A_137 = tpu.memref_slice %arg4[%mul3A_2, %dma_wait3A_136] : memref<4096x128xi32, #tpu.memory_space<hbm>> -> memref<128x128xi32, #tpu.memory_space<hbm>>
      tpu.wait_dma2 semaphore(%run_scoped3A : memref<!tpu.dma_semaphore, #tpu.memory_space<semaphore_mem>>) src(%dma_wait3A_137 : memref<128x128xi32, #tpu.memory_space<hbm>>) dst(%arg13 : memref<128x128xi32, #tpu.memory_space<vmem>>)
      tpu.yield
    }) : () -> ()
    "tpu.region"() ({
      %run_scoped3A = tpu.sem_alloc : memref<!tpu.dma_semaphore, #tpu.memory_space<semaphore_mem>>
      %dma_start3A_130 = arith.constant 0 : i32
      %dma_start3A_131 = tpu.memref_slice %arg5[%mul3A_2, %dma_start3A_130] : memref<4096x128xi32, #tpu.memory_space<hbm>> -> memref<128x128xi32, #tpu.memory_space<hbm>>
      %dma_start3A_132 = arith.constant 0 : i32
      %dma_start3A_133 = tpu.memref_slice %arg5[%mul3A_2, %dma_start3A_132] : memref<4096x128xi32, #tpu.memory_space<hbm>> -> memref<128x128xi32, #tpu.memory_space<hbm>>
      tpu.enqueue_dma source(%dma_start3A_133 : memref<128x128xi32, #tpu.memory_space<hbm>>) target(%arg14 : memref<128x128xi32, #tpu.memory_space<vmem>>) target_semaphore(%run_scoped3A : memref<!tpu.dma_semaphore, #tpu.memory_space<semaphore_mem>>)
      %dma_wait3A_134 = arith.constant 0 : i32
      %dma_wait3A_135 = tpu.memref_slice %arg5[%mul3A_2, %dma_wait3A_134] : memref<4096x128xi32, #tpu.memory_space<hbm>> -> memref<128x128xi32, #tpu.memory_space<hbm>>
      %dma_wait3A_136 = arith.constant 0 : i32
      %dma_wait3A_137 = tpu.memref_slice %arg5[%mul3A_2, %dma_wait3A_136] : memref<4096x128xi32, #tpu.memory_space<hbm>> -> memref<128x128xi32, #tpu.memory_space<hbm>>
      tpu.wait_dma2 semaphore(%run_scoped3A : memref<!tpu.dma_semaphore, #tpu.memory_space<semaphore_mem>>) src(%dma_wait3A_137 : memref<128x128xi32, #tpu.memory_space<hbm>>) dst(%arg14 : memref<128x128xi32, #tpu.memory_space<vmem>>)
      tpu.yield
    }) : () -> ()
    %jit3A = arith.constant 2 : i32
    %div3A = arith.divsi %mul3A_2, %jit3A : i32
    %sign3A = arith.constant 0 : i32
    %sign3A_3 = arith.cmpi sgt, %mul3A_2, %sign3A : i32
    %sign3A_4 = arith.extui %sign3A_3 : i1 to i32
    %sign3A_5 = arith.constant 0 : i32
    %sign3A_6 = arith.cmpi slt, %mul3A_2, %sign3A_5 : i32
    %sign3A_7 = arith.extui %sign3A_6 : i1 to i32
    %sign3A_8 = arith.subi %sign3A_4, %sign3A_7 : i32
    %sign3A_9 = arith.constant 0 : i32
    %sign3A_10 = arith.cmpi sgt, %jit3A, %sign3A_9 : i32
    %sign3A_11 = arith.extui %sign3A_10 : i1 to i32
    %sign3A_12 = arith.constant 0 : i32
    %sign3A_13 = arith.cmpi slt, %jit3A, %sign3A_12 : i32
    %sign3A_14 = arith.extui %sign3A_13 : i1 to i32
    %sign3A_15 = arith.subi %sign3A_11, %sign3A_14 : i32
    %ne3A = arith.cmpi ne, %sign3A_8, %sign3A_15 : i32
    %rem3A = arith.remsi %mul3A_2, %jit3A : i32
    %ne3A_16 = arith.constant 0 : i32
    %ne3A_17 = arith.cmpi ne, %rem3A, %ne3A_16 : i32
    %and3A = arith.andi %ne3A, %ne3A_17 : i1
    %sub3A = arith.constant 1 : i32
    %sub3A_18 = arith.subi %div3A, %sub3A : i32
    %select_n3A = arith.select %and3A, %sub3A_18, %div3A : i32
    "tpu.region"() ({
      %run_scoped3A = tpu.sem_alloc : memref<!tpu.dma_semaphore, #tpu.memory_space<semaphore_mem>>
      %dma_start3A_130 = arith.constant 0 : i32
      %dma_start3A_131 = tpu.memref_slice %arg7[%select_n3A, %dma_start3A_130] : memref<2048x128xf32, #tpu.memory_space<hbm>> -> memref<64x128xf32, #tpu.memory_space<hbm>>
      %dma_start3A_132 = arith.constant 0 : i32
      %dma_start3A_133 = tpu.memref_slice %arg7[%select_n3A, %dma_start3A_132] : memref<2048x128xf32, #tpu.memory_space<hbm>> -> memref<64x128xf32, #tpu.memory_space<hbm>>
      tpu.enqueue_dma source(%dma_start3A_133 : memref<64x128xf32, #tpu.memory_space<hbm>>) target(%arg15 : memref<64x128xf32, #tpu.memory_space<vmem>>) target_semaphore(%run_scoped3A : memref<!tpu.dma_semaphore, #tpu.memory_space<semaphore_mem>>)
      %dma_wait3A_134 = arith.constant 0 : i32
      %dma_wait3A_135 = tpu.memref_slice %arg7[%select_n3A, %dma_wait3A_134] : memref<2048x128xf32, #tpu.memory_space<hbm>> -> memref<64x128xf32, #tpu.memory_space<hbm>>
      %dma_wait3A_136 = arith.constant 0 : i32
      %dma_wait3A_137 = tpu.memref_slice %arg7[%select_n3A, %dma_wait3A_136] : memref<2048x128xf32, #tpu.memory_space<hbm>> -> memref<64x128xf32, #tpu.memory_space<hbm>>
      tpu.wait_dma2 semaphore(%run_scoped3A : memref<!tpu.dma_semaphore, #tpu.memory_space<semaphore_mem>>) src(%dma_wait3A_137 : memref<64x128xf32, #tpu.memory_space<hbm>>) dst(%arg15 : memref<64x128xf32, #tpu.memory_space<vmem>>)
      tpu.yield
    }) : () -> ()
    %dma_start3A = arith.constant 0 : i32
    %dma_start3A_19 = arith.constant 0 : i32
    %dma_start3A_20 = tpu.memref_slice %arg6[%dma_start3A, %dma_start3A_19] : memref<1000000x64xf32, #tpu.memory_space<hbm>> -> memref<1000000x64xf32, #tpu.memory_space<hbm>>
    tpu.enqueue_indirect_dma source(%dma_start3A_20 : memref<1000000x64xf32, #tpu.memory_space<hbm>>) target(%arg16 : memref<128x64xf32, #tpu.memory_space<vmem>>) offsets(%arg11 : memref<128xi32, #tpu.memory_space<vmem>>) semaphore(%arg24 : memref<!tpu.dma_semaphore, #tpu.memory_space<semaphore_mem>>)
    %dma_start3A_21 = arith.constant 0 : i32
    %dma_start3A_22 = arith.constant 0 : i32
    %dma_start3A_23 = tpu.memref_slice %arg6[%dma_start3A_21, %dma_start3A_22] : memref<1000000x64xf32, #tpu.memory_space<hbm>> -> memref<1000000x64xf32, #tpu.memory_space<hbm>>
    tpu.enqueue_indirect_dma source(%dma_start3A_23 : memref<1000000x64xf32, #tpu.memory_space<hbm>>) target(%arg17 : memref<128x64xf32, #tpu.memory_space<vmem>>) offsets(%arg12 : memref<128xi32, #tpu.memory_space<vmem>>) semaphore(%arg24 : memref<!tpu.dma_semaphore, #tpu.memory_space<semaphore_mem>>)
    %dma_start3A_24 = arith.constant 0 : i32
    %dma_start3A_25 = arith.constant 0 : i32
    %dma_start3A_26 = arith.constant 0 : i32
    %dma_start3A_27 = tpu.memref_slice %arg20[%dma_start3A_25, %dma_start3A_26] : memref<208x64xf32, #tpu.memory_space<vmem>> -> memref<128x64xf32, #tpu.memory_space<vmem>>
    %dma_start3A_28 = arith.constant 0 : i32
    %dma_start3A_29 = tpu.memref_slice %arg13[%dma_start3A_24, %dma_start3A_28] : memref<128x128xi32, #tpu.memory_space<vmem>> -> memref<1x128xi32, #tpu.memory_space<vmem>>
    %dma_start3A_30 = tpu.memref_squeeze %dma_start3A_29 : memref<1x128xi32, #tpu.memory_space<vmem>> -> memref<128xi32, #tpu.memory_space<vmem>>
    %dma_start3A_31 = arith.constant 0 : i32
    %dma_start3A_32 = arith.constant 0 : i32
    %dma_start3A_33 = tpu.memref_slice %arg6[%dma_start3A_31, %dma_start3A_32] : memref<1000000x64xf32, #tpu.memory_space<hbm>> -> memref<1000000x64xf32, #tpu.memory_space<hbm>>
    tpu.enqueue_indirect_dma source(%dma_start3A_33 : memref<1000000x64xf32, #tpu.memory_space<hbm>>) target(%dma_start3A_27 : memref<128x64xf32, #tpu.memory_space<vmem>>) offsets(%dma_start3A_30 : memref<128xi32, #tpu.memory_space<vmem>>) semaphore(%arg25 : memref<!tpu.dma_semaphore, #tpu.memory_space<semaphore_mem>>)
    %dma_start3A_34 = arith.constant 0 : i32
    %dma_start3A_35 = arith.constant 128 : i32
    %dma_start3A_36 = arith.constant 0 : i32
    %dma_start3A_37 = tpu.memref_slice %arg20[%dma_start3A_35, %dma_start3A_36] : memref<208x64xf32, #tpu.memory_space<vmem>> -> memref<72x64xf32, #tpu.memory_space<vmem>>
    %dma_start3A_38 = arith.constant 56 : i32
    %dma_start3A_39 = tpu.memref_slice %arg14[%dma_start3A_34, %dma_start3A_38] : memref<128x128xi32, #tpu.memory_space<vmem>> -> memref<1x72xi32, #tpu.memory_space<vmem>>
    %dma_start3A_40 = tpu.memref_squeeze %dma_start3A_39 : memref<1x72xi32, #tpu.memory_space<vmem>> -> memref<72xi32, #tpu.memory_space<vmem>>
    %dma_start3A_41 = arith.constant 0 : i32
    %dma_start3A_42 = arith.constant 0 : i32
    %dma_start3A_43 = tpu.memref_slice %arg6[%dma_start3A_41, %dma_start3A_42] : memref<1000000x64xf32, #tpu.memory_space<hbm>> -> memref<1000000x64xf32, #tpu.memory_space<hbm>>
    tpu.enqueue_indirect_dma source(%dma_start3A_43 : memref<1000000x64xf32, #tpu.memory_space<hbm>>) target(%dma_start3A_37 : memref<72x64xf32, #tpu.memory_space<vmem>>) offsets(%dma_start3A_40 : memref<72xi32, #tpu.memory_space<vmem>>) semaphore(%arg25 : memref<!tpu.dma_semaphore, #tpu.memory_space<semaphore_mem>>)
    %dma_start3A_44 = arith.constant 1 : i32
    %dma_start3A_45 = arith.constant 0 : i32
    %dma_start3A_46 = arith.constant 0 : i32
    %dma_start3A_47 = tpu.memref_slice %arg21[%dma_start3A_45, %dma_start3A_46] : memref<208x64xf32, #tpu.memory_space<vmem>> -> memref<128x64xf32, #tpu.memory_space<vmem>>
    %dma_start3A_48 = arith.constant 0 : i32
    %dma_start3A_49 = tpu.memref_slice %arg13[%dma_start3A_44, %dma_start3A_48] : memref<128x128xi32, #tpu.memory_space<vmem>> -> memref<1x128xi32, #tpu.memory_space<vmem>>
    %dma_start3A_50 = tpu.memref_squeeze %dma_start3A_49 : memref<1x128xi32, #tpu.memory_space<vmem>> -> memref<128xi32, #tpu.memory_space<vmem>>
    %dma_start3A_51 = arith.constant 0 : i32
    %dma_start3A_52 = arith.constant 0 : i32
    %dma_start3A_53 = tpu.memref_slice %arg6[%dma_start3A_51, %dma_start3A_52] : memref<1000000x64xf32, #tpu.memory_space<hbm>> -> memref<1000000x64xf32, #tpu.memory_space<hbm>>
    tpu.enqueue_indirect_dma source(%dma_start3A_53 : memref<1000000x64xf32, #tpu.memory_space<hbm>>) target(%dma_start3A_47 : memref<128x64xf32, #tpu.memory_space<vmem>>) offsets(%dma_start3A_50 : memref<128xi32, #tpu.memory_space<vmem>>) semaphore(%arg26 : memref<!tpu.dma_semaphore, #tpu.memory_space<semaphore_mem>>)
    %dma_start3A_54 = arith.constant 1 : i32
    %dma_start3A_55 = arith.constant 128 : i32
    %dma_start3A_56 = arith.constant 0 : i32
    %dma_start3A_57 = tpu.memref_slice %arg21[%dma_start3A_55, %dma_start3A_56] : memref<208x64xf32, #tpu.memory_space<vmem>> -> memref<72x64xf32, #tpu.memory_space<vmem>>
    %dma_start3A_58 = arith.constant 56 : i32
    %dma_start3A_59 = tpu.memref_slice %arg14[%dma_start3A_54, %dma_start3A_58] : memref<128x128xi32, #tpu.memory_space<vmem>> -> memref<1x72xi32, #tpu.memory_space<vmem>>
    %dma_start3A_60 = tpu.memref_squeeze %dma_start3A_59 : memref<1x72xi32, #tpu.memory_space<vmem>> -> memref<72xi32, #tpu.memory_space<vmem>>
    %dma_start3A_61 = arith.constant 0 : i32
    %dma_start3A_62 = arith.constant 0 : i32
    %dma_start3A_63 = tpu.memref_slice %arg6[%dma_start3A_61, %dma_start3A_62] : memref<1000000x64xf32, #tpu.memory_space<hbm>> -> memref<1000000x64xf32, #tpu.memory_space<hbm>>
    tpu.enqueue_indirect_dma source(%dma_start3A_63 : memref<1000000x64xf32, #tpu.memory_space<hbm>>) target(%dma_start3A_57 : memref<72x64xf32, #tpu.memory_space<vmem>>) offsets(%dma_start3A_60 : memref<72xi32, #tpu.memory_space<vmem>>) semaphore(%arg26 : memref<!tpu.dma_semaphore, #tpu.memory_space<semaphore_mem>>)
    %dma_wait3A = arith.constant 0 : i32
    %dma_wait3A_64 = arith.constant 0 : i32
    %dma_wait3A_65 = tpu.memref_slice %arg6[%dma_wait3A, %dma_wait3A_64] : memref<1000000x64xf32, #tpu.memory_space<hbm>> -> memref<1000000x64xf32, #tpu.memory_space<hbm>>
    tpu.wait_indirect_dma semaphore(%arg24 : memref<!tpu.dma_semaphore, #tpu.memory_space<semaphore_mem>>) src(%dma_wait3A_65 : memref<1000000x64xf32, #tpu.memory_space<hbm>>) dst(%arg16 : memref<128x64xf32, #tpu.memory_space<vmem>>)
    %dma_wait3A_66 = arith.constant 0 : i32
    %dma_wait3A_67 = arith.constant 0 : i32
    %dma_wait3A_68 = tpu.memref_slice %arg6[%dma_wait3A_66, %dma_wait3A_67] : memref<1000000x64xf32, #tpu.memory_space<hbm>> -> memref<1000000x64xf32, #tpu.memory_space<hbm>>
    tpu.wait_indirect_dma semaphore(%arg24 : memref<!tpu.dma_semaphore, #tpu.memory_space<semaphore_mem>>) src(%dma_wait3A_68 : memref<1000000x64xf32, #tpu.memory_space<hbm>>) dst(%arg17 : memref<128x64xf32, #tpu.memory_space<vmem>>)
    %iota3A = tpu.iota {dimensions = array<i32: 0>} : vector<16xi32>
    %scan3A = arith.constant 0 : i32
    %scan3A_69 = arith.constant 0 : i32
    %scan3A_70 = arith.constant 64 : i32
    %scan3A_71 = arith.addi %scan3A_69, %scan3A_70 : i32
    %scan3A_72 = arith.constant 4 : i32
    scf.for %scan3A_130 = %scan3A_69 to %scan3A_71 step %scan3A_72  : i32 {
      %mul3A_131 = arith.constant 2 : i32
      %mul3A_132 = arith.muli %mul3A_131, %scan3A_130 : i32
      %add3A_133 = arith.constant 0 : i32
      %add3A_134 = arith.addi %mul3A_132, %add3A_133 : i32
      %get3A = arith.index_cast %add3A_134 : i32 to index
      %get3A_135 = arith.constant 0 : index
      %get3A_136 = tpu.vector_load %arg16[%get3A, %get3A_135] {strides = array<i32>} : memref<128x64xf32, #tpu.memory_space<vmem>>, vector<16xf32>,
      %get3A_137 = arith.index_cast %scan3A_130 : i32 to index
      %get3A_138 = arith.constant 0 : index
      %get3A_139 = tpu.vector_load %arg15[%get3A_137, %get3A_138] {strides = array<i32>} : memref<64x128xf32, #tpu.memory_space<vmem>>, vector<16xf32>,
      %mul3A_140 = arith.mulf %get3A_136, %get3A_139 : vector<16xf32>
      %swap3A = arith.index_cast %add3A_134 : i32 to index
      %swap3A_141 = arith.constant 0 : index
      %swap3A_142 = tpu.vector_load %arg18[%swap3A, %swap3A_141] {strides = array<i32>} : memref<128x64xf32, #tpu.memory_space<vmem>>, vector<16xf32>,
      tpu.vector_store %arg18[%swap3A, %swap3A_141], %mul3A_140 {strides = array<i32>} : memref<128x64xf32, #tpu.memory_space<vmem>>, vector<16xf32>,
      %get3A_143 = arith.index_cast %add3A_134 : i32 to index
      %get3A_144 = arith.constant 16 : index
      %get3A_145 = tpu.vector_load %arg16[%get3A_143, %get3A_144] {strides = array<i32>} : memref<128x64xf32, #tpu.memory_space<vmem>>, vector<16xf32>,
      %get3A_146 = arith.index_cast %scan3A_130 : i32 to index
      %get3A_147 = arith.constant 16 : index
      %get3A_148 = tpu.vector_load %arg15[%get3A_146, %get3A_147] {strides = array<i32>} : memref<64x128xf32, #tpu.memory_space<vmem>>, vector<16xf32>,
      %mul3A_149 = arith.mulf %get3A_145, %get3A_148 : vector<16xf32>
      %swap3A_150 = arith.index_cast %add3A_134 : i32 to index
      %swap3A_151 = arith.constant 16 : index
      %swap3A_152 = tpu.vector_load %arg18[%swap3A_150, %swap3A_151] {strides = array<i32>} : memref<128x64xf32, #tpu.memory_space<vmem>>, vector<16xf32>,
      tpu.vector_store %arg18[%swap3A_150, %swap3A_151], %mul3A_149 {strides = array<i32>} : memref<128x64xf32, #tpu.memory_space<vmem>>, vector<16xf32>,
      %get3A_153 = arith.index_cast %add3A_134 : i32 to index
      %get3A_154 = arith.constant 32 : index
      %get3A_155 = tpu.vector_load %arg16[%get3A_153, %get3A_154] {strides = array<i32>} : memref<128x64xf32, #tpu.memory_space<vmem>>, vector<16xf32>,
      %get3A_156 = arith.index_cast %scan3A_130 : i32 to index
      %get3A_157 = arith.constant 32 : index
      %get3A_158 = tpu.vector_load %arg15[%get3A_156, %get3A_157] {strides = array<i32>} : memref<64x128xf32, #tpu.memory_space<vmem>>, vector<16xf32>,
      %mul3A_159 = arith.mulf %get3A_155, %get3A_158 : vector<16xf32>
      %swap3A_160 = arith.index_cast %add3A_134 : i32 to index
      %swap3A_161 = arith.constant 32 : index
      %swap3A_162 = tpu.vector_load %arg18[%swap3A_160, %swap3A_161] {strides = array<i32>} : memref<128x64xf32, #tpu.memory_space<vmem>>, vector<16xf32>,
      tpu.vector_store %arg18[%swap3A_160, %swap3A_161], %mul3A_159 {strides = array<i32>} : memref<128x64xf32, #tpu.memory_space<vmem>>, vector<16xf32>,
      %get3A_163 = arith.index_cast %add3A_134 : i32 to index
      %get3A_164 = arith.constant 48 : index
      %get3A_165 = tpu.vector_load %arg16[%get3A_163, %get3A_164] {strides = array<i32>} : memref<128x64xf32, #tpu.memory_space<vmem>>, vector<16xf32>,
      %get3A_166 = arith.index_cast %scan3A_130 : i32 to index
      %get3A_167 = arith.constant 48 : index
      %get3A_168 = tpu.vector_load %arg15[%get3A_166, %get3A_167] {strides = array<i32>} : memref<64x128xf32, #tpu.memory_space<vmem>>, vector<16xf32>,
      %mul3A_169 = arith.mulf %get3A_165, %get3A_168 : vector<16xf32>
      %swap3A_170 = arith.index_cast %add3A_134 : i32 to index
      %swap3A_171 = arith.constant 48 : index
      %swap3A_172 = tpu.vector_load %arg18[%swap3A_170, %swap3A_171] {strides = array<i32>} : memref<128x64xf32, #tpu.memory_space<vmem>>, vector<16xf32>,
      tpu.vector_store %arg18[%swap3A_170, %swap3A_171], %mul3A_169 {strides = array<i32>} : memref<128x64xf32, #tpu.memory_space<vmem>>, vector<16xf32>,
      %mul3A_173 = arith.constant 2 : i32
      %mul3A_174 = arith.muli %mul3A_173, %scan3A_130 : i32
      %add3A_175 = arith.constant 1 : i32
      %add3A_176 = arith.addi %mul3A_174, %add3A_175 : i32
      %get3A_177 = arith.index_cast %add3A_176 : i32 to index
      %get3A_178 = arith.constant 0 : index
      %get3A_179 = tpu.vector_load %arg16[%get3A_177, %get3A_178] {strides = array<i32>} : memref<128x64xf32, #tpu.memory_space<vmem>>, vector<16xf32>,
      %get3A_180 = arith.index_cast %scan3A_130 : i32 to index
      %get3A_181 = arith.constant 64 : index
      %get3A_182 = tpu.vector_load %arg15[%get3A_180, %get3A_181] {strides = array<i32>} : memref<64x128xf32, #tpu.memory_space<vmem>>, vector<16xf32>,
      %mul3A_183 = arith.mulf %get3A_179, %get3A_182 : vector<16xf32>
      %swap3A_184 = arith.index_cast %add3A_176 : i32 to index
      %swap3A_185 = arith.constant 0 : index
      %swap3A_186 = tpu.vector_load %arg18[%swap3A_184, %swap3A_185] {strides = array<i32>} : memref<128x64xf32, #tpu.memory_space<vmem>>, vector<16xf32>,
      tpu.vector_store %arg18[%swap3A_184, %swap3A_185], %mul3A_183 {strides = array<i32>} : memref<128x64xf32, #tpu.memory_space<vmem>>, vector<16xf32>,
      %get3A_187 = arith.index_cast %add3A_176 : i32 to index
      %get3A_188 = arith.constant 16 : index
      %get3A_189 = tpu.vector_load %arg16[%get3A_187, %get3A_188] {strides = array<i32>} : memref<128x64xf32, #tpu.memory_space<vmem>>, vector<16xf32>,
      %get3A_190 = arith.index_cast %scan3A_130 : i32 to index
      %get3A_191 = arith.constant 80 : index
      %get3A_192 = tpu.vector_load %arg15[%get3A_190, %get3A_191] {strides = array<i32>} : memref<64x128xf32, #tpu.memory_space<vmem>>, vector<16xf32>,
      %mul3A_193 = arith.mulf %get3A_189, %get3A_192 : vector<16xf32>
      %swap3A_194 = arith.index_cast %add3A_176 : i32 to index
      %swap3A_195 = arith.constant 16 : index
      %swap3A_196 = tpu.vector_load %arg18[%swap3A_194, %swap3A_195] {strides = array<i32>} : memref<128x64xf32, #tpu.memory_space<vmem>>, vector<16xf32>,
      tpu.vector_store %arg18[%swap3A_194, %swap3A_195], %mul3A_193 {strides = array<i32>} : memref<128x64xf32, #tpu.memory_space<vmem>>, vector<16xf32>,
      %get3A_197 = arith.index_cast %add3A_176 : i32 to index
      %get3A_198 = arith.constant 32 : index
      %get3A_199 = tpu.vector_load %arg16[%get3A_197, %get3A_198] {strides = array<i32>} : memref<128x64xf32, #tpu.memory_space<vmem>>, vector<16xf32>,
      %get3A_200 = arith.index_cast %scan3A_130 : i32 to index
      %get3A_201 = arith.constant 96 : index
      %get3A_202 = tpu.vector_load %arg15[%get3A_200, %get3A_201] {strides = array<i32>} : memref<64x128xf32, #tpu.memory_space<vmem>>, vector<16xf32>,
      %mul3A_203 = arith.mulf %get3A_199, %get3A_202 : vector<16xf32>
      %swap3A_204 = arith.index_cast %add3A_176 : i32 to index
      %swap3A_205 = arith.constant 32 : index
      %swap3A_206 = tpu.vector_load %arg18[%swap3A_204, %swap3A_205] {strides = array<i32>} : memref<128x64xf32, #tpu.memory_space<vmem>>, vector<16xf32>,
      tpu.vector_store %arg18[%swap3A_204, %swap3A_205], %mul3A_203 {strides = array<i32>} : memref<128x64xf32, #tpu.memory_space<vmem>>, vector<16xf32>,
      %get3A_207 = arith.index_cast %add3A_176 : i32 to index
      %get3A_208 = arith.constant 48 : index
      %get3A_209 = tpu.vector_load %arg16[%get3A_207, %get3A_208] {strides = array<i32>} : memref<128x64xf32, #tpu.memory_space<vmem>>, vector<16xf32>,
      %get3A_210 = arith.index_cast %scan3A_130 : i32 to index
      %get3A_211 = arith.constant 112 : index
      %get3A_212 = tpu.vector_load %arg15[%get3A_210, %get3A_211] {strides = array<i32>} : memref<64x128xf32, #tpu.memory_space<vmem>>, vector<16xf32>,
      %mul3A_213 = arith.mulf %get3A_209, %get3A_212 : vector<16xf32>
      %swap3A_214 = arith.index_cast %add3A_176 : i32 to index
      %swap3A_215 = arith.constant 48 : index
      %swap3A_216 = tpu.vector_load %arg18[%swap3A_214, %swap3A_215] {strides = array<i32>} : memref<128x64xf32, #tpu.memory_space<vmem>>, vector<16xf32>,
      tpu.vector_store %arg18[%swap3A_214, %swap3A_215], %mul3A_213 {strides = array<i32>} : memref<128x64xf32, #tpu.memory_space<vmem>>, vector<16xf32>,
      %scan3A_217 = arith.constant 1 : i32
      %scan3A_218 = arith.addi %scan3A_130, %scan3A_217 : i32
      %mul3A_219 = arith.constant 2 : i32
      %mul3A_220 = arith.muli %mul3A_219, %scan3A_218 : i32
      %add3A_221 = arith.constant 0 : i32
      %add3A_222 = arith.addi %mul3A_220, %add3A_221 : i32
      %get3A_223 = arith.index_cast %add3A_222 : i32 to index
      %get3A_224 = arith.constant 0 : index
      %get3A_225 = tpu.vector_load %arg16[%get3A_223, %get3A_224] {strides = array<i32>} : memref<128x64xf32, #tpu.memory_space<vmem>>, vector<16xf32>,
      %get3A_226 = arith.index_cast %scan3A_218 : i32 to index
      %get3A_227 = arith.constant 0 : index
      %get3A_228 = tpu.vector_load %arg15[%get3A_226, %get3A_227] {strides = array<i32>} : memref<64x128xf32, #tpu.memory_space<vmem>>, vector<16xf32>,
      %mul3A_229 = arith.mulf %get3A_225, %get3A_228 : vector<16xf32>
      %swap3A_230 = arith.index_cast %add3A_222 : i32 to index
      %swap3A_231 = arith.constant 0 : index
      %swap3A_232 = tpu.vector_load %arg18[%swap3A_230, %swap3A_231] {strides = array<i32>} : memref<128x64xf32, #tpu.memory_space<vmem>>, vector<16xf32>,
      tpu.vector_store %arg18[%swap3A_230, %swap3A_231], %mul3A_229 {strides = array<i32>} : memref<128x64xf32, #tpu.memory_space<vmem>>, vector<16xf32>,
      %get3A_233 = arith.index_cast %add3A_222 : i32 to index
      %get3A_234 = arith.constant 16 : index
      %get3A_235 = tpu.vector_load %arg16[%get3A_233, %get3A_234] {strides = array<i32>} : memref<128x64xf32, #tpu.memory_space<vmem>>, vector<16xf32>,
      %get3A_236 = arith.index_cast %scan3A_218 : i32 to index
      %get3A_237 = arith.constant 16 : index
      %get3A_238 = tpu.vector_load %arg15[%get3A_236, %get3A_237] {strides = array<i32>} : memref<64x128xf32, #tpu.memory_space<vmem>>, vector<16xf32>,
      %mul3A_239 = arith.mulf %get3A_235, %get3A_238 : vector<16xf32>
      %swap3A_240 = arith.index_cast %add3A_222 : i32 to index
      %swap3A_241 = arith.constant 16 : index
      %swap3A_242 = tpu.vector_load %arg18[%swap3A_240, %swap3A_241] {strides = array<i32>} : memref<128x64xf32, #tpu.memory_space<vmem>>, vector<16xf32>,
      tpu.vector_store %arg18[%swap3A_240, %swap3A_241], %mul3A_239 {strides = array<i32>} : memref<128x64xf32, #tpu.memory_space<vmem>>, vector<16xf32>,
      %get3A_243 = arith.index_cast %add3A_222 : i32 to index
      %get3A_244 = arith.constant 32 : index
      %get3A_245 = tpu.vector_load %arg16[%get3A_243, %get3A_244] {strides = array<i32>} : memref<128x64xf32, #tpu.memory_space<vmem>>, vector<16xf32>,
      %get3A_246 = arith.index_cast %scan3A_218 : i32 to index
      %get3A_247 = arith.constant 32 : index
      %get3A_248 = tpu.vector_load %arg15[%get3A_246, %get3A_247] {strides = array<i32>} : memref<64x128xf32, #tpu.memory_space<vmem>>, vector<16xf32>,
      %mul3A_249 = arith.mulf %get3A_245, %get3A_248 : vector<16xf32>
      %swap3A_250 = arith.index_cast %add3A_222 : i32 to index
      %swap3A_251 = arith.constant 32 : index
      %swap3A_252 = tpu.vector_load %arg18[%swap3A_250, %swap3A_251] {strides = array<i32>} : memref<128x64xf32, #tpu.memory_space<vmem>>, vector<16xf32>,
      tpu.vector_store %arg18[%swap3A_250, %swap3A_251], %mul3A_249 {strides = array<i32>} : memref<128x64xf32, #tpu.memory_space<vmem>>, vector<16xf32>,
      %get3A_253 = arith.index_cast %add3A_222 : i32 to index
      %get3A_254 = arith.constant 48 : index
      %get3A_255 = tpu.vector_load %arg16[%get3A_253, %get3A_254] {strides = array<i32>} : memref<128x64xf32, #tpu.memory_space<vmem>>, vector<16xf32>,
      %get3A_256 = arith.index_cast %scan3A_218 : i32 to index
      %get3A_257 = arith.constant 48 : index
      %get3A_258 = tpu.vector_load %arg15[%get3A_256, %get3A_257] {strides = array<i32>} : memref<64x128xf32, #tpu.memory_space<vmem>>, vector<16xf32>,
      %mul3A_259 = arith.mulf %get3A_255, %get3A_258 : vector<16xf32>
      %swap3A_260 = arith.index_cast %add3A_222 : i32 to index
      %swap3A_261 = arith.constant 48 : index
      %swap3A_262 = tpu.vector_load %arg18[%swap3A_260, %swap3A_261] {strides = array<i32>} : memref<128x64xf32, #tpu.memory_space<vmem>>, vector<16xf32>,
      tpu.vector_store %arg18[%swap3A_260, %swap3A_261], %mul3A_259 {strides = array<i32>} : memref<128x64xf32, #tpu.memory_space<vmem>>, vector<16xf32>,
      %mul3A_263 = arith.constant 2 : i32
      %mul3A_264 = arith.muli %mul3A_263, %scan3A_218 : i32
      %add3A_265 = arith.constant 1 : i32
      %add3A_266 = arith.addi %mul3A_264, %add3A_265 : i32
      %get3A_267 = arith.index_cast %add3A_266 : i32 to index
      %get3A_268 = arith.constant 0 : index
      %get3A_269 = tpu.vector_load %arg16[%get3A_267, %get3A_268] {strides = array<i32>} : memref<128x64xf32, #tpu.memory_space<vmem>>, vector<16xf32>,
      %get3A_270 = arith.index_cast %scan3A_218 : i32 to index
      %get3A_271 = arith.constant 64 : index
      %get3A_272 = tpu.vector_load %arg15[%get3A_270, %get3A_271] {strides = array<i32>} : memref<64x128xf32, #tpu.memory_space<vmem>>, vector<16xf32>,
      %mul3A_273 = arith.mulf %get3A_269, %get3A_272 : vector<16xf32>
      %swap3A_274 = arith.index_cast %add3A_266 : i32 to index
      %swap3A_275 = arith.constant 0 : index
      %swap3A_276 = tpu.vector_load %arg18[%swap3A_274, %swap3A_275] {strides = array<i32>} : memref<128x64xf32, #tpu.memory_space<vmem>>, vector<16xf32>,
      tpu.vector_store %arg18[%swap3A_274, %swap3A_275], %mul3A_273 {strides = array<i32>} : memref<128x64xf32, #tpu.memory_space<vmem>>, vector<16xf32>,
      %get3A_277 = arith.index_cast %add3A_266 : i32 to index
      %get3A_278 = arith.constant 16 : index
      %get3A_279 = tpu.vector_load %arg16[%get3A_277, %get3A_278] {strides = array<i32>} : memref<128x64xf32, #tpu.memory_space<vmem>>, vector<16xf32>,
      %get3A_280 = arith.index_cast %scan3A_218 : i32 to index
      %get3A_281 = arith.constant 80 : index
      %get3A_282 = tpu.vector_load %arg15[%get3A_280, %get3A_281] {strides = array<i32>} : memref<64x128xf32, #tpu.memory_space<vmem>>, vector<16xf32>,
      %mul3A_283 = arith.mulf %get3A_279, %get3A_282 : vector<16xf32>
      %swap3A_284 = arith.index_cast %add3A_266 : i32 to index
      %swap3A_285 = arith.constant 16 : index
      %swap3A_286 = tpu.vector_load %arg18[%swap3A_284, %swap3A_285] {strides = array<i32>} : memref<128x64xf32, #tpu.memory_space<vmem>>, vector<16xf32>,
      tpu.vector_store %arg18[%swap3A_284, %swap3A_285], %mul3A_283 {strides = array<i32>} : memref<128x64xf32, #tpu.memory_space<vmem>>, vector<16xf32>,
      %get3A_287 = arith.index_cast %add3A_266 : i32 to index
      %get3A_288 = arith.constant 32 : index
      %get3A_289 = tpu.vector_load %arg16[%get3A_287, %get3A_288] {strides = array<i32>} : memref<128x64xf32, #tpu.memory_space<vmem>>, vector<16xf32>,
      %get3A_290 = arith.index_cast %scan3A_218 : i32 to index
      %get3A_291 = arith.constant 96 : index
      %get3A_292 = tpu.vector_load %arg15[%get3A_290, %get3A_291] {strides = array<i32>} : memref<64x128xf32, #tpu.memory_space<vmem>>, vector<16xf32>,
      %mul3A_293 = arith.mulf %get3A_289, %get3A_292 : vector<16xf32>
      %swap3A_294 = arith.index_cast %add3A_266 : i32 to index
      %swap3A_295 = arith.constant 32 : index
      %swap3A_296 = tpu.vector_load %arg18[%swap3A_294, %swap3A_295] {strides = array<i32>} : memref<128x64xf32, #tpu.memory_space<vmem>>, vector<16xf32>,
      tpu.vector_store %arg18[%swap3A_294, %swap3A_295], %mul3A_293 {strides = array<i32>} : memref<128x64xf32, #tpu.memory_space<vmem>>, vector<16xf32>,
      %get3A_297 = arith.index_cast %add3A_266 : i32 to index
      %get3A_298 = arith.constant 48 : index
      %get3A_299 = tpu.vector_load %arg16[%get3A_297, %get3A_298] {strides = array<i32>} : memref<128x64xf32, #tpu.memory_space<vmem>>, vector<16xf32>,
      %get3A_300 = arith.index_cast %scan3A_218 : i32 to index
      %get3A_301 = arith.constant 112 : index
      %get3A_302 = tpu.vector_load %arg15[%get3A_300, %get3A_301] {strides = array<i32>} : memref<64x128xf32, #tpu.memory_space<vmem>>, vector<16xf32>,
      %mul3A_303 = arith.mulf %get3A_299, %get3A_302 : vector<16xf32>
      %swap3A_304 = arith.index_cast %add3A_266 : i32 to index
      %swap3A_305 = arith.constant 48 : index
      %swap3A_306 = tpu.vector_load %arg18[%swap3A_304, %swap3A_305] {strides = array<i32>} : memref<128x64xf32, #tpu.memory_space<vmem>>, vector<16xf32>,
      tpu.vector_store %arg18[%swap3A_304, %swap3A_305], %mul3A_303 {strides = array<i32>} : memref<128x64xf32, #tpu.memory_space<vmem>>, vector<16xf32>,
      %scan3A_307 = arith.constant 2 : i32
      %scan3A_308 = arith.addi %scan3A_130, %scan3A_307 : i32
      %mul3A_309 = arith.constant 2 : i32
      %mul3A_310 = arith.muli %mul3A_309, %scan3A_308 : i32
      %add3A_311 = arith.constant 0 : i32
      %add3A_312 = arith.addi %mul3A_310, %add3A_311 : i32
      %get3A_313 = arith.index_cast %add3A_312 : i32 to index
      %get3A_314 = arith.constant 0 : index
      %get3A_315 = tpu.vector_load %arg16[%get3A_313, %get3A_314] {strides = array<i32>} : memref<128x64xf32, #tpu.memory_space<vmem>>, vector<16xf32>,
      %get3A_316 = arith.index_cast %scan3A_308 : i32 to index
      %get3A_317 = arith.constant 0 : index
      %get3A_318 = tpu.vector_load %arg15[%get3A_316, %get3A_317] {strides = array<i32>} : memref<64x128xf32, #tpu.memory_space<vmem>>, vector<16xf32>,
      %mul3A_319 = arith.mulf %get3A_315, %get3A_318 : vector<16xf32>
      %swap3A_320 = arith.index_cast %add3A_312 : i32 to index
      %swap3A_321 = arith.constant 0 : index
      %swap3A_322 = tpu.vector_load %arg18[%swap3A_320, %swap3A_321] {strides = array<i32>} : memref<128x64xf32, #tpu.memory_space<vmem>>, vector<16xf32>,
      tpu.vector_store %arg18[%swap3A_320, %swap3A_321], %mul3A_319 {strides = array<i32>} : memref<128x64xf32, #tpu.memory_space<vmem>>, vector<16xf32>,
      %get3A_323 = arith.index_cast %add3A_312 : i32 to index
      %get3A_324 = arith.constant 16 : index
      %get3A_325 = tpu.vector_load %arg16[%get3A_323, %get3A_324] {strides = array<i32>} : memref<128x64xf32, #tpu.memory_space<vmem>>, vector<16xf32>,
      %get3A_326 = arith.index_cast %scan3A_308 : i32 to index
      %get3A_327 = arith.constant 16 : index
      %get3A_328 = tpu.vector_load %arg15[%get3A_326, %get3A_327] {strides = array<i32>} : memref<64x128xf32, #tpu.memory_space<vmem>>, vector<16xf32>,
      %mul3A_329 = arith.mulf %get3A_325, %get3A_328 : vector<16xf32>
      %swap3A_330 = arith.index_cast %add3A_312 : i32 to index
      %swap3A_331 = arith.constant 16 : index
      %swap3A_332 = tpu.vector_load %arg18[%swap3A_330, %swap3A_331] {strides = array<i32>} : memref<128x64xf32, #tpu.memory_space<vmem>>, vector<16xf32>,
      tpu.vector_store %arg18[%swap3A_330, %swap3A_331], %mul3A_329 {strides = array<i32>} : memref<128x64xf32, #tpu.memory_space<vmem>>, vector<16xf32>,
      %get3A_333 = arith.index_cast %add3A_312 : i32 to index
      %get3A_334 = arith.constant 32 : index
      %get3A_335 = tpu.vector_load %arg16[%get3A_333, %get3A_334] {strides = array<i32>} : memref<128x64xf32, #tpu.memory_space<vmem>>, vector<16xf32>,
      %get3A_336 = arith.index_cast %scan3A_308 : i32 to index
      %get3A_337 = arith.constant 32 : index
      %get3A_338 = tpu.vector_load %arg15[%get3A_336, %get3A_337] {strides = array<i32>} : memref<64x128xf32, #tpu.memory_space<vmem>>, vector<16xf32>,
      %mul3A_339 = arith.mulf %get3A_335, %get3A_338 : vector<16xf32>
      %swap3A_340 = arith.index_cast %add3A_312 : i32 to index
      %swap3A_341 = arith.constant 32 : index
      %swap3A_342 = tpu.vector_load %arg18[%swap3A_340, %swap3A_341] {strides = array<i32>} : memref<128x64xf32, #tpu.memory_space<vmem>>, vector<16xf32>,
      tpu.vector_store %arg18[%swap3A_340, %swap3A_341], %mul3A_339 {strides = array<i32>} : memref<128x64xf32, #tpu.memory_space<vmem>>, vector<16xf32>,
      %get3A_343 = arith.index_cast %add3A_312 : i32 to index
      %get3A_344 = arith.constant 48 : index
      %get3A_345 = tpu.vector_load %arg16[%get3A_343, %get3A_344] {strides = array<i32>} : memref<128x64xf32, #tpu.memory_space<vmem>>, vector<16xf32>,
      %get3A_346 = arith.index_cast %scan3A_308 : i32 to index
      %get3A_347 = arith.constant 48 : index
      %get3A_348 = tpu.vector_load %arg15[%get3A_346, %get3A_347] {strides = array<i32>} : memref<64x128xf32, #tpu.memory_space<vmem>>, vector<16xf32>,
      %mul3A_349 = arith.mulf %get3A_345, %get3A_348 : vector<16xf32>
      %swap3A_350 = arith.index_cast %add3A_312 : i32 to index
      %swap3A_351 = arith.constant 48 : index
      %swap3A_352 = tpu.vector_load %arg18[%swap3A_350, %swap3A_351] {strides = array<i32>} : memref<128x64xf32, #tpu.memory_space<vmem>>, vector<16xf32>,
      tpu.vector_store %arg18[%swap3A_350, %swap3A_351], %mul3A_349 {strides = array<i32>} : memref<128x64xf32, #tpu.memory_space<vmem>>, vector<16xf32>,
      %mul3A_353 = arith.constant 2 : i32
      %mul3A_354 = arith.muli %mul3A_353, %scan3A_308 : i32
      %add3A_355 = arith.constant 1 : i32
      %add3A_356 = arith.addi %mul3A_354, %add3A_355 : i32
      %get3A_357 = arith.index_cast %add3A_356 : i32 to index
      %get3A_358 = arith.constant 0 : index
      %get3A_359 = tpu.vector_load %arg16[%get3A_357, %get3A_358] {strides = array<i32>} : memref<128x64xf32, #tpu.memory_space<vmem>>, vector<16xf32>,
      %get3A_360 = arith.index_cast %scan3A_308 : i32 to index
      %get3A_361 = arith.constant 64 : index
      %get3A_362 = tpu.vector_load %arg15[%get3A_360, %get3A_361] {strides = array<i32>} : memref<64x128xf32, #tpu.memory_space<vmem>>, vector<16xf32>,
      %mul3A_363 = arith.mulf %get3A_359, %get3A_362 : vector<16xf32>
      %swap3A_364 = arith.index_cast %add3A_356 : i32 to index
      %swap3A_365 = arith.constant 0 : index
      %swap3A_366 = tpu.vector_load %arg18[%swap3A_364, %swap3A_365] {strides = array<i32>} : memref<128x64xf32, #tpu.memory_space<vmem>>, vector<16xf32>,
      tpu.vector_store %arg18[%swap3A_364, %swap3A_365], %mul3A_363 {strides = array<i32>} : memref<128x64xf32, #tpu.memory_space<vmem>>, vector<16xf32>,
      %get3A_367 = arith.index_cast %add3A_356 : i32 to index
      %get3A_368 = arith.constant 16 : index
      %get3A_369 = tpu.vector_load %arg16[%get3A_367, %get3A_368] {strides = array<i32>} : memref<128x64xf32, #tpu.memory_space<vmem>>, vector<16xf32>,
      %get3A_370 = arith.index_cast %scan3A_308 : i32 to index
      %get3A_371 = arith.constant 80 : index
      %get3A_372 = tpu.vector_load %arg15[%get3A_370, %get3A_371] {strides = array<i32>} : memref<64x128xf32, #tpu.memory_space<vmem>>, vector<16xf32>,
      %mul3A_373 = arith.mulf %get3A_369, %get3A_372 : vector<16xf32>
      %swap3A_374 = arith.index_cast %add3A_356 : i32 to index
      %swap3A_375 = arith.constant 16 : index
      %swap3A_376 = tpu.vector_load %arg18[%swap3A_374, %swap3A_375] {strides = array<i32>} : memref<128x64xf32, #tpu.memory_space<vmem>>, vector<16xf32>,
      tpu.vector_store %arg18[%swap3A_374, %swap3A_375], %mul3A_373 {strides = array<i32>} : memref<128x64xf32, #tpu.memory_space<vmem>>, vector<16xf32>,
      %get3A_377 = arith.index_cast %add3A_356 : i32 to index
      %get3A_378 = arith.constant 32 : index
      %get3A_379 = tpu.vector_load %arg16[%get3A_377, %get3A_378] {strides = array<i32>} : memref<128x64xf32, #tpu.memory_space<vmem>>, vector<16xf32>,
      %get3A_380 = arith.index_cast %scan3A_308 : i32 to index
      %get3A_381 = arith.constant 96 : index
      %get3A_382 = tpu.vector_load %arg15[%get3A_380, %get3A_381] {strides = array<i32>} : memref<64x128xf32, #tpu.memory_space<vmem>>, vector<16xf32>,
      %mul3A_383 = arith.mulf %get3A_379, %get3A_382 : vector<16xf32>
      %swap3A_384 = arith.index_cast %add3A_356 : i32 to index
      %swap3A_385 = arith.constant 32 : index
      %swap3A_386 = tpu.vector_load %arg18[%swap3A_384, %swap3A_385] {strides = array<i32>} : memref<128x64xf32, #tpu.memory_space<vmem>>, vector<16xf32>,
      tpu.vector_store %arg18[%swap3A_384, %swap3A_385], %mul3A_383 {strides = array<i32>} : memref<128x64xf32, #tpu.memory_space<vmem>>, vector<16xf32>,
      %get3A_387 = arith.index_cast %add3A_356 : i32 to index
      %get3A_388 = arith.constant 48 : index
      %get3A_389 = tpu.vector_load %arg16[%get3A_387, %get3A_388] {strides = array<i32>} : memref<128x64xf32, #tpu.memory_space<vmem>>, vector<16xf32>,
      %get3A_390 = arith.index_cast %scan3A_308 : i32 to index
      %get3A_391 = arith.constant 112 : index
      %get3A_392 = tpu.vector_load %arg15[%get3A_390, %get3A_391] {strides = array<i32>} : memref<64x128xf32, #tpu.memory_space<vmem>>, vector<16xf32>,
      %mul3A_393 = arith.mulf %get3A_389, %get3A_392 : vector<16xf32>
      %swap3A_394 = arith.index_cast %add3A_356 : i32 to index
      %swap3A_395 = arith.constant 48 : index
      %swap3A_396 = tpu.vector_load %arg18[%swap3A_394, %swap3A_395] {strides = array<i32>} : memref<128x64xf32, #tpu.memory_space<vmem>>, vector<16xf32>,
      tpu.vector_store %arg18[%swap3A_394, %swap3A_395], %mul3A_393 {strides = array<i32>} : memref<128x64xf32, #tpu.memory_space<vmem>>, vector<16xf32>,
      %scan3A_397 = arith.constant 3 : i32
      %scan3A_398 = arith.addi %scan3A_130, %scan3A_397 : i32
      %mul3A_399 = arith.constant 2 : i32
      %mul3A_400 = arith.muli %mul3A_399, %scan3A_398 : i32
      %add3A_401 = arith.constant 0 : i32
      %add3A_402 = arith.addi %mul3A_400, %add3A_401 : i32
      %get3A_403 = arith.index_cast %add3A_402 : i32 to index
      %get3A_404 = arith.constant 0 : index
      %get3A_405 = tpu.vector_load %arg16[%get3A_403, %get3A_404] {strides = array<i32>} : memref<128x64xf32, #tpu.memory_space<vmem>>, vector<16xf32>,
      %get3A_406 = arith.index_cast %scan3A_398 : i32 to index
      %get3A_407 = arith.constant 0 : index
      %get3A_408 = tpu.vector_load %arg15[%get3A_406, %get3A_407] {strides = array<i32>} : memref<64x128xf32, #tpu.memory_space<vmem>>, vector<16xf32>,
      %mul3A_409 = arith.mulf %get3A_405, %get3A_408 : vector<16xf32>
      %swap3A_410 = arith.index_cast %add3A_402 : i32 to index
      %swap3A_411 = arith.constant 0 : index
      %swap3A_412 = tpu.vector_load %arg18[%swap3A_410, %swap3A_411] {strides = array<i32>} : memref<128x64xf32, #tpu.memory_space<vmem>>, vector<16xf32>,
      tpu.vector_store %arg18[%swap3A_410, %swap3A_411], %mul3A_409 {strides = array<i32>} : memref<128x64xf32, #tpu.memory_space<vmem>>, vector<16xf32>,
      %get3A_413 = arith.index_cast %add3A_402 : i32 to index
      %get3A_414 = arith.constant 16 : index
      %get3A_415 = tpu.vector_load %arg16[%get3A_413, %get3A_414] {strides = array<i32>} : memref<128x64xf32, #tpu.memory_space<vmem>>, vector<16xf32>,
      %get3A_416 = arith.index_cast %scan3A_398 : i32 to index
      %get3A_417 = arith.constant 16 : index
      %get3A_418 = tpu.vector_load %arg15[%get3A_416, %get3A_417] {strides = array<i32>} : memref<64x128xf32, #tpu.memory_space<vmem>>, vector<16xf32>,
      %mul3A_419 = arith.mulf %get3A_415, %get3A_418 : vector<16xf32>
      %swap3A_420 = arith.index_cast %add3A_402 : i32 to index
      %swap3A_421 = arith.constant 16 : index
      %swap3A_422 = tpu.vector_load %arg18[%swap3A_420, %swap3A_421] {strides = array<i32>} : memref<128x64xf32, #tpu.memory_space<vmem>>, vector<16xf32>,
      tpu.vector_store %arg18[%swap3A_420, %swap3A_421], %mul3A_419 {strides = array<i32>} : memref<128x64xf32, #tpu.memory_space<vmem>>, vector<16xf32>,
      %get3A_423 = arith.index_cast %add3A_402 : i32 to index
      %get3A_424 = arith.constant 32 : index
      %get3A_425 = tpu.vector_load %arg16[%get3A_423, %get3A_424] {strides = array<i32>} : memref<128x64xf32, #tpu.memory_space<vmem>>, vector<16xf32>,
      %get3A_426 = arith.index_cast %scan3A_398 : i32 to index
      %get3A_427 = arith.constant 32 : index
      %get3A_428 = tpu.vector_load %arg15[%get3A_426, %get3A_427] {strides = array<i32>} : memref<64x128xf32, #tpu.memory_space<vmem>>, vector<16xf32>,
      %mul3A_429 = arith.mulf %get3A_425, %get3A_428 : vector<16xf32>
      %swap3A_430 = arith.index_cast %add3A_402 : i32 to index
      %swap3A_431 = arith.constant 32 : index
      %swap3A_432 = tpu.vector_load %arg18[%swap3A_430, %swap3A_431] {strides = array<i32>} : memref<128x64xf32, #tpu.memory_space<vmem>>, vector<16xf32>,
      tpu.vector_store %arg18[%swap3A_430, %swap3A_431], %mul3A_429 {strides = array<i32>} : memref<128x64xf32, #tpu.memory_space<vmem>>, vector<16xf32>,
      %get3A_433 = arith.index_cast %add3A_402 : i32 to index
      %get3A_434 = arith.constant 48 : index
      %get3A_435 = tpu.vector_load %arg16[%get3A_433, %get3A_434] {strides = array<i32>} : memref<128x64xf32, #tpu.memory_space<vmem>>, vector<16xf32>,
      %get3A_436 = arith.index_cast %scan3A_398 : i32 to index
      %get3A_437 = arith.constant 48 : index
      %get3A_438 = tpu.vector_load %arg15[%get3A_436, %get3A_437] {strides = array<i32>} : memref<64x128xf32, #tpu.memory_space<vmem>>, vector<16xf32>,
      %mul3A_439 = arith.mulf %get3A_435, %get3A_438 : vector<16xf32>
      %swap3A_440 = arith.index_cast %add3A_402 : i32 to index
      %swap3A_441 = arith.constant 48 : index
      %swap3A_442 = tpu.vector_load %arg18[%swap3A_440, %swap3A_441] {strides = array<i32>} : memref<128x64xf32, #tpu.memory_space<vmem>>, vector<16xf32>,
      tpu.vector_store %arg18[%swap3A_440, %swap3A_441], %mul3A_439 {strides = array<i32>} : memref<128x64xf32, #tpu.memory_space<vmem>>, vector<16xf32>,
      %mul3A_443 = arith.constant 2 : i32
      %mul3A_444 = arith.muli %mul3A_443, %scan3A_398 : i32
      %add3A_445 = arith.constant 1 : i32
      %add3A_446 = arith.addi %mul3A_444, %add3A_445 : i32
      %get3A_447 = arith.index_cast %add3A_446 : i32 to index
      %get3A_448 = arith.constant 0 : index
      %get3A_449 = tpu.vector_load %arg16[%get3A_447, %get3A_448] {strides = array<i32>} : memref<128x64xf32, #tpu.memory_space<vmem>>, vector<16xf32>,
      %get3A_450 = arith.index_cast %scan3A_398 : i32 to index
      %get3A_451 = arith.constant 64 : index
      %get3A_452 = tpu.vector_load %arg15[%get3A_450, %get3A_451] {strides = array<i32>} : memref<64x128xf32, #tpu.memory_space<vmem>>, vector<16xf32>,
      %mul3A_453 = arith.mulf %get3A_449, %get3A_452 : vector<16xf32>
      %swap3A_454 = arith.index_cast %add3A_446 : i32 to index
      %swap3A_455 = arith.constant 0 : index
      %swap3A_456 = tpu.vector_load %arg18[%swap3A_454, %swap3A_455] {strides = array<i32>} : memref<128x64xf32, #tpu.memory_space<vmem>>, vector<16xf32>,
      tpu.vector_store %arg18[%swap3A_454, %swap3A_455], %mul3A_453 {strides = array<i32>} : memref<128x64xf32, #tpu.memory_space<vmem>>, vector<16xf32>,
      %get3A_457 = arith.index_cast %add3A_446 : i32 to index
      %get3A_458 = arith.constant 16 : index
      %get3A_459 = tpu.vector_load %arg16[%get3A_457, %get3A_458] {strides = array<i32>} : memref<128x64xf32, #tpu.memory_space<vmem>>, vector<16xf32>,
      %get3A_460 = arith.index_cast %scan3A_398 : i32 to index
      %get3A_461 = arith.constant 80 : index
      %get3A_462 = tpu.vector_load %arg15[%get3A_460, %get3A_461] {strides = array<i32>} : memref<64x128xf32, #tpu.memory_space<vmem>>, vector<16xf32>,
      %mul3A_463 = arith.mulf %get3A_459, %get3A_462 : vector<16xf32>
      %swap3A_464 = arith.index_cast %add3A_446 : i32 to index
      %swap3A_465 = arith.constant 16 : index
      %swap3A_466 = tpu.vector_load %arg18[%swap3A_464, %swap3A_465] {strides = array<i32>} : memref<128x64xf32, #tpu.memory_space<vmem>>, vector<16xf32>,
      tpu.vector_store %arg18[%swap3A_464, %swap3A_465], %mul3A_463 {strides = array<i32>} : memref<128x64xf32, #tpu.memory_space<vmem>>, vector<16xf32>,
      %get3A_467 = arith.index_cast %add3A_446 : i32 to index
      %get3A_468 = arith.constant 32 : index
      %get3A_469 = tpu.vector_load %arg16[%get3A_467, %get3A_468] {strides = array<i32>} : memref<128x64xf32, #tpu.memory_space<vmem>>, vector<16xf32>,
      %get3A_470 = arith.index_cast %scan3A_398 : i32 to index
      %get3A_471 = arith.constant 96 : index
      %get3A_472 = tpu.vector_load %arg15[%get3A_470, %get3A_471] {strides = array<i32>} : memref<64x128xf32, #tpu.memory_space<vmem>>, vector<16xf32>,
      %mul3A_473 = arith.mulf %get3A_469, %get3A_472 : vector<16xf32>
      %swap3A_474 = arith.index_cast %add3A_446 : i32 to index
      %swap3A_475 = arith.constant 32 : index
      %swap3A_476 = tpu.vector_load %arg18[%swap3A_474, %swap3A_475] {strides = array<i32>} : memref<128x64xf32, #tpu.memory_space<vmem>>, vector<16xf32>,
      tpu.vector_store %arg18[%swap3A_474, %swap3A_475], %mul3A_473 {strides = array<i32>} : memref<128x64xf32, #tpu.memory_space<vmem>>, vector<16xf32>,
      %get3A_477 = arith.index_cast %add3A_446 : i32 to index
      %get3A_478 = arith.constant 48 : index
      %get3A_479 = tpu.vector_load %arg16[%get3A_477, %get3A_478] {strides = array<i32>} : memref<128x64xf32, #tpu.memory_space<vmem>>, vector<16xf32>,
      %get3A_480 = arith.index_cast %scan3A_398 : i32 to index
      %get3A_481 = arith.constant 112 : index
      %get3A_482 = tpu.vector_load %arg15[%get3A_480, %get3A_481] {strides = array<i32>} : memref<64x128xf32, #tpu.memory_space<vmem>>, vector<16xf32>,
      %mul3A_483 = arith.mulf %get3A_479, %get3A_482 : vector<16xf32>
      %swap3A_484 = arith.index_cast %add3A_446 : i32 to index
      %swap3A_485 = arith.constant 48 : index
      %swap3A_486 = tpu.vector_load %arg18[%swap3A_484, %swap3A_485] {strides = array<i32>} : memref<128x64xf32, #tpu.memory_space<vmem>>, vector<16xf32>,
      tpu.vector_store %arg18[%swap3A_484, %swap3A_485], %mul3A_483 {strides = array<i32>} : memref<128x64xf32, #tpu.memory_space<vmem>>, vector<16xf32>,
    }
    %scan3A_73 = arith.constant 64 : i32
    %scan3A_74 = arith.constant 0 : i32
    %scan3A_75 = arith.constant 0 : i32
    %scan3A_76 = arith.constant 8 : i32
    %scan3A_77 = arith.addi %scan3A_75, %scan3A_76 : i32
    %scan3A_78 = arith.constant 1 : i32
    scf.for %scan3A_130 = %scan3A_75 to %scan3A_77 step %scan3A_78  : i32 {
      %mul3A_131 = arith.constant 16 : i32
      %mul3A_132 = arith.muli %scan3A_130, %mul3A_131 : i32
      %add3A_133 = vector.broadcast %mul3A_132 : i32 to vector<16xi32>
      %add3A_134 = arith.addi %iota3A, %add3A_133 : vector<16xi32>
      %broadcast_in_dim3A = arith.constant 0.000000e+00 : f32
      %broadcast_in_dim3A_135 = vector.broadcast %broadcast_in_dim3A : f32 to vector<16xf32>
      %scan3A_136 = arith.constant 0 : i32
      %scan3A_137 = arith.constant 64 : i32
      %scan3A_138 = arith.addi %scan3A_136, %scan3A_137 : i32
      %scan3A_139 = arith.constant 8 : i32
      %scan3A_140 = scf.for %scan3A_145 = %scan3A_136 to %scan3A_138 step %scan3A_139 iter_args(%scan3A_146 = %broadcast_in_dim3A_135) -> (vector<16xf32>)  : i32 {
        %add3A_147 = vector.broadcast %scan3A_145 : i32 to vector<16xi32>
        %add3A_148 = arith.addi %iota3A, %add3A_147 : vector<16xi32>
        %and3A_149 = arith.constant 63 : i32
        %and3A_150 = vector.broadcast %and3A_149 : i32 to vector<16xi32>
        %and3A_151 = arith.andi %add3A_148, %and3A_150 : vector<16xi32>
        %gather3A = tpu.vector_load_idx %arg18[%add3A_134, %and3A_151] : memref<128x64xf32, #tpu.memory_space<vmem>>[vector<16xi32>, vector<16xi32>], vector<16xf32>,
        %gather3A_152 = tpu.vector_load_idx %arg17[%add3A_134, %and3A_151] : memref<128x64xf32, #tpu.memory_space<vmem>>[vector<16xi32>, vector<16xi32>], vector<16xf32>,
        %mul3A_153 = arith.mulf %gather3A, %gather3A_152 : vector<16xf32>
        %add3A_154 = arith.addf %scan3A_146, %mul3A_153 : vector<16xf32>
        %scan3A_155 = arith.constant 1 : i32
        %scan3A_156 = arith.addi %scan3A_145, %scan3A_155 : i32
        %add3A_157 = vector.broadcast %scan3A_156 : i32 to vector<16xi32>
        %add3A_158 = arith.addi %iota3A, %add3A_157 : vector<16xi32>
        %and3A_159 = arith.constant 63 : i32
        %and3A_160 = vector.broadcast %and3A_159 : i32 to vector<16xi32>
        %and3A_161 = arith.andi %add3A_158, %and3A_160 : vector<16xi32>
        %gather3A_162 = tpu.vector_load_idx %arg18[%add3A_134, %and3A_161] : memref<128x64xf32, #tpu.memory_space<vmem>>[vector<16xi32>, vector<16xi32>], vector<16xf32>,
        %gather3A_163 = tpu.vector_load_idx %arg17[%add3A_134, %and3A_161] : memref<128x64xf32, #tpu.memory_space<vmem>>[vector<16xi32>, vector<16xi32>], vector<16xf32>,
        %mul3A_164 = arith.mulf %gather3A_162, %gather3A_163 : vector<16xf32>
        %add3A_165 = arith.addf %add3A_154, %mul3A_164 : vector<16xf32>
        %scan3A_166 = arith.constant 2 : i32
        %scan3A_167 = arith.addi %scan3A_145, %scan3A_166 : i32
        %add3A_168 = vector.broadcast %scan3A_167 : i32 to vector<16xi32>
        %add3A_169 = arith.addi %iota3A, %add3A_168 : vector<16xi32>
        %and3A_170 = arith.constant 63 : i32
        %and3A_171 = vector.broadcast %and3A_170 : i32 to vector<16xi32>
        %and3A_172 = arith.andi %add3A_169, %and3A_171 : vector<16xi32>
        %gather3A_173 = tpu.vector_load_idx %arg18[%add3A_134, %and3A_172] : memref<128x64xf32, #tpu.memory_space<vmem>>[vector<16xi32>, vector<16xi32>], vector<16xf32>,
        %gather3A_174 = tpu.vector_load_idx %arg17[%add3A_134, %and3A_172] : memref<128x64xf32, #tpu.memory_space<vmem>>[vector<16xi32>, vector<16xi32>], vector<16xf32>,
        %mul3A_175 = arith.mulf %gather3A_173, %gather3A_174 : vector<16xf32>
        %add3A_176 = arith.addf %add3A_165, %mul3A_175 : vector<16xf32>
        %scan3A_177 = arith.constant 3 : i32
        %scan3A_178 = arith.addi %scan3A_145, %scan3A_177 : i32
        %add3A_179 = vector.broadcast %scan3A_178 : i32 to vector<16xi32>
        %add3A_180 = arith.addi %iota3A, %add3A_179 : vector<16xi32>
        %and3A_181 = arith.constant 63 : i32
        %and3A_182 = vector.broadcast %and3A_181 : i32 to vector<16xi32>
        %and3A_183 = arith.andi %add3A_180, %and3A_182 : vector<16xi32>
        %gather3A_184 = tpu.vector_load_idx %arg18[%add3A_134, %and3A_183] : memref<128x64xf32, #tpu.memory_space<vmem>>[vector<16xi32>, vector<16xi32>], vector<16xf32>,
        %gather3A_185 = tpu.vector_load_idx %arg17[%add3A_134, %and3A_183] : memref<128x64xf32, #tpu.memory_space<vmem>>[vector<16xi32>, vector<16xi32>], vector<16xf32>,
        %mul3A_186 = arith.mulf %gather3A_184, %gather3A_185 : vector<16xf32>
        %add3A_187 = arith.addf %add3A_176, %mul3A_186 : vector<16xf32>
        %scan3A_188 = arith.constant 4 : i32
        %scan3A_189 = arith.addi %scan3A_145, %scan3A_188 : i32
        %add3A_190 = vector.broadcast %scan3A_189 : i32 to vector<16xi32>
        %add3A_191 = arith.addi %iota3A, %add3A_190 : vector<16xi32>
        %and3A_192 = arith.constant 63 : i32
        %and3A_193 = vector.broadcast %and3A_192 : i32 to vector<16xi32>
        %and3A_194 = arith.andi %add3A_191, %and3A_193 : vector<16xi32>
        %gather3A_195 = tpu.vector_load_idx %arg18[%add3A_134, %and3A_194] : memref<128x64xf32, #tpu.memory_space<vmem>>[vector<16xi32>, vector<16xi32>], vector<16xf32>,
        %gather3A_196 = tpu.vector_load_idx %arg17[%add3A_134, %and3A_194] : memref<128x64xf32, #tpu.memory_space<vmem>>[vector<16xi32>, vector<16xi32>], vector<16xf32>,
        %mul3A_197 = arith.mulf %gather3A_195, %gather3A_196 : vector<16xf32>
        %add3A_198 = arith.addf %add3A_187, %mul3A_197 : vector<16xf32>
        %scan3A_199 = arith.constant 5 : i32
        %scan3A_200 = arith.addi %scan3A_145, %scan3A_199 : i32
        %add3A_201 = vector.broadcast %scan3A_200 : i32 to vector<16xi32>
        %add3A_202 = arith.addi %iota3A, %add3A_201 : vector<16xi32>
        %and3A_203 = arith.constant 63 : i32
        %and3A_204 = vector.broadcast %and3A_203 : i32 to vector<16xi32>
        %and3A_205 = arith.andi %add3A_202, %and3A_204 : vector<16xi32>
        %gather3A_206 = tpu.vector_load_idx %arg18[%add3A_134, %and3A_205] : memref<128x64xf32, #tpu.memory_space<vmem>>[vector<16xi32>, vector<16xi32>], vector<16xf32>,
        %gather3A_207 = tpu.vector_load_idx %arg17[%add3A_134, %and3A_205] : memref<128x64xf32, #tpu.memory_space<vmem>>[vector<16xi32>, vector<16xi32>], vector<16xf32>,
        %mul3A_208 = arith.mulf %gather3A_206, %gather3A_207 : vector<16xf32>
        %add3A_209 = arith.addf %add3A_198, %mul3A_208 : vector<16xf32>
        %scan3A_210 = arith.constant 6 : i32
        %scan3A_211 = arith.addi %scan3A_145, %scan3A_210 : i32
        %add3A_212 = vector.broadcast %scan3A_211 : i32 to vector<16xi32>
        %add3A_213 = arith.addi %iota3A, %add3A_212 : vector<16xi32>
        %and3A_214 = arith.constant 63 : i32
        %and3A_215 = vector.broadcast %and3A_214 : i32 to vector<16xi32>
        %and3A_216 = arith.andi %add3A_213, %and3A_215 : vector<16xi32>
        %gather3A_217 = tpu.vector_load_idx %arg18[%add3A_134, %and3A_216] : memref<128x64xf32, #tpu.memory_space<vmem>>[vector<16xi32>, vector<16xi32>], vector<16xf32>,
        %gather3A_218 = tpu.vector_load_idx %arg17[%add3A_134, %and3A_216] : memref<128x64xf32, #tpu.memory_space<vmem>>[vector<16xi32>, vector<16xi32>], vector<16xf32>,
        %mul3A_219 = arith.mulf %gather3A_217, %gather3A_218 : vector<16xf32>
        %add3A_220 = arith.addf %add3A_209, %mul3A_219 : vector<16xf32>
        %scan3A_221 = arith.constant 7 : i32
        %scan3A_222 = arith.addi %scan3A_145, %scan3A_221 : i32
        %add3A_223 = vector.broadcast %scan3A_222 : i32 to vector<16xi32>
        %add3A_224 = arith.addi %iota3A, %add3A_223 : vector<16xi32>
        %and3A_225 = arith.constant 63 : i32
        %and3A_226 = vector.broadcast %and3A_225 : i32 to vector<16xi32>
        %and3A_227 = arith.andi %add3A_224, %and3A_226 : vector<16xi32>
        %gather3A_228 = tpu.vector_load_idx %arg18[%add3A_134, %and3A_227] : memref<128x64xf32, #tpu.memory_space<vmem>>[vector<16xi32>, vector<16xi32>], vector<16xf32>,
        %gather3A_229 = tpu.vector_load_idx %arg17[%add3A_134, %and3A_227] : memref<128x64xf32, #tpu.memory_space<vmem>>[vector<16xi32>, vector<16xi32>], vector<16xf32>,
        %mul3A_230 = arith.mulf %gather3A_228, %gather3A_229 : vector<16xf32>
        %add3A_231 = arith.addf %add3A_220, %mul3A_230 : vector<16xf32>
        scf.yield %add3A_231 : vector<16xf32>
      }
      %scan3A_141 = arith.constant 64 : i32
      %mul3A_142 = arith.constant 16 : i32
      %mul3A_143 = arith.muli %scan3A_130, %mul3A_142 : i32
      %swap3A = arith.index_cast %mul3A_143 : i32 to index
      %swap3A_144 = tpu.vector_load %arg19[%swap3A] {strides = array<i32>} : memref<128xf32, #tpu.memory_space<vmem>>, vector<16xf32>,
      tpu.vector_store %arg19[%swap3A], %scan3A_140 {strides = array<i32>} : memref<128xf32, #tpu.memory_space<vmem>>, vector<16xf32>,
    }
    %scan3A_79 = arith.constant 8 : i32
    %scan3A_80 = arith.constant 0 : i32
    %scan3A_81 = arith.constant 0 : i32
    %scan3A_82 = arith.constant 64 : i32
    %scan3A_83 = arith.addi %scan3A_81, %scan3A_82 : i32
    %scan3A_84 = arith.constant 1 : i32
    scf.for %scan3A_130 = %scan3A_81 to %scan3A_83 step %scan3A_84  : i32 {
      %mul3A_131 = arith.constant 2 : i32
      %mul3A_132 = arith.muli %mul3A_131, %scan3A_130 : i32
      %dma_wait3A_133 = arith.constant 0 : i32
      %dma_wait3A_134 = arith.constant 0 : i32
      %dma_wait3A_135 = tpu.memref_slice %arg20[%dma_wait3A_133, %dma_wait3A_134] : memref<208x64xf32, #tpu.memory_space<vmem>> -> memref<200x64xf32, #tpu.memory_space<vmem>>
      %dma_wait3A_136 = arith.constant 0 : i32
      %dma_wait3A_137 = arith.constant 0 : i32
      %dma_wait3A_138 = tpu.memref_slice %arg6[%dma_wait3A_136, %dma_wait3A_137] : memref<1000000x64xf32, #tpu.memory_space<hbm>> -> memref<200x64xf32, #tpu.memory_space<hbm>>
      %dma_wait3A_139 = arith.constant 0 : i32
      %dma_wait3A_140 = arith.constant 0 : i32
      %dma_wait3A_141 = tpu.memref_slice %arg20[%dma_wait3A_139, %dma_wait3A_140] : memref<208x64xf32, #tpu.memory_space<vmem>> -> memref<200x64xf32, #tpu.memory_space<vmem>>
      %dma_wait3A_142 = arith.constant 0 : i32
      %dma_wait3A_143 = arith.constant 0 : i32
      %dma_wait3A_144 = tpu.memref_slice %arg6[%dma_wait3A_142, %dma_wait3A_143] : memref<1000000x64xf32, #tpu.memory_space<hbm>> -> memref<200x64xf32, #tpu.memory_space<hbm>>
      tpu.wait_dma2 semaphore(%arg25 : memref<!tpu.dma_semaphore, #tpu.memory_space<semaphore_mem>>) src(%dma_wait3A_144 : memref<200x64xf32, #tpu.memory_space<hbm>>) dst(%dma_wait3A_141 : memref<200x64xf32, #tpu.memory_space<vmem>>)
      %gt3A = arith.constant 0 : i32
      %gt3A_145 = arith.cmpi sgt, %scan3A_130, %gt3A : i32
      %convert_element_type3A = arith.extui %gt3A_145 : i1 to i32
      %cond3A = arith.constant 0 : i32
      %cond3A_146 = arith.cmpi ne, %convert_element_type3A, %cond3A : i32
      scf.if %cond3A_146 {
        %dma_wait3A_341 = arith.constant 0 : i32
        %dma_wait3A_342 = arith.constant 0 : i32
        %dma_wait3A_343 = tpu.memref_slice %arg22[%dma_wait3A_342] : memref<208xf32, #tpu.memory_space<vmem>> -> memref<128xf32, #tpu.memory_space<vmem>>
        %dma_wait3A_344 = arith.constant 0 : i32
        %dma_wait3A_345 = tpu.memref_slice %arg9[%dma_wait3A_341, %dma_wait3A_344] : memref<4096x128xf32, #tpu.memory_space<hbm>> -> memref<1x128xf32, #tpu.memory_space<hbm>>
        %dma_wait3A_346 = tpu.memref_squeeze %dma_wait3A_345 : memref<1x128xf32, #tpu.memory_space<hbm>> -> memref<128xf32, #tpu.memory_space<hbm>>
        %dma_wait3A_347 = arith.constant 0 : i32
        %dma_wait3A_348 = tpu.memref_slice %arg9[%dma_wait3A_341, %dma_wait3A_347] : memref<4096x128xf32, #tpu.memory_space<hbm>> -> memref<1x128xf32, #tpu.memory_space<hbm>>
        %dma_wait3A_349 = tpu.memref_squeeze %dma_wait3A_348 : memref<1x128xf32, #tpu.memory_space<hbm>> -> memref<128xf32, #tpu.memory_space<hbm>>
        %dma_wait3A_350 = arith.constant 0 : i32
        %dma_wait3A_351 = tpu.memref_slice %arg22[%dma_wait3A_350] : memref<208xf32, #tpu.memory_space<vmem>> -> memref<128xf32, #tpu.memory_space<vmem>>
        tpu.wait_dma2 semaphore(%arg27 : memref<!tpu.dma_semaphore, #tpu.memory_space<semaphore_mem>>) src(%dma_wait3A_351 : memref<128xf32, #tpu.memory_space<vmem>>) dst(%dma_wait3A_349 : memref<128xf32, #tpu.memory_space<hbm>>)
        %dma_wait3A_352 = arith.constant 0 : i32
        %dma_wait3A_353 = arith.constant 0 : i32
        %dma_wait3A_354 = tpu.memref_slice %arg22[%dma_wait3A_353] : memref<208xf32, #tpu.memory_space<vmem>> -> memref<128xf32, #tpu.memory_space<vmem>>
        %dma_wait3A_355 = arith.constant 0 : i32
        %dma_wait3A_356 = tpu.memref_slice %arg10[%dma_wait3A_352, %dma_wait3A_355] : memref<4096x128xf32, #tpu.memory_space<hbm>> -> memref<1x128xf32, #tpu.memory_space<hbm>>
        %dma_wait3A_357 = tpu.memref_squeeze %dma_wait3A_356 : memref<1x128xf32, #tpu.memory_space<hbm>> -> memref<128xf32, #tpu.memory_space<hbm>>
        %dma_wait3A_358 = arith.constant 0 : i32
        %dma_wait3A_359 = tpu.memref_slice %arg10[%dma_wait3A_352, %dma_wait3A_358] : memref<4096x128xf32, #tpu.memory_space<hbm>> -> memref<1x128xf32, #tpu.memory_space<hbm>>
        %dma_wait3A_360 = tpu.memref_squeeze %dma_wait3A_359 : memref<1x128xf32, #tpu.memory_space<hbm>> -> memref<128xf32, #tpu.memory_space<hbm>>
        %dma_wait3A_361 = arith.constant 0 : i32
        %dma_wait3A_362 = tpu.memref_slice %arg22[%dma_wait3A_361] : memref<208xf32, #tpu.memory_space<vmem>> -> memref<128xf32, #tpu.memory_space<vmem>>
        tpu.wait_dma2 semaphore(%arg27 : memref<!tpu.dma_semaphore, #tpu.memory_space<semaphore_mem>>) src(%dma_wait3A_362 : memref<128xf32, #tpu.memory_space<vmem>>) dst(%dma_wait3A_360 : memref<128xf32, #tpu.memory_space<hbm>>)
      } else {
      }
      %broadcast_in_dim3A = vector.broadcast %mul3A_132 : i32 to vector<16xi32>
      %broadcast_in_dim3A_147 = arith.constant 0.000000e+00 : f32
      %broadcast_in_dim3A_148 = vector.broadcast %broadcast_in_dim3A_147 : f32 to vector<16xf32>
      %broadcast_in_dim3A_149 = arith.constant 0.000000e+00 : f32
      %broadcast_in_dim3A_150 = vector.broadcast %broadcast_in_dim3A_149 : f32 to vector<16xf32>
      %broadcast_in_dim3A_151 = arith.constant 0.000000e+00 : f32
      %broadcast_in_dim3A_152 = vector.broadcast %broadcast_in_dim3A_151 : f32 to vector<16xf32>
      %broadcast_in_dim3A_153 = arith.constant 0.000000e+00 : f32
      %broadcast_in_dim3A_154 = vector.broadcast %broadcast_in_dim3A_153 : f32 to vector<16xf32>
      %broadcast_in_dim3A_155 = arith.constant 0.000000e+00 : f32
      %broadcast_in_dim3A_156 = vector.broadcast %broadcast_in_dim3A_155 : f32 to vector<16xf32>
      %broadcast_in_dim3A_157 = arith.constant 0.000000e+00 : f32
      %broadcast_in_dim3A_158 = vector.broadcast %broadcast_in_dim3A_157 : f32 to vector<16xf32>
      %broadcast_in_dim3A_159 = arith.constant 0.000000e+00 : f32
      %broadcast_in_dim3A_160 = vector.broadcast %broadcast_in_dim3A_159 : f32 to vector<16xf32>
      %broadcast_in_dim3A_161 = arith.constant 0.000000e+00 : f32
      %broadcast_in_dim3A_162 = vector.broadcast %broadcast_in_dim3A_161 : f32 to vector<16xf32>
      %broadcast_in_dim3A_163 = arith.constant 0.000000e+00 : f32
      %broadcast_in_dim3A_164 = vector.broadcast %broadcast_in_dim3A_163 : f32 to vector<16xf32>
      %broadcast_in_dim3A_165 = arith.constant 0.000000e+00 : f32
      %broadcast_in_dim3A_166 = vector.broadcast %broadcast_in_dim3A_165 : f32 to vector<16xf32>
      %broadcast_in_dim3A_167 = arith.constant 0.000000e+00 : f32
      %broadcast_in_dim3A_168 = vector.broadcast %broadcast_in_dim3A_167 : f32 to vector<16xf32>
      %broadcast_in_dim3A_169 = arith.constant 0.000000e+00 : f32
      %broadcast_in_dim3A_170 = vector.broadcast %broadcast_in_dim3A_169 : f32 to vector<16xf32>
      %broadcast_in_dim3A_171 = arith.constant 0.000000e+00 : f32
      %broadcast_in_dim3A_172 = vector.broadcast %broadcast_in_dim3A_171 : f32 to vector<16xf32>
      %scan3A_173 = arith.constant 0 : i32
      %scan3A_174 = arith.constant 64 : i32
      %scan3A_175 = arith.addi %scan3A_173, %scan3A_174 : i32
      %scan3A_176 = arith.constant 4 : i32
      %scan3A_177:13 = scf.for %scan3A_341 = %scan3A_173 to %scan3A_175 step %scan3A_176 iter_args(%scan3A_342 = %broadcast_in_dim3A_148, %scan3A_343 = %broadcast_in_dim3A_150, %scan3A_344 = %broadcast_in_dim3A_152, %scan3A_345 = %broadcast_in_dim3A_154, %scan3A_346 = %broadcast_in_dim3A_156, %scan3A_347 = %broadcast_in_dim3A_158, %scan3A_348 = %broadcast_in_dim3A_160, %scan3A_349 = %broadcast_in_dim3A_162, %scan3A_350 = %broadcast_in_dim3A_164, %scan3A_351 = %broadcast_in_dim3A_166, %scan3A_352 = %broadcast_in_dim3A_168, %scan3A_353 = %broadcast_in_dim3A_170, %scan3A_354 = %broadcast_in_dim3A_172) -> (vector<16xf32>, vector<16xf32>, vector<16xf32>, vector<16xf32>, vector<16xf32>, vector<16xf32>, vector<16xf32>, vector<16xf32>, vector<16xf32>, vector<16xf32>, vector<16xf32>, vector<16xf32>, vector<16xf32>)  : i32 {
        %add3A_355 = vector.broadcast %scan3A_341 : i32 to vector<16xi32>
        %add3A_356 = arith.addi %iota3A, %add3A_355 : vector<16xi32>
        %and3A_357 = arith.constant 63 : i32
        %and3A_358 = vector.broadcast %and3A_357 : i32 to vector<16xi32>
        %and3A_359 = arith.andi %add3A_356, %and3A_358 : vector<16xi32>
        %gather3A = tpu.vector_load_idx %arg18[%broadcast_in_dim3A, %and3A_359] : memref<128x64xf32, #tpu.memory_space<vmem>>[vector<16xi32>, vector<16xi32>], vector<16xf32>,
        %add3A_360 = arith.constant 0 : i32
        %add3A_361 = vector.broadcast %add3A_360 : i32 to vector<16xi32>
        %add3A_362 = arith.addi %iota3A, %add3A_361 : vector<16xi32>
        %gather3A_363 = tpu.vector_load_idx %arg20[%add3A_362, %and3A_359] : memref<208x64xf32, #tpu.memory_space<vmem>>[vector<16xi32>, vector<16xi32>], vector<16xf32>,
        %mul3A_364 = arith.mulf %gather3A, %gather3A_363 : vector<16xf32>
        %add3A_365 = arith.addf %scan3A_342, %mul3A_364 : vector<16xf32>
        %add3A_366 = arith.constant 16 : i32
        %add3A_367 = vector.broadcast %add3A_366 : i32 to vector<16xi32>
        %add3A_368 = arith.addi %iota3A, %add3A_367 : vector<16xi32>
        %gather3A_369 = tpu.vector_load_idx %arg20[%add3A_368, %and3A_359] : memref<208x64xf32, #tpu.memory_space<vmem>>[vector<16xi32>, vector<16xi32>], vector<16xf32>,
        %mul3A_370 = arith.mulf %gather3A, %gather3A_369 : vector<16xf32>
        %add3A_371 = arith.addf %scan3A_343, %mul3A_370 : vector<16xf32>
        %add3A_372 = arith.constant 32 : i32
        %add3A_373 = vector.broadcast %add3A_372 : i32 to vector<16xi32>
        %add3A_374 = arith.addi %iota3A, %add3A_373 : vector<16xi32>
        %gather3A_375 = tpu.vector_load_idx %arg20[%add3A_374, %and3A_359] : memref<208x64xf32, #tpu.memory_space<vmem>>[vector<16xi32>, vector<16xi32>], vector<16xf32>,
        %mul3A_376 = arith.mulf %gather3A, %gather3A_375 : vector<16xf32>
        %add3A_377 = arith.addf %scan3A_344, %mul3A_376 : vector<16xf32>
        %add3A_378 = arith.constant 48 : i32
        %add3A_379 = vector.broadcast %add3A_378 : i32 to vector<16xi32>
        %add3A_380 = arith.addi %iota3A, %add3A_379 : vector<16xi32>
        %gather3A_381 = tpu.vector_load_idx %arg20[%add3A_380, %and3A_359] : memref<208x64xf32, #tpu.memory_space<vmem>>[vector<16xi32>, vector<16xi32>], vector<16xf32>,
        %mul3A_382 = arith.mulf %gather3A, %gather3A_381 : vector<16xf32>
        %add3A_383 = arith.addf %scan3A_345, %mul3A_382 : vector<16xf32>
        %add3A_384 = arith.constant 64 : i32
        %add3A_385 = vector.broadcast %add3A_384 : i32 to vector<16xi32>
        %add3A_386 = arith.addi %iota3A, %add3A_385 : vector<16xi32>
        %gather3A_387 = tpu.vector_load_idx %arg20[%add3A_386, %and3A_359] : memref<208x64xf32, #tpu.memory_space<vmem>>[vector<16xi32>, vector<16xi32>], vector<16xf32>,
        %mul3A_388 = arith.mulf %gather3A, %gather3A_387 : vector<16xf32>
        %add3A_389 = arith.addf %scan3A_346, %mul3A_388 : vector<16xf32>
        %add3A_390 = arith.constant 80 : i32
        %add3A_391 = vector.broadcast %add3A_390 : i32 to vector<16xi32>
        %add3A_392 = arith.addi %iota3A, %add3A_391 : vector<16xi32>
        %gather3A_393 = tpu.vector_load_idx %arg20[%add3A_392, %and3A_359] : memref<208x64xf32, #tpu.memory_space<vmem>>[vector<16xi32>, vector<16xi32>], vector<16xf32>,
        %mul3A_394 = arith.mulf %gather3A, %gather3A_393 : vector<16xf32>
        %add3A_395 = arith.addf %scan3A_347, %mul3A_394 : vector<16xf32>
        %add3A_396 = arith.constant 96 : i32
        %add3A_397 = vector.broadcast %add3A_396 : i32 to vector<16xi32>
        %add3A_398 = arith.addi %iota3A, %add3A_397 : vector<16xi32>
        %gather3A_399 = tpu.vector_load_idx %arg20[%add3A_398, %and3A_359] : memref<208x64xf32, #tpu.memory_space<vmem>>[vector<16xi32>, vector<16xi32>], vector<16xf32>,
        %mul3A_400 = arith.mulf %gather3A, %gather3A_399 : vector<16xf32>
        %add3A_401 = arith.addf %scan3A_348, %mul3A_400 : vector<16xf32>
        %add3A_402 = arith.constant 112 : i32
        %add3A_403 = vector.broadcast %add3A_402 : i32 to vector<16xi32>
        %add3A_404 = arith.addi %iota3A, %add3A_403 : vector<16xi32>
        %gather3A_405 = tpu.vector_load_idx %arg20[%add3A_404, %and3A_359] : memref<208x64xf32, #tpu.memory_space<vmem>>[vector<16xi32>, vector<16xi32>], vector<16xf32>,
        %mul3A_406 = arith.mulf %gather3A, %gather3A_405 : vector<16xf32>
        %add3A_407 = arith.addf %scan3A_349, %mul3A_406 : vector<16xf32>
        %add3A_408 = arith.constant 128 : i32
        %add3A_409 = vector.broadcast %add3A_408 : i32 to vector<16xi32>
        %add3A_410 = arith.addi %iota3A, %add3A_409 : vector<16xi32>
        %gather3A_411 = tpu.vector_load_idx %arg20[%add3A_410, %and3A_359] : memref<208x64xf32, #tpu.memory_space<vmem>>[vector<16xi32>, vector<16xi32>], vector<16xf32>,
        %mul3A_412 = arith.mulf %gather3A, %gather3A_411 : vector<16xf32>
        %add3A_413 = arith.addf %scan3A_350, %mul3A_412 : vector<16xf32>
        %add3A_414 = arith.constant 144 : i32
        %add3A_415 = vector.broadcast %add3A_414 : i32 to vector<16xi32>
        %add3A_416 = arith.addi %iota3A, %add3A_415 : vector<16xi32>
        %gather3A_417 = tpu.vector_load_idx %arg20[%add3A_416, %and3A_359] : memref<208x64xf32, #tpu.memory_space<vmem>>[vector<16xi32>, vector<16xi32>], vector<16xf32>,
        %mul3A_418 = arith.mulf %gather3A, %gather3A_417 : vector<16xf32>
        %add3A_419 = arith.addf %scan3A_351, %mul3A_418 : vector<16xf32>
        %add3A_420 = arith.constant 160 : i32
        %add3A_421 = vector.broadcast %add3A_420 : i32 to vector<16xi32>
        %add3A_422 = arith.addi %iota3A, %add3A_421 : vector<16xi32>
        %gather3A_423 = tpu.vector_load_idx %arg20[%add3A_422, %and3A_359] : memref<208x64xf32, #tpu.memory_space<vmem>>[vector<16xi32>, vector<16xi32>], vector<16xf32>,
        %mul3A_424 = arith.mulf %gather3A, %gather3A_423 : vector<16xf32>
        %add3A_425 = arith.addf %scan3A_352, %mul3A_424 : vector<16xf32>
        %add3A_426 = arith.constant 176 : i32
        %add3A_427 = vector.broadcast %add3A_426 : i32 to vector<16xi32>
        %add3A_428 = arith.addi %iota3A, %add3A_427 : vector<16xi32>
        %gather3A_429 = tpu.vector_load_idx %arg20[%add3A_428, %and3A_359] : memref<208x64xf32, #tpu.memory_space<vmem>>[vector<16xi32>, vector<16xi32>], vector<16xf32>,
        %mul3A_430 = arith.mulf %gather3A, %gather3A_429 : vector<16xf32>
        %add3A_431 = arith.addf %scan3A_353, %mul3A_430 : vector<16xf32>
        %add3A_432 = arith.constant 192 : i32
        %add3A_433 = vector.broadcast %add3A_432 : i32 to vector<16xi32>
        %add3A_434 = arith.addi %iota3A, %add3A_433 : vector<16xi32>
        %gather3A_435 = tpu.vector_load_idx %arg20[%add3A_434, %and3A_359] : memref<208x64xf32, #tpu.memory_space<vmem>>[vector<16xi32>, vector<16xi32>], vector<16xf32>,
        %mul3A_436 = arith.mulf %gather3A, %gather3A_435 : vector<16xf32>
        %add3A_437 = arith.addf %scan3A_354, %mul3A_436 : vector<16xf32>
        %scan3A_438 = arith.constant 1 : i32
        %scan3A_439 = arith.addi %scan3A_341, %scan3A_438 : i32
        %add3A_440 = vector.broadcast %scan3A_439 : i32 to vector<16xi32>
        %add3A_441 = arith.addi %iota3A, %add3A_440 : vector<16xi32>
        %and3A_442 = arith.constant 63 : i32
        %and3A_443 = vector.broadcast %and3A_442 : i32 to vector<16xi32>
        %and3A_444 = arith.andi %add3A_441, %and3A_443 : vector<16xi32>
        %gather3A_445 = tpu.vector_load_idx %arg18[%broadcast_in_dim3A, %and3A_444] : memref<128x64xf32, #tpu.memory_space<vmem>>[vector<16xi32>, vector<16xi32>], vector<16xf32>,
        %add3A_446 = arith.constant 0 : i32
        %add3A_447 = vector.broadcast %add3A_446 : i32 to vector<16xi32>
        %add3A_448 = arith.addi %iota3A, %add3A_447 : vector<16xi32>
        %gather3A_449 = tpu.vector_load_idx %arg20[%add3A_448, %and3A_444] : memref<208x64xf32, #tpu.memory_space<vmem>>[vector<16xi32>, vector<16xi32>], vector<16xf32>,
        %mul3A_450 = arith.mulf %gather3A_445, %gather3A_449 : vector<16xf32>
        %add3A_451 = arith.addf %add3A_365, %mul3A_450 : vector<16xf32>
        %add3A_452 = arith.constant 16 : i32
        %add3A_453 = vector.broadcast %add3A_452 : i32 to vector<16xi32>
        %add3A_454 = arith.addi %iota3A, %add3A_453 : vector<16xi32>
        %gather3A_455 = tpu.vector_load_idx %arg20[%add3A_454, %and3A_444] : memref<208x64xf32, #tpu.memory_space<vmem>>[vector<16xi32>, vector<16xi32>], vector<16xf32>,
        %mul3A_456 = arith.mulf %gather3A_445, %gather3A_455 : vector<16xf32>
        %add3A_457 = arith.addf %add3A_371, %mul3A_456 : vector<16xf32>
        %add3A_458 = arith.constant 32 : i32
        %add3A_459 = vector.broadcast %add3A_458 : i32 to vector<16xi32>
        %add3A_460 = arith.addi %iota3A, %add3A_459 : vector<16xi32>
        %gather3A_461 = tpu.vector_load_idx %arg20[%add3A_460, %and3A_444] : memref<208x64xf32, #tpu.memory_space<vmem>>[vector<16xi32>, vector<16xi32>], vector<16xf32>,
        %mul3A_462 = arith.mulf %gather3A_445, %gather3A_461 : vector<16xf32>
        %add3A_463 = arith.addf %add3A_377, %mul3A_462 : vector<16xf32>
        %add3A_464 = arith.constant 48 : i32
        %add3A_465 = vector.broadcast %add3A_464 : i32 to vector<16xi32>
        %add3A_466 = arith.addi %iota3A, %add3A_465 : vector<16xi32>
        %gather3A_467 = tpu.vector_load_idx %arg20[%add3A_466, %and3A_444] : memref<208x64xf32, #tpu.memory_space<vmem>>[vector<16xi32>, vector<16xi32>], vector<16xf32>,
        %mul3A_468 = arith.mulf %gather3A_445, %gather3A_467 : vector<16xf32>
        %add3A_469 = arith.addf %add3A_383, %mul3A_468 : vector<16xf32>
        %add3A_470 = arith.constant 64 : i32
        %add3A_471 = vector.broadcast %add3A_470 : i32 to vector<16xi32>
        %add3A_472 = arith.addi %iota3A, %add3A_471 : vector<16xi32>
        %gather3A_473 = tpu.vector_load_idx %arg20[%add3A_472, %and3A_444] : memref<208x64xf32, #tpu.memory_space<vmem>>[vector<16xi32>, vector<16xi32>], vector<16xf32>,
        %mul3A_474 = arith.mulf %gather3A_445, %gather3A_473 : vector<16xf32>
        %add3A_475 = arith.addf %add3A_389, %mul3A_474 : vector<16xf32>
        %add3A_476 = arith.constant 80 : i32
        %add3A_477 = vector.broadcast %add3A_476 : i32 to vector<16xi32>
        %add3A_478 = arith.addi %iota3A, %add3A_477 : vector<16xi32>
        %gather3A_479 = tpu.vector_load_idx %arg20[%add3A_478, %and3A_444] : memref<208x64xf32, #tpu.memory_space<vmem>>[vector<16xi32>, vector<16xi32>], vector<16xf32>,
        %mul3A_480 = arith.mulf %gather3A_445, %gather3A_479 : vector<16xf32>
        %add3A_481 = arith.addf %add3A_395, %mul3A_480 : vector<16xf32>
        %add3A_482 = arith.constant 96 : i32
        %add3A_483 = vector.broadcast %add3A_482 : i32 to vector<16xi32>
        %add3A_484 = arith.addi %iota3A, %add3A_483 : vector<16xi32>
        %gather3A_485 = tpu.vector_load_idx %arg20[%add3A_484, %and3A_444] : memref<208x64xf32, #tpu.memory_space<vmem>>[vector<16xi32>, vector<16xi32>], vector<16xf32>,
        %mul3A_486 = arith.mulf %gather3A_445, %gather3A_485 : vector<16xf32>
        %add3A_487 = arith.addf %add3A_401, %mul3A_486 : vector<16xf32>
        %add3A_488 = arith.constant 112 : i32
        %add3A_489 = vector.broadcast %add3A_488 : i32 to vector<16xi32>
        %add3A_490 = arith.addi %iota3A, %add3A_489 : vector<16xi32>
        %gather3A_491 = tpu.vector_load_idx %arg20[%add3A_490, %and3A_444] : memref<208x64xf32, #tpu.memory_space<vmem>>[vector<16xi32>, vector<16xi32>], vector<16xf32>,
        %mul3A_492 = arith.mulf %gather3A_445, %gather3A_491 : vector<16xf32>
        %add3A_493 = arith.addf %add3A_407, %mul3A_492 : vector<16xf32>
        %add3A_494 = arith.constant 128 : i32
        %add3A_495 = vector.broadcast %add3A_494 : i32 to vector<16xi32>
        %add3A_496 = arith.addi %iota3A, %add3A_495 : vector<16xi32>
        %gather3A_497 = tpu.vector_load_idx %arg20[%add3A_496, %and3A_444] : memref<208x64xf32, #tpu.memory_space<vmem>>[vector<16xi32>, vector<16xi32>], vector<16xf32>,
        %mul3A_498 = arith.mulf %gather3A_445, %gather3A_497 : vector<16xf32>
        %add3A_499 = arith.addf %add3A_413, %mul3A_498 : vector<16xf32>
        %add3A_500 = arith.constant 144 : i32
        %add3A_501 = vector.broadcast %add3A_500 : i32 to vector<16xi32>
        %add3A_502 = arith.addi %iota3A, %add3A_501 : vector<16xi32>
        %gather3A_503 = tpu.vector_load_idx %arg20[%add3A_502, %and3A_444] : memref<208x64xf32, #tpu.memory_space<vmem>>[vector<16xi32>, vector<16xi32>], vector<16xf32>,
        %mul3A_504 = arith.mulf %gather3A_445, %gather3A_503 : vector<16xf32>
        %add3A_505 = arith.addf %add3A_419, %mul3A_504 : vector<16xf32>
        %add3A_506 = arith.constant 160 : i32
        %add3A_507 = vector.broadcast %add3A_506 : i32 to vector<16xi32>
        %add3A_508 = arith.addi %iota3A, %add3A_507 : vector<16xi32>
        %gather3A_509 = tpu.vector_load_idx %arg20[%add3A_508, %and3A_444] : memref<208x64xf32, #tpu.memory_space<vmem>>[vector<16xi32>, vector<16xi32>], vector<16xf32>,
        %mul3A_510 = arith.mulf %gather3A_445, %gather3A_509 : vector<16xf32>
        %add3A_511 = arith.addf %add3A_425, %mul3A_510 : vector<16xf32>
        %add3A_512 = arith.constant 176 : i32
        %add3A_513 = vector.broadcast %add3A_512 : i32 to vector<16xi32>
        %add3A_514 = arith.addi %iota3A, %add3A_513 : vector<16xi32>
        %gather3A_515 = tpu.vector_load_idx %arg20[%add3A_514, %and3A_444] : memref<208x64xf32, #tpu.memory_space<vmem>>[vector<16xi32>, vector<16xi32>], vector<16xf32>,
        %mul3A_516 = arith.mulf %gather3A_445, %gather3A_515 : vector<16xf32>
        %add3A_517 = arith.addf %add3A_431, %mul3A_516 : vector<16xf32>
        %add3A_518 = arith.constant 192 : i32
        %add3A_519 = vector.broadcast %add3A_518 : i32 to vector<16xi32>
        %add3A_520 = arith.addi %iota3A, %add3A_519 : vector<16xi32>
        %gather3A_521 = tpu.vector_load_idx %arg20[%add3A_520, %and3A_444] : memref<208x64xf32, #tpu.memory_space<vmem>>[vector<16xi32>, vector<16xi32>], vector<16xf32>,
        %mul3A_522 = arith.mulf %gather3A_445, %gather3A_521 : vector<16xf32>
        %add3A_523 = arith.addf %add3A_437, %mul3A_522 : vector<16xf32>
        %scan3A_524 = arith.constant 2 : i32
        %scan3A_525 = arith.addi %scan3A_341, %scan3A_524 : i32
        %add3A_526 = vector.broadcast %scan3A_525 : i32 to vector<16xi32>
        %add3A_527 = arith.addi %iota3A, %add3A_526 : vector<16xi32>
        %and3A_528 = arith.constant 63 : i32
        %and3A_529 = vector.broadcast %and3A_528 : i32 to vector<16xi32>
        %and3A_530 = arith.andi %add3A_527, %and3A_529 : vector<16xi32>
        %gather3A_531 = tpu.vector_load_idx %arg18[%broadcast_in_dim3A, %and3A_530] : memref<128x64xf32, #tpu.memory_space<vmem>>[vector<16xi32>, vector<16xi32>], vector<16xf32>,
        %add3A_532 = arith.constant 0 : i32
        %add3A_533 = vector.broadcast %add3A_532 : i32 to vector<16xi32>
        %add3A_534 = arith.addi %iota3A, %add3A_533 : vector<16xi32>
        %gather3A_535 = tpu.vector_load_idx %arg20[%add3A_534, %and3A_530] : memref<208x64xf32, #tpu.memory_space<vmem>>[vector<16xi32>, vector<16xi32>], vector<16xf32>,
        %mul3A_536 = arith.mulf %gather3A_531, %gather3A_535 : vector<16xf32>
        %add3A_537 = arith.addf %add3A_451, %mul3A_536 : vector<16xf32>
        %add3A_538 = arith.constant 16 : i32
        %add3A_539 = vector.broadcast %add3A_538 : i32 to vector<16xi32>
        %add3A_540 = arith.addi %iota3A, %add3A_539 : vector<16xi32>
        %gather3A_541 = tpu.vector_load_idx %arg20[%add3A_540, %and3A_530] : memref<208x64xf32, #tpu.memory_space<vmem>>[vector<16xi32>, vector<16xi32>], vector<16xf32>,
        %mul3A_542 = arith.mulf %gather3A_531, %gather3A_541 : vector<16xf32>
        %add3A_543 = arith.addf %add3A_457, %mul3A_542 : vector<16xf32>
        %add3A_544 = arith.constant 32 : i32
        %add3A_545 = vector.broadcast %add3A_544 : i32 to vector<16xi32>
        %add3A_546 = arith.addi %iota3A, %add3A_545 : vector<16xi32>
        %gather3A_547 = tpu.vector_load_idx %arg20[%add3A_546, %and3A_530] : memref<208x64xf32, #tpu.memory_space<vmem>>[vector<16xi32>, vector<16xi32>], vector<16xf32>,
        %mul3A_548 = arith.mulf %gather3A_531, %gather3A_547 : vector<16xf32>
        %add3A_549 = arith.addf %add3A_463, %mul3A_548 : vector<16xf32>
        %add3A_550 = arith.constant 48 : i32
        %add3A_551 = vector.broadcast %add3A_550 : i32 to vector<16xi32>
        %add3A_552 = arith.addi %iota3A, %add3A_551 : vector<16xi32>
        %gather3A_553 = tpu.vector_load_idx %arg20[%add3A_552, %and3A_530] : memref<208x64xf32, #tpu.memory_space<vmem>>[vector<16xi32>, vector<16xi32>], vector<16xf32>,
        %mul3A_554 = arith.mulf %gather3A_531, %gather3A_553 : vector<16xf32>
        %add3A_555 = arith.addf %add3A_469, %mul3A_554 : vector<16xf32>
        %add3A_556 = arith.constant 64 : i32
        %add3A_557 = vector.broadcast %add3A_556 : i32 to vector<16xi32>
        %add3A_558 = arith.addi %iota3A, %add3A_557 : vector<16xi32>
        %gather3A_559 = tpu.vector_load_idx %arg20[%add3A_558, %and3A_530] : memref<208x64xf32, #tpu.memory_space<vmem>>[vector<16xi32>, vector<16xi32>], vector<16xf32>,
        %mul3A_560 = arith.mulf %gather3A_531, %gather3A_559 : vector<16xf32>
        %add3A_561 = arith.addf %add3A_475, %mul3A_560 : vector<16xf32>
        %add3A_562 = arith.constant 80 : i32
        %add3A_563 = vector.broadcast %add3A_562 : i32 to vector<16xi32>
        %add3A_564 = arith.addi %iota3A, %add3A_563 : vector<16xi32>
        %gather3A_565 = tpu.vector_load_idx %arg20[%add3A_564, %and3A_530] : memref<208x64xf32, #tpu.memory_space<vmem>>[vector<16xi32>, vector<16xi32>], vector<16xf32>,
        %mul3A_566 = arith.mulf %gather3A_531, %gather3A_565 : vector<16xf32>
        %add3A_567 = arith.addf %add3A_481, %mul3A_566 : vector<16xf32>
        %add3A_568 = arith.constant 96 : i32
        %add3A_569 = vector.broadcast %add3A_568 : i32 to vector<16xi32>
        %add3A_570 = arith.addi %iota3A, %add3A_569 : vector<16xi32>
        %gather3A_571 = tpu.vector_load_idx %arg20[%add3A_570, %and3A_530] : memref<208x64xf32, #tpu.memory_space<vmem>>[vector<16xi32>, vector<16xi32>], vector<16xf32>,
        %mul3A_572 = arith.mulf %gather3A_531, %gather3A_571 : vector<16xf32>
        %add3A_573 = arith.addf %add3A_487, %mul3A_572 : vector<16xf32>
        %add3A_574 = arith.constant 112 : i32
        %add3A_575 = vector.broadcast %add3A_574 : i32 to vector<16xi32>
        %add3A_576 = arith.addi %iota3A, %add3A_575 : vector<16xi32>
        %gather3A_577 = tpu.vector_load_idx %arg20[%add3A_576, %and3A_530] : memref<208x64xf32, #tpu.memory_space<vmem>>[vector<16xi32>, vector<16xi32>], vector<16xf32>,
        %mul3A_578 = arith.mulf %gather3A_531, %gather3A_577 : vector<16xf32>
        %add3A_579 = arith.addf %add3A_493, %mul3A_578 : vector<16xf32>
        %add3A_580 = arith.constant 128 : i32
        %add3A_581 = vector.broadcast %add3A_580 : i32 to vector<16xi32>
        %add3A_582 = arith.addi %iota3A, %add3A_581 : vector<16xi32>
        %gather3A_583 = tpu.vector_load_idx %arg20[%add3A_582, %and3A_530] : memref<208x64xf32, #tpu.memory_space<vmem>>[vector<16xi32>, vector<16xi32>], vector<16xf32>,
        %mul3A_584 = arith.mulf %gather3A_531, %gather3A_583 : vector<16xf32>
        %add3A_585 = arith.addf %add3A_499, %mul3A_584 : vector<16xf32>
        %add3A_586 = arith.constant 144 : i32
        %add3A_587 = vector.broadcast %add3A_586 : i32 to vector<16xi32>
        %add3A_588 = arith.addi %iota3A, %add3A_587 : vector<16xi32>
        %gather3A_589 = tpu.vector_load_idx %arg20[%add3A_588, %and3A_530] : memref<208x64xf32, #tpu.memory_space<vmem>>[vector<16xi32>, vector<16xi32>], vector<16xf32>,
        %mul3A_590 = arith.mulf %gather3A_531, %gather3A_589 : vector<16xf32>
        %add3A_591 = arith.addf %add3A_505, %mul3A_590 : vector<16xf32>
        %add3A_592 = arith.constant 160 : i32
        %add3A_593 = vector.broadcast %add3A_592 : i32 to vector<16xi32>
        %add3A_594 = arith.addi %iota3A, %add3A_593 : vector<16xi32>
        %gather3A_595 = tpu.vector_load_idx %arg20[%add3A_594, %and3A_530] : memref<208x64xf32, #tpu.memory_space<vmem>>[vector<16xi32>, vector<16xi32>], vector<16xf32>,
        %mul3A_596 = arith.mulf %gather3A_531, %gather3A_595 : vector<16xf32>
        %add3A_597 = arith.addf %add3A_511, %mul3A_596 : vector<16xf32>
        %add3A_598 = arith.constant 176 : i32
        %add3A_599 = vector.broadcast %add3A_598 : i32 to vector<16xi32>
        %add3A_600 = arith.addi %iota3A, %add3A_599 : vector<16xi32>
        %gather3A_601 = tpu.vector_load_idx %arg20[%add3A_600, %and3A_530] : memref<208x64xf32, #tpu.memory_space<vmem>>[vector<16xi32>, vector<16xi32>], vector<16xf32>,
        %mul3A_602 = arith.mulf %gather3A_531, %gather3A_601 : vector<16xf32>
        %add3A_603 = arith.addf %add3A_517, %mul3A_602 : vector<16xf32>
        %add3A_604 = arith.constant 192 : i32
        %add3A_605 = vector.broadcast %add3A_604 : i32 to vector<16xi32>
        %add3A_606 = arith.addi %iota3A, %add3A_605 : vector<16xi32>
        %gather3A_607 = tpu.vector_load_idx %arg20[%add3A_606, %and3A_530] : memref<208x64xf32, #tpu.memory_space<vmem>>[vector<16xi32>, vector<16xi32>], vector<16xf32>,
        %mul3A_608 = arith.mulf %gather3A_531, %gather3A_607 : vector<16xf32>
        %add3A_609 = arith.addf %add3A_523, %mul3A_608 : vector<16xf32>
        %scan3A_610 = arith.constant 3 : i32
        %scan3A_611 = arith.addi %scan3A_341, %scan3A_610 : i32
        %add3A_612 = vector.broadcast %scan3A_611 : i32 to vector<16xi32>
        %add3A_613 = arith.addi %iota3A, %add3A_612 : vector<16xi32>
        %and3A_614 = arith.constant 63 : i32
        %and3A_615 = vector.broadcast %and3A_614 : i32 to vector<16xi32>
        %and3A_616 = arith.andi %add3A_613, %and3A_615 : vector<16xi32>
        %gather3A_617 = tpu.vector_load_idx %arg18[%broadcast_in_dim3A, %and3A_616] : memref<128x64xf32, #tpu.memory_space<vmem>>[vector<16xi32>, vector<16xi32>], vector<16xf32>,
        %add3A_618 = arith.constant 0 : i32
        %add3A_619 = vector.broadcast %add3A_618 : i32 to vector<16xi32>
        %add3A_620 = arith.addi %iota3A, %add3A_619 : vector<16xi32>
        %gather3A_621 = tpu.vector_load_idx %arg20[%add3A_620, %and3A_616] : memref<208x64xf32, #tpu.memory_space<vmem>>[vector<16xi32>, vector<16xi32>], vector<16xf32>,
        %mul3A_622 = arith.mulf %gather3A_617, %gather3A_621 : vector<16xf32>
        %add3A_623 = arith.addf %add3A_537, %mul3A_622 : vector<16xf32>
        %add3A_624 = arith.constant 16 : i32
        %add3A_625 = vector.broadcast %add3A_624 : i32 to vector<16xi32>
        %add3A_626 = arith.addi %iota3A, %add3A_625 : vector<16xi32>
        %gather3A_627 = tpu.vector_load_idx %arg20[%add3A_626, %and3A_616] : memref<208x64xf32, #tpu.memory_space<vmem>>[vector<16xi32>, vector<16xi32>], vector<16xf32>,
        %mul3A_628 = arith.mulf %gather3A_617, %gather3A_627 : vector<16xf32>
        %add3A_629 = arith.addf %add3A_543, %mul3A_628 : vector<16xf32>
        %add3A_630 = arith.constant 32 : i32
        %add3A_631 = vector.broadcast %add3A_630 : i32 to vector<16xi32>
        %add3A_632 = arith.addi %iota3A, %add3A_631 : vector<16xi32>
        %gather3A_633 = tpu.vector_load_idx %arg20[%add3A_632, %and3A_616] : memref<208x64xf32, #tpu.memory_space<vmem>>[vector<16xi32>, vector<16xi32>], vector<16xf32>,
        %mul3A_634 = arith.mulf %gather3A_617, %gather3A_633 : vector<16xf32>
        %add3A_635 = arith.addf %add3A_549, %mul3A_634 : vector<16xf32>
        %add3A_636 = arith.constant 48 : i32
        %add3A_637 = vector.broadcast %add3A_636 : i32 to vector<16xi32>
        %add3A_638 = arith.addi %iota3A, %add3A_637 : vector<16xi32>
        %gather3A_639 = tpu.vector_load_idx %arg20[%add3A_638, %and3A_616] : memref<208x64xf32, #tpu.memory_space<vmem>>[vector<16xi32>, vector<16xi32>], vector<16xf32>,
        %mul3A_640 = arith.mulf %gather3A_617, %gather3A_639 : vector<16xf32>
        %add3A_641 = arith.addf %add3A_555, %mul3A_640 : vector<16xf32>
        %add3A_642 = arith.constant 64 : i32
        %add3A_643 = vector.broadcast %add3A_642 : i32 to vector<16xi32>
        %add3A_644 = arith.addi %iota3A, %add3A_643 : vector<16xi32>
        %gather3A_645 = tpu.vector_load_idx %arg20[%add3A_644, %and3A_616] : memref<208x64xf32, #tpu.memory_space<vmem>>[vector<16xi32>, vector<16xi32>], vector<16xf32>,
        %mul3A_646 = arith.mulf %gather3A_617, %gather3A_645 : vector<16xf32>
        %add3A_647 = arith.addf %add3A_561, %mul3A_646 : vector<16xf32>
        %add3A_648 = arith.constant 80 : i32
        %add3A_649 = vector.broadcast %add3A_648 : i32 to vector<16xi32>
        %add3A_650 = arith.addi %iota3A, %add3A_649 : vector<16xi32>
        %gather3A_651 = tpu.vector_load_idx %arg20[%add3A_650, %and3A_616] : memref<208x64xf32, #tpu.memory_space<vmem>>[vector<16xi32>, vector<16xi32>], vector<16xf32>,
        %mul3A_652 = arith.mulf %gather3A_617, %gather3A_651 : vector<16xf32>
        %add3A_653 = arith.addf %add3A_567, %mul3A_652 : vector<16xf32>
        %add3A_654 = arith.constant 96 : i32
        %add3A_655 = vector.broadcast %add3A_654 : i32 to vector<16xi32>
        %add3A_656 = arith.addi %iota3A, %add3A_655 : vector<16xi32>
        %gather3A_657 = tpu.vector_load_idx %arg20[%add3A_656, %and3A_616] : memref<208x64xf32, #tpu.memory_space<vmem>>[vector<16xi32>, vector<16xi32>], vector<16xf32>,
        %mul3A_658 = arith.mulf %gather3A_617, %gather3A_657 : vector<16xf32>
        %add3A_659 = arith.addf %add3A_573, %mul3A_658 : vector<16xf32>
        %add3A_660 = arith.constant 112 : i32
        %add3A_661 = vector.broadcast %add3A_660 : i32 to vector<16xi32>
        %add3A_662 = arith.addi %iota3A, %add3A_661 : vector<16xi32>
        %gather3A_663 = tpu.vector_load_idx %arg20[%add3A_662, %and3A_616] : memref<208x64xf32, #tpu.memory_space<vmem>>[vector<16xi32>, vector<16xi32>], vector<16xf32>,
        %mul3A_664 = arith.mulf %gather3A_617, %gather3A_663 : vector<16xf32>
        %add3A_665 = arith.addf %add3A_579, %mul3A_664 : vector<16xf32>
        %add3A_666 = arith.constant 128 : i32
        %add3A_667 = vector.broadcast %add3A_666 : i32 to vector<16xi32>
        %add3A_668 = arith.addi %iota3A, %add3A_667 : vector<16xi32>
        %gather3A_669 = tpu.vector_load_idx %arg20[%add3A_668, %and3A_616] : memref<208x64xf32, #tpu.memory_space<vmem>>[vector<16xi32>, vector<16xi32>], vector<16xf32>,
        %mul3A_670 = arith.mulf %gather3A_617, %gather3A_669 : vector<16xf32>
        %add3A_671 = arith.addf %add3A_585, %mul3A_670 : vector<16xf32>
        %add3A_672 = arith.constant 144 : i32
        %add3A_673 = vector.broadcast %add3A_672 : i32 to vector<16xi32>
        %add3A_674 = arith.addi %iota3A, %add3A_673 : vector<16xi32>
        %gather3A_675 = tpu.vector_load_idx %arg20[%add3A_674, %and3A_616] : memref<208x64xf32, #tpu.memory_space<vmem>>[vector<16xi32>, vector<16xi32>], vector<16xf32>,
        %mul3A_676 = arith.mulf %gather3A_617, %gather3A_675 : vector<16xf32>
        %add3A_677 = arith.addf %add3A_591, %mul3A_676 : vector<16xf32>
        %add3A_678 = arith.constant 160 : i32
        %add3A_679 = vector.broadcast %add3A_678 : i32 to vector<16xi32>
        %add3A_680 = arith.addi %iota3A, %add3A_679 : vector<16xi32>
        %gather3A_681 = tpu.vector_load_idx %arg20[%add3A_680, %and3A_616] : memref<208x64xf32, #tpu.memory_space<vmem>>[vector<16xi32>, vector<16xi32>], vector<16xf32>,
        %mul3A_682 = arith.mulf %gather3A_617, %gather3A_681 : vector<16xf32>
        %add3A_683 = arith.addf %add3A_597, %mul3A_682 : vector<16xf32>
        %add3A_684 = arith.constant 176 : i32
        %add3A_685 = vector.broadcast %add3A_684 : i32 to vector<16xi32>
        %add3A_686 = arith.addi %iota3A, %add3A_685 : vector<16xi32>
        %gather3A_687 = tpu.vector_load_idx %arg20[%add3A_686, %and3A_616] : memref<208x64xf32, #tpu.memory_space<vmem>>[vector<16xi32>, vector<16xi32>], vector<16xf32>,
        %mul3A_688 = arith.mulf %gather3A_617, %gather3A_687 : vector<16xf32>
        %add3A_689 = arith.addf %add3A_603, %mul3A_688 : vector<16xf32>
        %add3A_690 = arith.constant 192 : i32
        %add3A_691 = vector.broadcast %add3A_690 : i32 to vector<16xi32>
        %add3A_692 = arith.addi %iota3A, %add3A_691 : vector<16xi32>
        %gather3A_693 = tpu.vector_load_idx %arg20[%add3A_692, %and3A_616] : memref<208x64xf32, #tpu.memory_space<vmem>>[vector<16xi32>, vector<16xi32>], vector<16xf32>,
        %mul3A_694 = arith.mulf %gather3A_617, %gather3A_693 : vector<16xf32>
        %add3A_695 = arith.addf %add3A_609, %mul3A_694 : vector<16xf32>
        scf.yield %add3A_623, %add3A_629, %add3A_635, %add3A_641, %add3A_647, %add3A_653, %add3A_659, %add3A_665, %add3A_671, %add3A_677, %add3A_683, %add3A_689, %add3A_695 : vector<16xf32>, vector<16xf32>, vector<16xf32>, vector<16xf32>, vector<16xf32>, vector<16xf32>, vector<16xf32>, vector<16xf32>, vector<16xf32>, vector<16xf32>, vector<16xf32>, vector<16xf32>, vector<16xf32>
      }
      %scan3A_178 = arith.constant 64 : i32
      %swap3A = arith.constant 0 : index
      %swap3A_179 = tpu.vector_load %arg22[%swap3A] {strides = array<i32>} : memref<208xf32, #tpu.memory_space<vmem>>, vector<16xf32>,
      tpu.vector_store %arg22[%swap3A], %scan3A_177#0 {strides = array<i32>} : memref<208xf32, #tpu.memory_space<vmem>>, vector<16xf32>,
      %swap3A_180 = arith.constant 16 : index
      %swap3A_181 = tpu.vector_load %arg22[%swap3A_180] {strides = array<i32>} : memref<208xf32, #tpu.memory_space<vmem>>, vector<16xf32>,
      tpu.vector_store %arg22[%swap3A_180], %scan3A_177#1 {strides = array<i32>} : memref<208xf32, #tpu.memory_space<vmem>>, vector<16xf32>,
      %swap3A_182 = arith.constant 32 : index
      %swap3A_183 = tpu.vector_load %arg22[%swap3A_182] {strides = array<i32>} : memref<208xf32, #tpu.memory_space<vmem>>, vector<16xf32>,
      tpu.vector_store %arg22[%swap3A_182], %scan3A_177#2 {strides = array<i32>} : memref<208xf32, #tpu.memory_space<vmem>>, vector<16xf32>,
      %swap3A_184 = arith.constant 48 : index
      %swap3A_185 = tpu.vector_load %arg22[%swap3A_184] {strides = array<i32>} : memref<208xf32, #tpu.memory_space<vmem>>, vector<16xf32>,
      tpu.vector_store %arg22[%swap3A_184], %scan3A_177#3 {strides = array<i32>} : memref<208xf32, #tpu.memory_space<vmem>>, vector<16xf32>,
      %swap3A_186 = arith.constant 64 : index
      %swap3A_187 = tpu.vector_load %arg22[%swap3A_186] {strides = array<i32>} : memref<208xf32, #tpu.memory_space<vmem>>, vector<16xf32>,
      tpu.vector_store %arg22[%swap3A_186], %scan3A_177#4 {strides = array<i32>} : memref<208xf32, #tpu.memory_space<vmem>>, vector<16xf32>,
      %swap3A_188 = arith.constant 80 : index
      %swap3A_189 = tpu.vector_load %arg22[%swap3A_188] {strides = array<i32>} : memref<208xf32, #tpu.memory_space<vmem>>, vector<16xf32>,
      tpu.vector_store %arg22[%swap3A_188], %scan3A_177#5 {strides = array<i32>} : memref<208xf32, #tpu.memory_space<vmem>>, vector<16xf32>,
      %swap3A_190 = arith.constant 96 : index
      %swap3A_191 = tpu.vector_load %arg22[%swap3A_190] {strides = array<i32>} : memref<208xf32, #tpu.memory_space<vmem>>, vector<16xf32>,
      tpu.vector_store %arg22[%swap3A_190], %scan3A_177#6 {strides = array<i32>} : memref<208xf32, #tpu.memory_space<vmem>>, vector<16xf32>,
      %swap3A_192 = arith.constant 112 : index
      %swap3A_193 = tpu.vector_load %arg22[%swap3A_192] {strides = array<i32>} : memref<208xf32, #tpu.memory_space<vmem>>, vector<16xf32>,
      tpu.vector_store %arg22[%swap3A_192], %scan3A_177#7 {strides = array<i32>} : memref<208xf32, #tpu.memory_space<vmem>>, vector<16xf32>,
      %swap3A_194 = arith.constant 128 : index
      %swap3A_195 = tpu.vector_load %arg22[%swap3A_194] {strides = array<i32>} : memref<208xf32, #tpu.memory_space<vmem>>, vector<16xf32>,
      tpu.vector_store %arg22[%swap3A_194], %scan3A_177#8 {strides = array<i32>} : memref<208xf32, #tpu.memory_space<vmem>>, vector<16xf32>,
      %swap3A_196 = arith.constant 144 : index
      %swap3A_197 = tpu.vector_load %arg22[%swap3A_196] {strides = array<i32>} : memref<208xf32, #tpu.memory_space<vmem>>, vector<16xf32>,
      tpu.vector_store %arg22[%swap3A_196], %scan3A_177#9 {strides = array<i32>} : memref<208xf32, #tpu.memory_space<vmem>>, vector<16xf32>,
      %swap3A_198 = arith.constant 160 : index
      %swap3A_199 = tpu.vector_load %arg22[%swap3A_198] {strides = array<i32>} : memref<208xf32, #tpu.memory_space<vmem>>, vector<16xf32>,
      tpu.vector_store %arg22[%swap3A_198], %scan3A_177#10 {strides = array<i32>} : memref<208xf32, #tpu.memory_space<vmem>>, vector<16xf32>,
      %swap3A_200 = arith.constant 176 : index
      %swap3A_201 = tpu.vector_load %arg22[%swap3A_200] {strides = array<i32>} : memref<208xf32, #tpu.memory_space<vmem>>, vector<16xf32>,
      tpu.vector_store %arg22[%swap3A_200], %scan3A_177#11 {strides = array<i32>} : memref<208xf32, #tpu.memory_space<vmem>>, vector<16xf32>,
      %swap3A_202 = arith.constant 192 : index
      %swap3A_203 = tpu.vector_load %arg22[%swap3A_202] {strides = array<i32>} : memref<208xf32, #tpu.memory_space<vmem>>, vector<16xf32>,
      tpu.vector_store %arg22[%swap3A_202], %scan3A_177#12 {strides = array<i32>} : memref<208xf32, #tpu.memory_space<vmem>>, vector<16xf32>,
      %add3A_204 = arith.addi %mul3A_2, %mul3A_132 : i32
      %dma_start3A_205 = arith.constant 0 : i32
      %dma_start3A_206 = tpu.memref_slice %arg22[%dma_start3A_205] : memref<208xf32, #tpu.memory_space<vmem>> -> memref<128xf32, #tpu.memory_space<vmem>>
      %dma_start3A_207 = arith.constant 0 : i32
      %dma_start3A_208 = tpu.memref_slice %arg9[%add3A_204, %dma_start3A_207] : memref<4096x128xf32, #tpu.memory_space<hbm>> -> memref<1x128xf32, #tpu.memory_space<hbm>>
      %dma_start3A_209 = tpu.memref_squeeze %dma_start3A_208 : memref<1x128xf32, #tpu.memory_space<hbm>> -> memref<128xf32, #tpu.memory_space<hbm>>
      %dma_start3A_210 = arith.constant 0 : i32
      %dma_start3A_211 = tpu.memref_slice %arg9[%add3A_204, %dma_start3A_210] : memref<4096x128xf32, #tpu.memory_space<hbm>> -> memref<1x128xf32, #tpu.memory_space<hbm>>
      %dma_start3A_212 = tpu.memref_squeeze %dma_start3A_211 : memref<1x128xf32, #tpu.memory_space<hbm>> -> memref<128xf32, #tpu.memory_space<hbm>>
      %dma_start3A_213 = arith.constant 0 : i32
      %dma_start3A_214 = tpu.memref_slice %arg22[%dma_start3A_213] : memref<208xf32, #tpu.memory_space<vmem>> -> memref<128xf32, #tpu.memory_space<vmem>>
      tpu.enqueue_dma source(%dma_start3A_214 : memref<128xf32, #tpu.memory_space<vmem>>) target(%dma_start3A_212 : memref<128xf32, #tpu.memory_space<hbm>>) target_semaphore(%arg27 : memref<!tpu.dma_semaphore, #tpu.memory_space<semaphore_mem>>)
      %add3A_215 = arith.addi %mul3A_2, %mul3A_132 : i32
      %dma_start3A_216 = arith.constant 72 : i32
      %dma_start3A_217 = tpu.memref_slice %arg22[%dma_start3A_216] : memref<208xf32, #tpu.memory_space<vmem>> -> memref<128xf32, #tpu.memory_space<vmem>>
      %dma_start3A_218 = arith.constant 0 : i32
      %dma_start3A_219 = tpu.memref_slice %arg10[%add3A_215, %dma_start3A_218] : memref<4096x128xf32, #tpu.memory_space<hbm>> -> memref<1x128xf32, #tpu.memory_space<hbm>>
      %dma_start3A_220 = tpu.memref_squeeze %dma_start3A_219 : memref<1x128xf32, #tpu.memory_space<hbm>> -> memref<128xf32, #tpu.memory_space<hbm>>
      %dma_start3A_221 = arith.constant 0 : i32
      %dma_start3A_222 = tpu.memref_slice %arg10[%add3A_215, %dma_start3A_221] : memref<4096x128xf32, #tpu.memory_space<hbm>> -> memref<1x128xf32, #tpu.memory_space<hbm>>
      %dma_start3A_223 = tpu.memref_squeeze %dma_start3A_222 : memref<1x128xf32, #tpu.memory_space<hbm>> -> memref<128xf32, #tpu.memory_space<hbm>>
      %dma_start3A_224 = arith.constant 72 : i32
      %dma_start3A_225 = tpu.memref_slice %arg22[%dma_start3A_224] : memref<208xf32, #tpu.memory_space<vmem>> -> memref<128xf32, #tpu.memory_space<vmem>>
      tpu.enqueue_dma source(%dma_start3A_225 : memref<128xf32, #tpu.memory_space<vmem>>) target(%dma_start3A_223 : memref<128xf32, #tpu.memory_space<hbm>>) target_semaphore(%arg27 : memref<!tpu.dma_semaphore, #tpu.memory_space<semaphore_mem>>)
      %add3A_226 = arith.constant 2 : i32
      %add3A_227 = arith.addi %mul3A_132, %add3A_226 : i32
      %lt3A = arith.constant 128 : i32
      %lt3A_228 = arith.cmpi slt, %add3A_227, %lt3A : i32
      %convert_element_type3A_229 = arith.extui %lt3A_228 : i1 to i32
      %cond3A_230 = arith.constant 0 : i32
      %cond3A_231 = arith.cmpi ne, %convert_element_type3A_229, %cond3A_230 : i32
      scf.if %cond3A_231 {
        %add3A_341 = arith.constant 2 : i32
        %add3A_342 = arith.addi %mul3A_132, %add3A_341 : i32
        %dma_start3A_343 = arith.constant 0 : i32
        %dma_start3A_344 = arith.constant 0 : i32
        %dma_start3A_345 = tpu.memref_slice %arg20[%dma_start3A_343, %dma_start3A_344] : memref<208x64xf32, #tpu.memory_space<vmem>> -> memref<128x64xf32, #tpu.memory_space<vmem>>
        %dma_start3A_346 = arith.constant 0 : i32
        %dma_start3A_347 = tpu.memref_slice %arg13[%add3A_342, %dma_start3A_346] : memref<128x128xi32, #tpu.memory_space<vmem>> -> memref<1x128xi32, #tpu.memory_space<vmem>>
        %dma_start3A_348 = tpu.memref_squeeze %dma_start3A_347 : memref<1x128xi32, #tpu.memory_space<vmem>> -> memref<128xi32, #tpu.memory_space<vmem>>
        %dma_start3A_349 = arith.constant 0 : i32
        %dma_start3A_350 = arith.constant 0 : i32
        %dma_start3A_351 = tpu.memref_slice %arg6[%dma_start3A_349, %dma_start3A_350] : memref<1000000x64xf32, #tpu.memory_space<hbm>> -> memref<1000000x64xf32, #tpu.memory_space<hbm>>
        tpu.enqueue_indirect_dma source(%dma_start3A_351 : memref<1000000x64xf32, #tpu.memory_space<hbm>>) target(%dma_start3A_345 : memref<128x64xf32, #tpu.memory_space<vmem>>) offsets(%dma_start3A_348 : memref<128xi32, #tpu.memory_space<vmem>>) semaphore(%arg25 : memref<!tpu.dma_semaphore, #tpu.memory_space<semaphore_mem>>)
        %dma_start3A_352 = arith.constant 128 : i32
        %dma_start3A_353 = arith.constant 0 : i32
        %dma_start3A_354 = tpu.memref_slice %arg20[%dma_start3A_352, %dma_start3A_353] : memref<208x64xf32, #tpu.memory_space<vmem>> -> memref<72x64xf32, #tpu.memory_space<vmem>>
        %dma_start3A_355 = arith.constant 56 : i32
        %dma_start3A_356 = tpu.memref_slice %arg14[%add3A_342, %dma_start3A_355] : memref<128x128xi32, #tpu.memory_space<vmem>> -> memref<1x72xi32, #tpu.memory_space<vmem>>
        %dma_start3A_357 = tpu.memref_squeeze %dma_start3A_356 : memref<1x72xi32, #tpu.memory_space<vmem>> -> memref<72xi32, #tpu.memory_space<vmem>>
        %dma_start3A_358 = arith.constant 0 : i32
        %dma_start3A_359 = arith.constant 0 : i32
        %dma_start3A_360 = tpu.memref_slice %arg6[%dma_start3A_358, %dma_start3A_359] : memref<1000000x64xf32, #tpu.memory_space<hbm>> -> memref<1000000x64xf32, #tpu.memory_space<hbm>>
        tpu.enqueue_indirect_dma source(%dma_start3A_360 : memref<1000000x64xf32, #tpu.memory_space<hbm>>) target(%dma_start3A_354 : memref<72x64xf32, #tpu.memory_space<vmem>>) offsets(%dma_start3A_357 : memref<72xi32, #tpu.memory_space<vmem>>) semaphore(%arg25 : memref<!tpu.dma_semaphore, #tpu.memory_space<semaphore_mem>>)
      } else {
      }
      %mul3A_232 = arith.constant 2 : i32
      %mul3A_233 = arith.muli %mul3A_232, %scan3A_130 : i32
      %add3A_234 = arith.constant 1 : i32
      %add3A_235 = arith.addi %mul3A_233, %add3A_234 : i32
      %dma_wait3A_236 = arith.constant 0 : i32
      %dma_wait3A_237 = arith.constant 0 : i32
      %dma_wait3A_238 = tpu.memref_slice %arg21[%dma_wait3A_236, %dma_wait3A_237] : memref<208x64xf32, #tpu.memory_space<vmem>> -> memref<200x64xf32, #tpu.memory_space<vmem>>
      %dma_wait3A_239 = arith.constant 0 : i32
      %dma_wait3A_240 = arith.constant 0 : i32
      %dma_wait3A_241 = tpu.memref_slice %arg6[%dma_wait3A_239, %dma_wait3A_240] : memref<1000000x64xf32, #tpu.memory_space<hbm>> -> memref<200x64xf32, #tpu.memory_space<hbm>>
      %dma_wait3A_242 = arith.constant 0 : i32
      %dma_wait3A_243 = arith.constant 0 : i32
      %dma_wait3A_244 = tpu.memref_slice %arg21[%dma_wait3A_242, %dma_wait3A_243] : memref<208x64xf32, #tpu.memory_space<vmem>> -> memref<200x64xf32, #tpu.memory_space<vmem>>
      %dma_wait3A_245 = arith.constant 0 : i32
      %dma_wait3A_246 = arith.constant 0 : i32
      %dma_wait3A_247 = tpu.memref_slice %arg6[%dma_wait3A_245, %dma_wait3A_246] : memref<1000000x64xf32, #tpu.memory_space<hbm>> -> memref<200x64xf32, #tpu.memory_space<hbm>>
      tpu.wait_dma2 semaphore(%arg26 : memref<!tpu.dma_semaphore, #tpu.memory_space<semaphore_mem>>) src(%dma_wait3A_247 : memref<200x64xf32, #tpu.memory_space<hbm>>) dst(%dma_wait3A_244 : memref<200x64xf32, #tpu.memory_space<vmem>>)
      %gt3A_248 = arith.constant 0 : i32
      %gt3A_249 = arith.cmpi sgt, %scan3A_130, %gt3A_248 : i32
      %convert_element_type3A_250 = arith.extui %gt3A_249 : i1 to i32
      %cond3A_251 = arith.constant 0 : i32
      %cond3A_252 = arith.cmpi ne, %convert_element_type3A_250, %cond3A_251 : i32
      scf.if %cond3A_252 {
        %dma_wait3A_341 = arith.constant 0 : i32
        %dma_wait3A_342 = arith.constant 0 : i32
        %dma_wait3A_343 = tpu.memref_slice %arg23[%dma_wait3A_342] : memref<208xf32, #tpu.memory_space<vmem>> -> memref<128xf32, #tpu.memory_space<vmem>>
        %dma_wait3A_344 = arith.constant 0 : i32
        %dma_wait3A_345 = tpu.memref_slice %arg9[%dma_wait3A_341, %dma_wait3A_344] : memref<4096x128xf32, #tpu.memory_space<hbm>> -> memref<1x128xf32, #tpu.memory_space<hbm>>
        %dma_wait3A_346 = tpu.memref_squeeze %dma_wait3A_345 : memref<1x128xf32, #tpu.memory_space<hbm>> -> memref<128xf32, #tpu.memory_space<hbm>>
        %dma_wait3A_347 = arith.constant 0 : i32
        %dma_wait3A_348 = tpu.memref_slice %arg9[%dma_wait3A_341, %dma_wait3A_347] : memref<4096x128xf32, #tpu.memory_space<hbm>> -> memref<1x128xf32, #tpu.memory_space<hbm>>
        %dma_wait3A_349 = tpu.memref_squeeze %dma_wait3A_348 : memref<1x128xf32, #tpu.memory_space<hbm>> -> memref<128xf32, #tpu.memory_space<hbm>>
        %dma_wait3A_350 = arith.constant 0 : i32
        %dma_wait3A_351 = tpu.memref_slice %arg23[%dma_wait3A_350] : memref<208xf32, #tpu.memory_space<vmem>> -> memref<128xf32, #tpu.memory_space<vmem>>
        tpu.wait_dma2 semaphore(%arg28 : memref<!tpu.dma_semaphore, #tpu.memory_space<semaphore_mem>>) src(%dma_wait3A_351 : memref<128xf32, #tpu.memory_space<vmem>>) dst(%dma_wait3A_349 : memref<128xf32, #tpu.memory_space<hbm>>)
        %dma_wait3A_352 = arith.constant 0 : i32
        %dma_wait3A_353 = arith.constant 0 : i32
        %dma_wait3A_354 = tpu.memref_slice %arg23[%dma_wait3A_353] : memref<208xf32, #tpu.memory_space<vmem>> -> memref<128xf32, #tpu.memory_space<vmem>>
        %dma_wait3A_355 = arith.constant 0 : i32
        %dma_wait3A_356 = tpu.memref_slice %arg10[%dma_wait3A_352, %dma_wait3A_355] : memref<4096x128xf32, #tpu.memory_space<hbm>> -> memref<1x128xf32, #tpu.memory_space<hbm>>
        %dma_wait3A_357 = tpu.memref_squeeze %dma_wait3A_356 : memref<1x128xf32, #tpu.memory_space<hbm>> -> memref<128xf32, #tpu.memory_space<hbm>>
        %dma_wait3A_358 = arith.constant 0 : i32
        %dma_wait3A_359 = tpu.memref_slice %arg10[%dma_wait3A_352, %dma_wait3A_358] : memref<4096x128xf32, #tpu.memory_space<hbm>> -> memref<1x128xf32, #tpu.memory_space<hbm>>
        %dma_wait3A_360 = tpu.memref_squeeze %dma_wait3A_359 : memref<1x128xf32, #tpu.memory_space<hbm>> -> memref<128xf32, #tpu.memory_space<hbm>>
        %dma_wait3A_361 = arith.constant 0 : i32
        %dma_wait3A_362 = tpu.memref_slice %arg23[%dma_wait3A_361] : memref<208xf32, #tpu.memory_space<vmem>> -> memref<128xf32, #tpu.memory_space<vmem>>
        tpu.wait_dma2 semaphore(%arg28 : memref<!tpu.dma_semaphore, #tpu.memory_space<semaphore_mem>>) src(%dma_wait3A_362 : memref<128xf32, #tpu.memory_space<vmem>>) dst(%dma_wait3A_360 : memref<128xf32, #tpu.memory_space<hbm>>)
      } else {
      }
      %broadcast_in_dim3A_253 = vector.broadcast %add3A_235 : i32 to vector<16xi32>
      %broadcast_in_dim3A_254 = arith.constant 0.000000e+00 : f32
      %broadcast_in_dim3A_255 = vector.broadcast %broadcast_in_dim3A_254 : f32 to vector<16xf32>
      %broadcast_in_dim3A_256 = arith.constant 0.000000e+00 : f32
      %broadcast_in_dim3A_257 = vector.broadcast %broadcast_in_dim3A_256 : f32 to vector<16xf32>
      %broadcast_in_dim3A_258 = arith.constant 0.000000e+00 : f32
      %broadcast_in_dim3A_259 = vector.broadcast %broadcast_in_dim3A_258 : f32 to vector<16xf32>
      %broadcast_in_dim3A_260 = arith.constant 0.000000e+00 : f32
      %broadcast_in_dim3A_261 = vector.broadcast %broadcast_in_dim3A_260 : f32 to vector<16xf32>
      %broadcast_in_dim3A_262 = arith.constant 0.000000e+00 : f32
      %broadcast_in_dim3A_263 = vector.broadcast %broadcast_in_dim3A_262 : f32 to vector<16xf32>
      %broadcast_in_dim3A_264 = arith.constant 0.000000e+00 : f32
      %broadcast_in_dim3A_265 = vector.broadcast %broadcast_in_dim3A_264 : f32 to vector<16xf32>
      %broadcast_in_dim3A_266 = arith.constant 0.000000e+00 : f32
      %broadcast_in_dim3A_267 = vector.broadcast %broadcast_in_dim3A_266 : f32 to vector<16xf32>
      %broadcast_in_dim3A_268 = arith.constant 0.000000e+00 : f32
      %broadcast_in_dim3A_269 = vector.broadcast %broadcast_in_dim3A_268 : f32 to vector<16xf32>
      %broadcast_in_dim3A_270 = arith.constant 0.000000e+00 : f32
      %broadcast_in_dim3A_271 = vector.broadcast %broadcast_in_dim3A_270 : f32 to vector<16xf32>
      %broadcast_in_dim3A_272 = arith.constant 0.000000e+00 : f32
      %broadcast_in_dim3A_273 = vector.broadcast %broadcast_in_dim3A_272 : f32 to vector<16xf32>
      %broadcast_in_dim3A_274 = arith.constant 0.000000e+00 : f32
      %broadcast_in_dim3A_275 = vector.broadcast %broadcast_in_dim3A_274 : f32 to vector<16xf32>
      %broadcast_in_dim3A_276 = arith.constant 0.000000e+00 : f32
      %broadcast_in_dim3A_277 = vector.broadcast %broadcast_in_dim3A_276 : f32 to vector<16xf32>
      %broadcast_in_dim3A_278 = arith.constant 0.000000e+00 : f32
      %broadcast_in_dim3A_279 = vector.broadcast %broadcast_in_dim3A_278 : f32 to vector<16xf32>
      %scan3A_280 = arith.constant 0 : i32
      %scan3A_281 = arith.constant 64 : i32
      %scan3A_282 = arith.addi %scan3A_280, %scan3A_281 : i32
      %scan3A_283 = arith.constant 4 : i32
      %scan3A_284:13 = scf.for %scan3A_341 = %scan3A_280 to %scan3A_282 step %scan3A_283 iter_args(%scan3A_342 = %broadcast_in_dim3A_255, %scan3A_343 = %broadcast_in_dim3A_257, %scan3A_344 = %broadcast_in_dim3A_259, %scan3A_345 = %broadcast_in_dim3A_261, %scan3A_346 = %broadcast_in_dim3A_263, %scan3A_347 = %broadcast_in_dim3A_265, %scan3A_348 = %broadcast_in_dim3A_267, %scan3A_349 = %broadcast_in_dim3A_269, %scan3A_350 = %broadcast_in_dim3A_271, %scan3A_351 = %broadcast_in_dim3A_273, %scan3A_352 = %broadcast_in_dim3A_275, %scan3A_353 = %broadcast_in_dim3A_277, %scan3A_354 = %broadcast_in_dim3A_279) -> (vector<16xf32>, vector<16xf32>, vector<16xf32>, vector<16xf32>, vector<16xf32>, vector<16xf32>, vector<16xf32>, vector<16xf32>, vector<16xf32>, vector<16xf32>, vector<16xf32>, vector<16xf32>, vector<16xf32>)  : i32 {
        %add3A_355 = vector.broadcast %scan3A_341 : i32 to vector<16xi32>
        %add3A_356 = arith.addi %iota3A, %add3A_355 : vector<16xi32>
        %and3A_357 = arith.constant 63 : i32
        %and3A_358 = vector.broadcast %and3A_357 : i32 to vector<16xi32>
        %and3A_359 = arith.andi %add3A_356, %and3A_358 : vector<16xi32>
        %gather3A = tpu.vector_load_idx %arg18[%broadcast_in_dim3A_253, %and3A_359] : memref<128x64xf32, #tpu.memory_space<vmem>>[vector<16xi32>, vector<16xi32>], vector<16xf32>,
        %add3A_360 = arith.constant 0 : i32
        %add3A_361 = vector.broadcast %add3A_360 : i32 to vector<16xi32>
        %add3A_362 = arith.addi %iota3A, %add3A_361 : vector<16xi32>
        %gather3A_363 = tpu.vector_load_idx %arg21[%add3A_362, %and3A_359] : memref<208x64xf32, #tpu.memory_space<vmem>>[vector<16xi32>, vector<16xi32>], vector<16xf32>,
        %mul3A_364 = arith.mulf %gather3A, %gather3A_363 : vector<16xf32>
        %add3A_365 = arith.addf %scan3A_342, %mul3A_364 : vector<16xf32>
        %add3A_366 = arith.constant 16 : i32
        %add3A_367 = vector.broadcast %add3A_366 : i32 to vector<16xi32>
        %add3A_368 = arith.addi %iota3A, %add3A_367 : vector<16xi32>
        %gather3A_369 = tpu.vector_load_idx %arg21[%add3A_368, %and3A_359] : memref<208x64xf32, #tpu.memory_space<vmem>>[vector<16xi32>, vector<16xi32>], vector<16xf32>,
        %mul3A_370 = arith.mulf %gather3A, %gather3A_369 : vector<16xf32>
        %add3A_371 = arith.addf %scan3A_343, %mul3A_370 : vector<16xf32>
        %add3A_372 = arith.constant 32 : i32
        %add3A_373 = vector.broadcast %add3A_372 : i32 to vector<16xi32>
        %add3A_374 = arith.addi %iota3A, %add3A_373 : vector<16xi32>
        %gather3A_375 = tpu.vector_load_idx %arg21[%add3A_374, %and3A_359] : memref<208x64xf32, #tpu.memory_space<vmem>>[vector<16xi32>, vector<16xi32>], vector<16xf32>,
        %mul3A_376 = arith.mulf %gather3A, %gather3A_375 : vector<16xf32>
        %add3A_377 = arith.addf %scan3A_344, %mul3A_376 : vector<16xf32>
        %add3A_378 = arith.constant 48 : i32
        %add3A_379 = vector.broadcast %add3A_378 : i32 to vector<16xi32>
        %add3A_380 = arith.addi %iota3A, %add3A_379 : vector<16xi32>
        %gather3A_381 = tpu.vector_load_idx %arg21[%add3A_380, %and3A_359] : memref<208x64xf32, #tpu.memory_space<vmem>>[vector<16xi32>, vector<16xi32>], vector<16xf32>,
        %mul3A_382 = arith.mulf %gather3A, %gather3A_381 : vector<16xf32>
        %add3A_383 = arith.addf %scan3A_345, %mul3A_382 : vector<16xf32>
        %add3A_384 = arith.constant 64 : i32
        %add3A_385 = vector.broadcast %add3A_384 : i32 to vector<16xi32>
        %add3A_386 = arith.addi %iota3A, %add3A_385 : vector<16xi32>
        %gather3A_387 = tpu.vector_load_idx %arg21[%add3A_386, %and3A_359] : memref<208x64xf32, #tpu.memory_space<vmem>>[vector<16xi32>, vector<16xi32>], vector<16xf32>,
        %mul3A_388 = arith.mulf %gather3A, %gather3A_387 : vector<16xf32>
        %add3A_389 = arith.addf %scan3A_346, %mul3A_388 : vector<16xf32>
        %add3A_390 = arith.constant 80 : i32
        %add3A_391 = vector.broadcast %add3A_390 : i32 to vector<16xi32>
        %add3A_392 = arith.addi %iota3A, %add3A_391 : vector<16xi32>
        %gather3A_393 = tpu.vector_load_idx %arg21[%add3A_392, %and3A_359] : memref<208x64xf32, #tpu.memory_space<vmem>>[vector<16xi32>, vector<16xi32>], vector<16xf32>,
        %mul3A_394 = arith.mulf %gather3A, %gather3A_393 : vector<16xf32>
        %add3A_395 = arith.addf %scan3A_347, %mul3A_394 : vector<16xf32>
        %add3A_396 = arith.constant 96 : i32
        %add3A_397 = vector.broadcast %add3A_396 : i32 to vector<16xi32>
        %add3A_398 = arith.addi %iota3A, %add3A_397 : vector<16xi32>
        %gather3A_399 = tpu.vector_load_idx %arg21[%add3A_398, %and3A_359] : memref<208x64xf32, #tpu.memory_space<vmem>>[vector<16xi32>, vector<16xi32>], vector<16xf32>,
        %mul3A_400 = arith.mulf %gather3A, %gather3A_399 : vector<16xf32>
        %add3A_401 = arith.addf %scan3A_348, %mul3A_400 : vector<16xf32>
        %add3A_402 = arith.constant 112 : i32
        %add3A_403 = vector.broadcast %add3A_402 : i32 to vector<16xi32>
        %add3A_404 = arith.addi %iota3A, %add3A_403 : vector<16xi32>
        %gather3A_405 = tpu.vector_load_idx %arg21[%add3A_404, %and3A_359] : memref<208x64xf32, #tpu.memory_space<vmem>>[vector<16xi32>, vector<16xi32>], vector<16xf32>,
        %mul3A_406 = arith.mulf %gather3A, %gather3A_405 : vector<16xf32>
        %add3A_407 = arith.addf %scan3A_349, %mul3A_406 : vector<16xf32>
        %add3A_408 = arith.constant 128 : i32
        %add3A_409 = vector.broadcast %add3A_408 : i32 to vector<16xi32>
        %add3A_410 = arith.addi %iota3A, %add3A_409 : vector<16xi32>
        %gather3A_411 = tpu.vector_load_idx %arg21[%add3A_410, %and3A_359] : memref<208x64xf32, #tpu.memory_space<vmem>>[vector<16xi32>, vector<16xi32>], vector<16xf32>,
        %mul3A_412 = arith.mulf %gather3A, %gather3A_411 : vector<16xf32>
        %add3A_413 = arith.addf %scan3A_350, %mul3A_412 : vector<16xf32>
        %add3A_414 = arith.constant 144 : i32
        %add3A_415 = vector.broadcast %add3A_414 : i32 to vector<16xi32>
        %add3A_416 = arith.addi %iota3A, %add3A_415 : vector<16xi32>
        %gather3A_417 = tpu.vector_load_idx %arg21[%add3A_416, %and3A_359] : memref<208x64xf32, #tpu.memory_space<vmem>>[vector<16xi32>, vector<16xi32>], vector<16xf32>,
        %mul3A_418 = arith.mulf %gather3A, %gather3A_417 : vector<16xf32>
        %add3A_419 = arith.addf %scan3A_351, %mul3A_418 : vector<16xf32>
        %add3A_420 = arith.constant 160 : i32
        %add3A_421 = vector.broadcast %add3A_420 : i32 to vector<16xi32>
        %add3A_422 = arith.addi %iota3A, %add3A_421 : vector<16xi32>
        %gather3A_423 = tpu.vector_load_idx %arg21[%add3A_422, %and3A_359] : memref<208x64xf32, #tpu.memory_space<vmem>>[vector<16xi32>, vector<16xi32>], vector<16xf32>,
        %mul3A_424 = arith.mulf %gather3A, %gather3A_423 : vector<16xf32>
        %add3A_425 = arith.addf %scan3A_352, %mul3A_424 : vector<16xf32>
        %add3A_426 = arith.constant 176 : i32
        %add3A_427 = vector.broadcast %add3A_426 : i32 to vector<16xi32>
        %add3A_428 = arith.addi %iota3A, %add3A_427 : vector<16xi32>
        %gather3A_429 = tpu.vector_load_idx %arg21[%add3A_428, %and3A_359] : memref<208x64xf32, #tpu.memory_space<vmem>>[vector<16xi32>, vector<16xi32>], vector<16xf32>,
        %mul3A_430 = arith.mulf %gather3A, %gather3A_429 : vector<16xf32>
        %add3A_431 = arith.addf %scan3A_353, %mul3A_430 : vector<16xf32>
        %add3A_432 = arith.constant 192 : i32
        %add3A_433 = vector.broadcast %add3A_432 : i32 to vector<16xi32>
        %add3A_434 = arith.addi %iota3A, %add3A_433 : vector<16xi32>
        %gather3A_435 = tpu.vector_load_idx %arg21[%add3A_434, %and3A_359] : memref<208x64xf32, #tpu.memory_space<vmem>>[vector<16xi32>, vector<16xi32>], vector<16xf32>,
        %mul3A_436 = arith.mulf %gather3A, %gather3A_435 : vector<16xf32>
        %add3A_437 = arith.addf %scan3A_354, %mul3A_436 : vector<16xf32>
        %scan3A_438 = arith.constant 1 : i32
        %scan3A_439 = arith.addi %scan3A_341, %scan3A_438 : i32
        %add3A_440 = vector.broadcast %scan3A_439 : i32 to vector<16xi32>
        %add3A_441 = arith.addi %iota3A, %add3A_440 : vector<16xi32>
        %and3A_442 = arith.constant 63 : i32
        %and3A_443 = vector.broadcast %and3A_442 : i32 to vector<16xi32>
        %and3A_444 = arith.andi %add3A_441, %and3A_443 : vector<16xi32>
        %gather3A_445 = tpu.vector_load_idx %arg18[%broadcast_in_dim3A_253, %and3A_444] : memref<128x64xf32, #tpu.memory_space<vmem>>[vector<16xi32>, vector<16xi32>], vector<16xf32>,
        %add3A_446 = arith.constant 0 : i32
        %add3A_447 = vector.broadcast %add3A_446 : i32 to vector<16xi32>
        %add3A_448 = arith.addi %iota3A, %add3A_447 : vector<16xi32>
        %gather3A_449 = tpu.vector_load_idx %arg21[%add3A_448, %and3A_444] : memref<208x64xf32, #tpu.memory_space<vmem>>[vector<16xi32>, vector<16xi32>], vector<16xf32>,
        %mul3A_450 = arith.mulf %gather3A_445, %gather3A_449 : vector<16xf32>
        %add3A_451 = arith.addf %add3A_365, %mul3A_450 : vector<16xf32>
        %add3A_452 = arith.constant 16 : i32
        %add3A_453 = vector.broadcast %add3A_452 : i32 to vector<16xi32>
        %add3A_454 = arith.addi %iota3A, %add3A_453 : vector<16xi32>
        %gather3A_455 = tpu.vector_load_idx %arg21[%add3A_454, %and3A_444] : memref<208x64xf32, #tpu.memory_space<vmem>>[vector<16xi32>, vector<16xi32>], vector<16xf32>,
        %mul3A_456 = arith.mulf %gather3A_445, %gather3A_455 : vector<16xf32>
        %add3A_457 = arith.addf %add3A_371, %mul3A_456 : vector<16xf32>
        %add3A_458 = arith.constant 32 : i32
        %add3A_459 = vector.broadcast %add3A_458 : i32 to vector<16xi32>
        %add3A_460 = arith.addi %iota3A, %add3A_459 : vector<16xi32>
        %gather3A_461 = tpu.vector_load_idx %arg21[%add3A_460, %and3A_444] : memref<208x64xf32, #tpu.memory_space<vmem>>[vector<16xi32>, vector<16xi32>], vector<16xf32>,
        %mul3A_462 = arith.mulf %gather3A_445, %gather3A_461 : vector<16xf32>
        %add3A_463 = arith.addf %add3A_377, %mul3A_462 : vector<16xf32>
        %add3A_464 = arith.constant 48 : i32
        %add3A_465 = vector.broadcast %add3A_464 : i32 to vector<16xi32>
        %add3A_466 = arith.addi %iota3A, %add3A_465 : vector<16xi32>
        %gather3A_467 = tpu.vector_load_idx %arg21[%add3A_466, %and3A_444] : memref<208x64xf32, #tpu.memory_space<vmem>>[vector<16xi32>, vector<16xi32>], vector<16xf32>,
        %mul3A_468 = arith.mulf %gather3A_445, %gather3A_467 : vector<16xf32>
        %add3A_469 = arith.addf %add3A_383, %mul3A_468 : vector<16xf32>
        %add3A_470 = arith.constant 64 : i32
        %add3A_471 = vector.broadcast %add3A_470 : i32 to vector<16xi32>
        %add3A_472 = arith.addi %iota3A, %add3A_471 : vector<16xi32>
        %gather3A_473 = tpu.vector_load_idx %arg21[%add3A_472, %and3A_444] : memref<208x64xf32, #tpu.memory_space<vmem>>[vector<16xi32>, vector<16xi32>], vector<16xf32>,
        %mul3A_474 = arith.mulf %gather3A_445, %gather3A_473 : vector<16xf32>
        %add3A_475 = arith.addf %add3A_389, %mul3A_474 : vector<16xf32>
        %add3A_476 = arith.constant 80 : i32
        %add3A_477 = vector.broadcast %add3A_476 : i32 to vector<16xi32>
        %add3A_478 = arith.addi %iota3A, %add3A_477 : vector<16xi32>
        %gather3A_479 = tpu.vector_load_idx %arg21[%add3A_478, %and3A_444] : memref<208x64xf32, #tpu.memory_space<vmem>>[vector<16xi32>, vector<16xi32>], vector<16xf32>,
        %mul3A_480 = arith.mulf %gather3A_445, %gather3A_479 : vector<16xf32>
        %add3A_481 = arith.addf %add3A_395, %mul3A_480 : vector<16xf32>
        %add3A_482 = arith.constant 96 : i32
        %add3A_483 = vector.broadcast %add3A_482 : i32 to vector<16xi32>
        %add3A_484 = arith.addi %iota3A, %add3A_483 : vector<16xi32>
        %gather3A_485 = tpu.vector_load_idx %arg21[%add3A_484, %and3A_444] : memref<208x64xf32, #tpu.memory_space<vmem>>[vector<16xi32>, vector<16xi32>], vector<16xf32>,
        %mul3A_486 = arith.mulf %gather3A_445, %gather3A_485 : vector<16xf32>
        %add3A_487 = arith.addf %add3A_401, %mul3A_486 : vector<16xf32>
        %add3A_488 = arith.constant 112 : i32
        %add3A_489 = vector.broadcast %add3A_488 : i32 to vector<16xi32>
        %add3A_490 = arith.addi %iota3A, %add3A_489 : vector<16xi32>
        %gather3A_491 = tpu.vector_load_idx %arg21[%add3A_490, %and3A_444] : memref<208x64xf32, #tpu.memory_space<vmem>>[vector<16xi32>, vector<16xi32>], vector<16xf32>,
        %mul3A_492 = arith.mulf %gather3A_445, %gather3A_491 : vector<16xf32>
        %add3A_493 = arith.addf %add3A_407, %mul3A_492 : vector<16xf32>
        %add3A_494 = arith.constant 128 : i32
        %add3A_495 = vector.broadcast %add3A_494 : i32 to vector<16xi32>
        %add3A_496 = arith.addi %iota3A, %add3A_495 : vector<16xi32>
        %gather3A_497 = tpu.vector_load_idx %arg21[%add3A_496, %and3A_444] : memref<208x64xf32, #tpu.memory_space<vmem>>[vector<16xi32>, vector<16xi32>], vector<16xf32>,
        %mul3A_498 = arith.mulf %gather3A_445, %gather3A_497 : vector<16xf32>
        %add3A_499 = arith.addf %add3A_413, %mul3A_498 : vector<16xf32>
        %add3A_500 = arith.constant 144 : i32
        %add3A_501 = vector.broadcast %add3A_500 : i32 to vector<16xi32>
        %add3A_502 = arith.addi %iota3A, %add3A_501 : vector<16xi32>
        %gather3A_503 = tpu.vector_load_idx %arg21[%add3A_502, %and3A_444] : memref<208x64xf32, #tpu.memory_space<vmem>>[vector<16xi32>, vector<16xi32>], vector<16xf32>,
        %mul3A_504 = arith.mulf %gather3A_445, %gather3A_503 : vector<16xf32>
        %add3A_505 = arith.addf %add3A_419, %mul3A_504 : vector<16xf32>
        %add3A_506 = arith.constant 160 : i32
        %add3A_507 = vector.broadcast %add3A_506 : i32 to vector<16xi32>
        %add3A_508 = arith.addi %iota3A, %add3A_507 : vector<16xi32>
        %gather3A_509 = tpu.vector_load_idx %arg21[%add3A_508, %and3A_444] : memref<208x64xf32, #tpu.memory_space<vmem>>[vector<16xi32>, vector<16xi32>], vector<16xf32>,
        %mul3A_510 = arith.mulf %gather3A_445, %gather3A_509 : vector<16xf32>
        %add3A_511 = arith.addf %add3A_425, %mul3A_510 : vector<16xf32>
        %add3A_512 = arith.constant 176 : i32
        %add3A_513 = vector.broadcast %add3A_512 : i32 to vector<16xi32>
        %add3A_514 = arith.addi %iota3A, %add3A_513 : vector<16xi32>
        %gather3A_515 = tpu.vector_load_idx %arg21[%add3A_514, %and3A_444] : memref<208x64xf32, #tpu.memory_space<vmem>>[vector<16xi32>, vector<16xi32>], vector<16xf32>,
        %mul3A_516 = arith.mulf %gather3A_445, %gather3A_515 : vector<16xf32>
        %add3A_517 = arith.addf %add3A_431, %mul3A_516 : vector<16xf32>
        %add3A_518 = arith.constant 192 : i32
        %add3A_519 = vector.broadcast %add3A_518 : i32 to vector<16xi32>
        %add3A_520 = arith.addi %iota3A, %add3A_519 : vector<16xi32>
        %gather3A_521 = tpu.vector_load_idx %arg21[%add3A_520, %and3A_444] : memref<208x64xf32, #tpu.memory_space<vmem>>[vector<16xi32>, vector<16xi32>], vector<16xf32>,
        %mul3A_522 = arith.mulf %gather3A_445, %gather3A_521 : vector<16xf32>
        %add3A_523 = arith.addf %add3A_437, %mul3A_522 : vector<16xf32>
        %scan3A_524 = arith.constant 2 : i32
        %scan3A_525 = arith.addi %scan3A_341, %scan3A_524 : i32
        %add3A_526 = vector.broadcast %scan3A_525 : i32 to vector<16xi32>
        %add3A_527 = arith.addi %iota3A, %add3A_526 : vector<16xi32>
        %and3A_528 = arith.constant 63 : i32
        %and3A_529 = vector.broadcast %and3A_528 : i32 to vector<16xi32>
        %and3A_530 = arith.andi %add3A_527, %and3A_529 : vector<16xi32>
        %gather3A_531 = tpu.vector_load_idx %arg18[%broadcast_in_dim3A_253, %and3A_530] : memref<128x64xf32, #tpu.memory_space<vmem>>[vector<16xi32>, vector<16xi32>], vector<16xf32>,
        %add3A_532 = arith.constant 0 : i32
        %add3A_533 = vector.broadcast %add3A_532 : i32 to vector<16xi32>
        %add3A_534 = arith.addi %iota3A, %add3A_533 : vector<16xi32>
        %gather3A_535 = tpu.vector_load_idx %arg21[%add3A_534, %and3A_530] : memref<208x64xf32, #tpu.memory_space<vmem>>[vector<16xi32>, vector<16xi32>], vector<16xf32>,
        %mul3A_536 = arith.mulf %gather3A_531, %gather3A_535 : vector<16xf32>
        %add3A_537 = arith.addf %add3A_451, %mul3A_536 : vector<16xf32>
        %add3A_538 = arith.constant 16 : i32
        %add3A_539 = vector.broadcast %add3A_538 : i32 to vector<16xi32>
        %add3A_540 = arith.addi %iota3A, %add3A_539 : vector<16xi32>
        %gather3A_541 = tpu.vector_load_idx %arg21[%add3A_540, %and3A_530] : memref<208x64xf32, #tpu.memory_space<vmem>>[vector<16xi32>, vector<16xi32>], vector<16xf32>,
        %mul3A_542 = arith.mulf %gather3A_531, %gather3A_541 : vector<16xf32>
        %add3A_543 = arith.addf %add3A_457, %mul3A_542 : vector<16xf32>
        %add3A_544 = arith.constant 32 : i32
        %add3A_545 = vector.broadcast %add3A_544 : i32 to vector<16xi32>
        %add3A_546 = arith.addi %iota3A, %add3A_545 : vector<16xi32>
        %gather3A_547 = tpu.vector_load_idx %arg21[%add3A_546, %and3A_530] : memref<208x64xf32, #tpu.memory_space<vmem>>[vector<16xi32>, vector<16xi32>], vector<16xf32>,
        %mul3A_548 = arith.mulf %gather3A_531, %gather3A_547 : vector<16xf32>
        %add3A_549 = arith.addf %add3A_463, %mul3A_548 : vector<16xf32>
        %add3A_550 = arith.constant 48 : i32
        %add3A_551 = vector.broadcast %add3A_550 : i32 to vector<16xi32>
        %add3A_552 = arith.addi %iota3A, %add3A_551 : vector<16xi32>
        %gather3A_553 = tpu.vector_load_idx %arg21[%add3A_552, %and3A_530] : memref<208x64xf32, #tpu.memory_space<vmem>>[vector<16xi32>, vector<16xi32>], vector<16xf32>,
        %mul3A_554 = arith.mulf %gather3A_531, %gather3A_553 : vector<16xf32>
        %add3A_555 = arith.addf %add3A_469, %mul3A_554 : vector<16xf32>
        %add3A_556 = arith.constant 64 : i32
        %add3A_557 = vector.broadcast %add3A_556 : i32 to vector<16xi32>
        %add3A_558 = arith.addi %iota3A, %add3A_557 : vector<16xi32>
        %gather3A_559 = tpu.vector_load_idx %arg21[%add3A_558, %and3A_530] : memref<208x64xf32, #tpu.memory_space<vmem>>[vector<16xi32>, vector<16xi32>], vector<16xf32>,
        %mul3A_560 = arith.mulf %gather3A_531, %gather3A_559 : vector<16xf32>
        %add3A_561 = arith.addf %add3A_475, %mul3A_560 : vector<16xf32>
        %add3A_562 = arith.constant 80 : i32
        %add3A_563 = vector.broadcast %add3A_562 : i32 to vector<16xi32>
        %add3A_564 = arith.addi %iota3A, %add3A_563 : vector<16xi32>
        %gather3A_565 = tpu.vector_load_idx %arg21[%add3A_564, %and3A_530] : memref<208x64xf32, #tpu.memory_space<vmem>>[vector<16xi32>, vector<16xi32>], vector<16xf32>,
        %mul3A_566 = arith.mulf %gather3A_531, %gather3A_565 : vector<16xf32>
        %add3A_567 = arith.addf %add3A_481, %mul3A_566 : vector<16xf32>
        %add3A_568 = arith.constant 96 : i32
        %add3A_569 = vector.broadcast %add3A_568 : i32 to vector<16xi32>
        %add3A_570 = arith.addi %iota3A, %add3A_569 : vector<16xi32>
        %gather3A_571 = tpu.vector_load_idx %arg21[%add3A_570, %and3A_530] : memref<208x64xf32, #tpu.memory_space<vmem>>[vector<16xi32>, vector<16xi32>], vector<16xf32>,
        %mul3A_572 = arith.mulf %gather3A_531, %gather3A_571 : vector<16xf32>
        %add3A_573 = arith.addf %add3A_487, %mul3A_572 : vector<16xf32>
        %add3A_574 = arith.constant 112 : i32
        %add3A_575 = vector.broadcast %add3A_574 : i32 to vector<16xi32>
        %add3A_576 = arith.addi %iota3A, %add3A_575 : vector<16xi32>
        %gather3A_577 = tpu.vector_load_idx %arg21[%add3A_576, %and3A_530] : memref<208x64xf32, #tpu.memory_space<vmem>>[vector<16xi32>, vector<16xi32>], vector<16xf32>,
        %mul3A_578 = arith.mulf %gather3A_531, %gather3A_577 : vector<16xf32>
        %add3A_579 = arith.addf %add3A_493, %mul3A_578 : vector<16xf32>
        %add3A_580 = arith.constant 128 : i32
        %add3A_581 = vector.broadcast %add3A_580 : i32 to vector<16xi32>
        %add3A_582 = arith.addi %iota3A, %add3A_581 : vector<16xi32>
        %gather3A_583 = tpu.vector_load_idx %arg21[%add3A_582, %and3A_530] : memref<208x64xf32, #tpu.memory_space<vmem>>[vector<16xi32>, vector<16xi32>], vector<16xf32>,
        %mul3A_584 = arith.mulf %gather3A_531, %gather3A_583 : vector<16xf32>
        %add3A_585 = arith.addf %add3A_499, %mul3A_584 : vector<16xf32>
        %add3A_586 = arith.constant 144 : i32
        %add3A_587 = vector.broadcast %add3A_586 : i32 to vector<16xi32>
        %add3A_588 = arith.addi %iota3A, %add3A_587 : vector<16xi32>
        %gather3A_589 = tpu.vector_load_idx %arg21[%add3A_588, %and3A_530] : memref<208x64xf32, #tpu.memory_space<vmem>>[vector<16xi32>, vector<16xi32>], vector<16xf32>,
        %mul3A_590 = arith.mulf %gather3A_531, %gather3A_589 : vector<16xf32>
        %add3A_591 = arith.addf %add3A_505, %mul3A_590 : vector<16xf32>
        %add3A_592 = arith.constant 160 : i32
        %add3A_593 = vector.broadcast %add3A_592 : i32 to vector<16xi32>
        %add3A_594 = arith.addi %iota3A, %add3A_593 : vector<16xi32>
        %gather3A_595 = tpu.vector_load_idx %arg21[%add3A_594, %and3A_530] : memref<208x64xf32, #tpu.memory_space<vmem>>[vector<16xi32>, vector<16xi32>], vector<16xf32>,
        %mul3A_596 = arith.mulf %gather3A_531, %gather3A_595 : vector<16xf32>
        %add3A_597 = arith.addf %add3A_511, %mul3A_596 : vector<16xf32>
        %add3A_598 = arith.constant 176 : i32
        %add3A_599 = vector.broadcast %add3A_598 : i32 to vector<16xi32>
        %add3A_600 = arith.addi %iota3A, %add3A_599 : vector<16xi32>
        %gather3A_601 = tpu.vector_load_idx %arg21[%add3A_600, %and3A_530] : memref<208x64xf32, #tpu.memory_space<vmem>>[vector<16xi32>, vector<16xi32>], vector<16xf32>,
        %mul3A_602 = arith.mulf %gather3A_531, %gather3A_601 : vector<16xf32>
        %add3A_603 = arith.addf %add3A_517, %mul3A_602 : vector<16xf32>
        %add3A_604 = arith.constant 192 : i32
        %add3A_605 = vector.broadcast %add3A_604 : i32 to vector<16xi32>
        %add3A_606 = arith.addi %iota3A, %add3A_605 : vector<16xi32>
        %gather3A_607 = tpu.vector_load_idx %arg21[%add3A_606, %and3A_530] : memref<208x64xf32, #tpu.memory_space<vmem>>[vector<16xi32>, vector<16xi32>], vector<16xf32>,
        %mul3A_608 = arith.mulf %gather3A_531, %gather3A_607 : vector<16xf32>
        %add3A_609 = arith.addf %add3A_523, %mul3A_608 : vector<16xf32>
        %scan3A_610 = arith.constant 3 : i32
        %scan3A_611 = arith.addi %scan3A_341, %scan3A_610 : i32
        %add3A_612 = vector.broadcast %scan3A_611 : i32 to vector<16xi32>
        %add3A_613 = arith.addi %iota3A, %add3A_612 : vector<16xi32>
        %and3A_614 = arith.constant 63 : i32
        %and3A_615 = vector.broadcast %and3A_614 : i32 to vector<16xi32>
        %and3A_616 = arith.andi %add3A_613, %and3A_615 : vector<16xi32>
        %gather3A_617 = tpu.vector_load_idx %arg18[%broadcast_in_dim3A_253, %and3A_616] : memref<128x64xf32, #tpu.memory_space<vmem>>[vector<16xi32>, vector<16xi32>], vector<16xf32>,
        %add3A_618 = arith.constant 0 : i32
        %add3A_619 = vector.broadcast %add3A_618 : i32 to vector<16xi32>
        %add3A_620 = arith.addi %iota3A, %add3A_619 : vector<16xi32>
        %gather3A_621 = tpu.vector_load_idx %arg21[%add3A_620, %and3A_616] : memref<208x64xf32, #tpu.memory_space<vmem>>[vector<16xi32>, vector<16xi32>], vector<16xf32>,
        %mul3A_622 = arith.mulf %gather3A_617, %gather3A_621 : vector<16xf32>
        %add3A_623 = arith.addf %add3A_537, %mul3A_622 : vector<16xf32>
        %add3A_624 = arith.constant 16 : i32
        %add3A_625 = vector.broadcast %add3A_624 : i32 to vector<16xi32>
        %add3A_626 = arith.addi %iota3A, %add3A_625 : vector<16xi32>
        %gather3A_627 = tpu.vector_load_idx %arg21[%add3A_626, %and3A_616] : memref<208x64xf32, #tpu.memory_space<vmem>>[vector<16xi32>, vector<16xi32>], vector<16xf32>,
        %mul3A_628 = arith.mulf %gather3A_617, %gather3A_627 : vector<16xf32>
        %add3A_629 = arith.addf %add3A_543, %mul3A_628 : vector<16xf32>
        %add3A_630 = arith.constant 32 : i32
        %add3A_631 = vector.broadcast %add3A_630 : i32 to vector<16xi32>
        %add3A_632 = arith.addi %iota3A, %add3A_631 : vector<16xi32>
        %gather3A_633 = tpu.vector_load_idx %arg21[%add3A_632, %and3A_616] : memref<208x64xf32, #tpu.memory_space<vmem>>[vector<16xi32>, vector<16xi32>], vector<16xf32>,
        %mul3A_634 = arith.mulf %gather3A_617, %gather3A_633 : vector<16xf32>
        %add3A_635 = arith.addf %add3A_549, %mul3A_634 : vector<16xf32>
        %add3A_636 = arith.constant 48 : i32
        %add3A_637 = vector.broadcast %add3A_636 : i32 to vector<16xi32>
        %add3A_638 = arith.addi %iota3A, %add3A_637 : vector<16xi32>
        %gather3A_639 = tpu.vector_load_idx %arg21[%add3A_638, %and3A_616] : memref<208x64xf32, #tpu.memory_space<vmem>>[vector<16xi32>, vector<16xi32>], vector<16xf32>,
        %mul3A_640 = arith.mulf %gather3A_617, %gather3A_639 : vector<16xf32>
        %add3A_641 = arith.addf %add3A_555, %mul3A_640 : vector<16xf32>
        %add3A_642 = arith.constant 64 : i32
        %add3A_643 = vector.broadcast %add3A_642 : i32 to vector<16xi32>
        %add3A_644 = arith.addi %iota3A, %add3A_643 : vector<16xi32>
        %gather3A_645 = tpu.vector_load_idx %arg21[%add3A_644, %and3A_616] : memref<208x64xf32, #tpu.memory_space<vmem>>[vector<16xi32>, vector<16xi32>], vector<16xf32>,
        %mul3A_646 = arith.mulf %gather3A_617, %gather3A_645 : vector<16xf32>
        %add3A_647 = arith.addf %add3A_561, %mul3A_646 : vector<16xf32>
        %add3A_648 = arith.constant 80 : i32
        %add3A_649 = vector.broadcast %add3A_648 : i32 to vector<16xi32>
        %add3A_650 = arith.addi %iota3A, %add3A_649 : vector<16xi32>
        %gather3A_651 = tpu.vector_load_idx %arg21[%add3A_650, %and3A_616] : memref<208x64xf32, #tpu.memory_space<vmem>>[vector<16xi32>, vector<16xi32>], vector<16xf32>,
        %mul3A_652 = arith.mulf %gather3A_617, %gather3A_651 : vector<16xf32>
        %add3A_653 = arith.addf %add3A_567, %mul3A_652 : vector<16xf32>
        %add3A_654 = arith.constant 96 : i32
        %add3A_655 = vector.broadcast %add3A_654 : i32 to vector<16xi32>
        %add3A_656 = arith.addi %iota3A, %add3A_655 : vector<16xi32>
        %gather3A_657 = tpu.vector_load_idx %arg21[%add3A_656, %and3A_616] : memref<208x64xf32, #tpu.memory_space<vmem>>[vector<16xi32>, vector<16xi32>], vector<16xf32>,
        %mul3A_658 = arith.mulf %gather3A_617, %gather3A_657 : vector<16xf32>
        %add3A_659 = arith.addf %add3A_573, %mul3A_658 : vector<16xf32>
        %add3A_660 = arith.constant 112 : i32
        %add3A_661 = vector.broadcast %add3A_660 : i32 to vector<16xi32>
        %add3A_662 = arith.addi %iota3A, %add3A_661 : vector<16xi32>
        %gather3A_663 = tpu.vector_load_idx %arg21[%add3A_662, %and3A_616] : memref<208x64xf32, #tpu.memory_space<vmem>>[vector<16xi32>, vector<16xi32>], vector<16xf32>,
        %mul3A_664 = arith.mulf %gather3A_617, %gather3A_663 : vector<16xf32>
        %add3A_665 = arith.addf %add3A_579, %mul3A_664 : vector<16xf32>
        %add3A_666 = arith.constant 128 : i32
        %add3A_667 = vector.broadcast %add3A_666 : i32 to vector<16xi32>
        %add3A_668 = arith.addi %iota3A, %add3A_667 : vector<16xi32>
        %gather3A_669 = tpu.vector_load_idx %arg21[%add3A_668, %and3A_616] : memref<208x64xf32, #tpu.memory_space<vmem>>[vector<16xi32>, vector<16xi32>], vector<16xf32>,
        %mul3A_670 = arith.mulf %gather3A_617, %gather3A_669 : vector<16xf32>
        %add3A_671 = arith.addf %add3A_585, %mul3A_670 : vector<16xf32>
        %add3A_672 = arith.constant 144 : i32
        %add3A_673 = vector.broadcast %add3A_672 : i32 to vector<16xi32>
        %add3A_674 = arith.addi %iota3A, %add3A_673 : vector<16xi32>
        %gather3A_675 = tpu.vector_load_idx %arg21[%add3A_674, %and3A_616] : memref<208x64xf32, #tpu.memory_space<vmem>>[vector<16xi32>, vector<16xi32>], vector<16xf32>,
        %mul3A_676 = arith.mulf %gather3A_617, %gather3A_675 : vector<16xf32>
        %add3A_677 = arith.addf %add3A_591, %mul3A_676 : vector<16xf32>
        %add3A_678 = arith.constant 160 : i32
        %add3A_679 = vector.broadcast %add3A_678 : i32 to vector<16xi32>
        %add3A_680 = arith.addi %iota3A, %add3A_679 : vector<16xi32>
        %gather3A_681 = tpu.vector_load_idx %arg21[%add3A_680, %and3A_616] : memref<208x64xf32, #tpu.memory_space<vmem>>[vector<16xi32>, vector<16xi32>], vector<16xf32>,
        %mul3A_682 = arith.mulf %gather3A_617, %gather3A_681 : vector<16xf32>
        %add3A_683 = arith.addf %add3A_597, %mul3A_682 : vector<16xf32>
        %add3A_684 = arith.constant 176 : i32
        %add3A_685 = vector.broadcast %add3A_684 : i32 to vector<16xi32>
        %add3A_686 = arith.addi %iota3A, %add3A_685 : vector<16xi32>
        %gather3A_687 = tpu.vector_load_idx %arg21[%add3A_686, %and3A_616] : memref<208x64xf32, #tpu.memory_space<vmem>>[vector<16xi32>, vector<16xi32>], vector<16xf32>,
        %mul3A_688 = arith.mulf %gather3A_617, %gather3A_687 : vector<16xf32>
        %add3A_689 = arith.addf %add3A_603, %mul3A_688 : vector<16xf32>
        %add3A_690 = arith.constant 192 : i32
        %add3A_691 = vector.broadcast %add3A_690 : i32 to vector<16xi32>
        %add3A_692 = arith.addi %iota3A, %add3A_691 : vector<16xi32>
        %gather3A_693 = tpu.vector_load_idx %arg21[%add3A_692, %and3A_616] : memref<208x64xf32, #tpu.memory_space<vmem>>[vector<16xi32>, vector<16xi32>], vector<16xf32>,
        %mul3A_694 = arith.mulf %gather3A_617, %gather3A_693 : vector<16xf32>
        %add3A_695 = arith.addf %add3A_609, %mul3A_694 : vector<16xf32>
        scf.yield %add3A_623, %add3A_629, %add3A_635, %add3A_641, %add3A_647, %add3A_653, %add3A_659, %add3A_665, %add3A_671, %add3A_677, %add3A_683, %add3A_689, %add3A_695 : vector<16xf32>, vector<16xf32>, vector<16xf32>, vector<16xf32>, vector<16xf32>, vector<16xf32>, vector<16xf32>, vector<16xf32>, vector<16xf32>, vector<16xf32>, vector<16xf32>, vector<16xf32>, vector<16xf32>
      }
      %scan3A_285 = arith.constant 64 : i32
      %swap3A_286 = arith.constant 0 : index
      %swap3A_287 = tpu.vector_load %arg23[%swap3A_286] {strides = array<i32>} : memref<208xf32, #tpu.memory_space<vmem>>, vector<16xf32>,
      tpu.vector_store %arg23[%swap3A_286], %scan3A_284#0 {strides = array<i32>} : memref<208xf32, #tpu.memory_space<vmem>>, vector<16xf32>,
      %swap3A_288 = arith.constant 16 : index
      %swap3A_289 = tpu.vector_load %arg23[%swap3A_288] {strides = array<i32>} : memref<208xf32, #tpu.memory_space<vmem>>, vector<16xf32>,
      tpu.vector_store %arg23[%swap3A_288], %scan3A_284#1 {strides = array<i32>} : memref<208xf32, #tpu.memory_space<vmem>>, vector<16xf32>,
      %swap3A_290 = arith.constant 32 : index
      %swap3A_291 = tpu.vector_load %arg23[%swap3A_290] {strides = array<i32>} : memref<208xf32, #tpu.memory_space<vmem>>, vector<16xf32>,
      tpu.vector_store %arg23[%swap3A_290], %scan3A_284#2 {strides = array<i32>} : memref<208xf32, #tpu.memory_space<vmem>>, vector<16xf32>,
      %swap3A_292 = arith.constant 48 : index
      %swap3A_293 = tpu.vector_load %arg23[%swap3A_292] {strides = array<i32>} : memref<208xf32, #tpu.memory_space<vmem>>, vector<16xf32>,
      tpu.vector_store %arg23[%swap3A_292], %scan3A_284#3 {strides = array<i32>} : memref<208xf32, #tpu.memory_space<vmem>>, vector<16xf32>,
      %swap3A_294 = arith.constant 64 : index
      %swap3A_295 = tpu.vector_load %arg23[%swap3A_294] {strides = array<i32>} : memref<208xf32, #tpu.memory_space<vmem>>, vector<16xf32>,
      tpu.vector_store %arg23[%swap3A_294], %scan3A_284#4 {strides = array<i32>} : memref<208xf32, #tpu.memory_space<vmem>>, vector<16xf32>,
      %swap3A_296 = arith.constant 80 : index
      %swap3A_297 = tpu.vector_load %arg23[%swap3A_296] {strides = array<i32>} : memref<208xf32, #tpu.memory_space<vmem>>, vector<16xf32>,
      tpu.vector_store %arg23[%swap3A_296], %scan3A_284#5 {strides = array<i32>} : memref<208xf32, #tpu.memory_space<vmem>>, vector<16xf32>,
      %swap3A_298 = arith.constant 96 : index
      %swap3A_299 = tpu.vector_load %arg23[%swap3A_298] {strides = array<i32>} : memref<208xf32, #tpu.memory_space<vmem>>, vector<16xf32>,
      tpu.vector_store %arg23[%swap3A_298], %scan3A_284#6 {strides = array<i32>} : memref<208xf32, #tpu.memory_space<vmem>>, vector<16xf32>,
      %swap3A_300 = arith.constant 112 : index
      %swap3A_301 = tpu.vector_load %arg23[%swap3A_300] {strides = array<i32>} : memref<208xf32, #tpu.memory_space<vmem>>, vector<16xf32>,
      tpu.vector_store %arg23[%swap3A_300], %scan3A_284#7 {strides = array<i32>} : memref<208xf32, #tpu.memory_space<vmem>>, vector<16xf32>,
      %swap3A_302 = arith.constant 128 : index
      %swap3A_303 = tpu.vector_load %arg23[%swap3A_302] {strides = array<i32>} : memref<208xf32, #tpu.memory_space<vmem>>, vector<16xf32>,
      tpu.vector_store %arg23[%swap3A_302], %scan3A_284#8 {strides = array<i32>} : memref<208xf32, #tpu.memory_space<vmem>>, vector<16xf32>,
      %swap3A_304 = arith.constant 144 : index
      %swap3A_305 = tpu.vector_load %arg23[%swap3A_304] {strides = array<i32>} : memref<208xf32, #tpu.memory_space<vmem>>, vector<16xf32>,
      tpu.vector_store %arg23[%swap3A_304], %scan3A_284#9 {strides = array<i32>} : memref<208xf32, #tpu.memory_space<vmem>>, vector<16xf32>,
      %swap3A_306 = arith.constant 160 : index
      %swap3A_307 = tpu.vector_load %arg23[%swap3A_306] {strides = array<i32>} : memref<208xf32, #tpu.memory_space<vmem>>, vector<16xf32>,
      tpu.vector_store %arg23[%swap3A_306], %scan3A_284#10 {strides = array<i32>} : memref<208xf32, #tpu.memory_space<vmem>>, vector<16xf32>,
      %swap3A_308 = arith.constant 176 : index
      %swap3A_309 = tpu.vector_load %arg23[%swap3A_308] {strides = array<i32>} : memref<208xf32, #tpu.memory_space<vmem>>, vector<16xf32>,
      tpu.vector_store %arg23[%swap3A_308], %scan3A_284#11 {strides = array<i32>} : memref<208xf32, #tpu.memory_space<vmem>>, vector<16xf32>,
      %swap3A_310 = arith.constant 192 : index
      %swap3A_311 = tpu.vector_load %arg23[%swap3A_310] {strides = array<i32>} : memref<208xf32, #tpu.memory_space<vmem>>, vector<16xf32>,
      tpu.vector_store %arg23[%swap3A_310], %scan3A_284#12 {strides = array<i32>} : memref<208xf32, #tpu.memory_space<vmem>>, vector<16xf32>,
      %add3A_312 = arith.addi %mul3A_2, %add3A_235 : i32
      %dma_start3A_313 = arith.constant 0 : i32
      %dma_start3A_314 = tpu.memref_slice %arg23[%dma_start3A_313] : memref<208xf32, #tpu.memory_space<vmem>> -> memref<128xf32, #tpu.memory_space<vmem>>
      %dma_start3A_315 = arith.constant 0 : i32
      %dma_start3A_316 = tpu.memref_slice %arg9[%add3A_312, %dma_start3A_315] : memref<4096x128xf32, #tpu.memory_space<hbm>> -> memref<1x128xf32, #tpu.memory_space<hbm>>
      %dma_start3A_317 = tpu.memref_squeeze %dma_start3A_316 : memref<1x128xf32, #tpu.memory_space<hbm>> -> memref<128xf32, #tpu.memory_space<hbm>>
      %dma_start3A_318 = arith.constant 0 : i32
      %dma_start3A_319 = tpu.memref_slice %arg9[%add3A_312, %dma_start3A_318] : memref<4096x128xf32, #tpu.memory_space<hbm>> -> memref<1x128xf32, #tpu.memory_space<hbm>>
      %dma_start3A_320 = tpu.memref_squeeze %dma_start3A_319 : memref<1x128xf32, #tpu.memory_space<hbm>> -> memref<128xf32, #tpu.memory_space<hbm>>
      %dma_start3A_321 = arith.constant 0 : i32
      %dma_start3A_322 = tpu.memref_slice %arg23[%dma_start3A_321] : memref<208xf32, #tpu.memory_space<vmem>> -> memref<128xf32, #tpu.memory_space<vmem>>
      tpu.enqueue_dma source(%dma_start3A_322 : memref<128xf32, #tpu.memory_space<vmem>>) target(%dma_start3A_320 : memref<128xf32, #tpu.memory_space<hbm>>) target_semaphore(%arg28 : memref<!tpu.dma_semaphore, #tpu.memory_space<semaphore_mem>>)
      %add3A_323 = arith.addi %mul3A_2, %add3A_235 : i32
      %dma_start3A_324 = arith.constant 72 : i32
      %dma_start3A_325 = tpu.memref_slice %arg23[%dma_start3A_324] : memref<208xf32, #tpu.memory_space<vmem>> -> memref<128xf32, #tpu.memory_space<vmem>>
      %dma_start3A_326 = arith.constant 0 : i32
      %dma_start3A_327 = tpu.memref_slice %arg10[%add3A_323, %dma_start3A_326] : memref<4096x128xf32, #tpu.memory_space<hbm>> -> memref<1x128xf32, #tpu.memory_space<hbm>>
      %dma_start3A_328 = tpu.memref_squeeze %dma_start3A_327 : memref<1x128xf32, #tpu.memory_space<hbm>> -> memref<128xf32, #tpu.memory_space<hbm>>
      %dma_start3A_329 = arith.constant 0 : i32
      %dma_start3A_330 = tpu.memref_slice %arg10[%add3A_323, %dma_start3A_329] : memref<4096x128xf32, #tpu.memory_space<hbm>> -> memref<1x128xf32, #tpu.memory_space<hbm>>
      %dma_start3A_331 = tpu.memref_squeeze %dma_start3A_330 : memref<1x128xf32, #tpu.memory_space<hbm>> -> memref<128xf32, #tpu.memory_space<hbm>>
      %dma_start3A_332 = arith.constant 72 : i32
      %dma_start3A_333 = tpu.memref_slice %arg23[%dma_start3A_332] : memref<208xf32, #tpu.memory_space<vmem>> -> memref<128xf32, #tpu.memory_space<vmem>>
      tpu.enqueue_dma source(%dma_start3A_333 : memref<128xf32, #tpu.memory_space<vmem>>) target(%dma_start3A_331 : memref<128xf32, #tpu.memory_space<hbm>>) target_semaphore(%arg28 : memref<!tpu.dma_semaphore, #tpu.memory_space<semaphore_mem>>)
      %add3A_334 = arith.constant 2 : i32
      %add3A_335 = arith.addi %add3A_235, %add3A_334 : i32
      %lt3A_336 = arith.constant 128 : i32
      %lt3A_337 = arith.cmpi slt, %add3A_335, %lt3A_336 : i32
      %convert_element_type3A_338 = arith.extui %lt3A_337 : i1 to i32
      %cond3A_339 = arith.constant 0 : i32
      %cond3A_340 = arith.cmpi ne, %convert_element_type3A_338, %cond3A_339 : i32
      scf.if %cond3A_340 {
        %add3A_341 = arith.constant 2 : i32
        %add3A_342 = arith.addi %add3A_235, %add3A_341 : i32
        %dma_start3A_343 = arith.constant 0 : i32
        %dma_start3A_344 = arith.constant 0 : i32
        %dma_start3A_345 = tpu.memref_slice %arg21[%dma_start3A_343, %dma_start3A_344] : memref<208x64xf32, #tpu.memory_space<vmem>> -> memref<128x64xf32, #tpu.memory_space<vmem>>
        %dma_start3A_346 = arith.constant 0 : i32
        %dma_start3A_347 = tpu.memref_slice %arg13[%add3A_342, %dma_start3A_346] : memref<128x128xi32, #tpu.memory_space<vmem>> -> memref<1x128xi32, #tpu.memory_space<vmem>>
        %dma_start3A_348 = tpu.memref_squeeze %dma_start3A_347 : memref<1x128xi32, #tpu.memory_space<vmem>> -> memref<128xi32, #tpu.memory_space<vmem>>
        %dma_start3A_349 = arith.constant 0 : i32
        %dma_start3A_350 = arith.constant 0 : i32
        %dma_start3A_351 = tpu.memref_slice %arg6[%dma_start3A_349, %dma_start3A_350] : memref<1000000x64xf32, #tpu.memory_space<hbm>> -> memref<1000000x64xf32, #tpu.memory_space<hbm>>
        tpu.enqueue_indirect_dma source(%dma_start3A_351 : memref<1000000x64xf32, #tpu.memory_space<hbm>>) target(%dma_start3A_345 : memref<128x64xf32, #tpu.memory_space<vmem>>) offsets(%dma_start3A_348 : memref<128xi32, #tpu.memory_space<vmem>>) semaphore(%arg26 : memref<!tpu.dma_semaphore, #tpu.memory_space<semaphore_mem>>)
        %dma_start3A_352 = arith.constant 128 : i32
        %dma_start3A_353 = arith.constant 0 : i32
        %dma_start3A_354 = tpu.memref_slice %arg21[%dma_start3A_352, %dma_start3A_353] : memref<208x64xf32, #tpu.memory_space<vmem>> -> memref<72x64xf32, #tpu.memory_space<vmem>>
        %dma_start3A_355 = arith.constant 56 : i32
        %dma_start3A_356 = tpu.memref_slice %arg14[%add3A_342, %dma_start3A_355] : memref<128x128xi32, #tpu.memory_space<vmem>> -> memref<1x72xi32, #tpu.memory_space<vmem>>
        %dma_start3A_357 = tpu.memref_squeeze %dma_start3A_356 : memref<1x72xi32, #tpu.memory_space<vmem>> -> memref<72xi32, #tpu.memory_space<vmem>>
        %dma_start3A_358 = arith.constant 0 : i32
        %dma_start3A_359 = arith.constant 0 : i32
        %dma_start3A_360 = tpu.memref_slice %arg6[%dma_start3A_358, %dma_start3A_359] : memref<1000000x64xf32, #tpu.memory_space<hbm>> -> memref<1000000x64xf32, #tpu.memory_space<hbm>>
        tpu.enqueue_indirect_dma source(%dma_start3A_360 : memref<1000000x64xf32, #tpu.memory_space<hbm>>) target(%dma_start3A_354 : memref<72x64xf32, #tpu.memory_space<vmem>>) offsets(%dma_start3A_357 : memref<72xi32, #tpu.memory_space<vmem>>) semaphore(%arg26 : memref<!tpu.dma_semaphore, #tpu.memory_space<semaphore_mem>>)
      } else {
      }
    }
    %scan3A_85 = arith.constant 64 : i32
    %dma_wait3A_86 = arith.constant 0 : i32
    %dma_wait3A_87 = arith.constant 0 : i32
    %dma_wait3A_88 = tpu.memref_slice %arg22[%dma_wait3A_87] : memref<208xf32, #tpu.memory_space<vmem>> -> memref<128xf32, #tpu.memory_space<vmem>>
    %dma_wait3A_89 = arith.constant 0 : i32
    %dma_wait3A_90 = tpu.memref_slice %arg9[%dma_wait3A_86, %dma_wait3A_89] : memref<4096x128xf32, #tpu.memory_space<hbm>> -> memref<1x128xf32, #tpu.memory_space<hbm>>
    %dma_wait3A_91 = tpu.memref_squeeze %dma_wait3A_90 : memref<1x128xf32, #tpu.memory_space<hbm>> -> memref<128xf32, #tpu.memory_space<hbm>>
    %dma_wait3A_92 = arith.constant 0 : i32
    %dma_wait3A_93 = tpu.memref_slice %arg9[%dma_wait3A_86, %dma_wait3A_92] : memref<4096x128xf32, #tpu.memory_space<hbm>> -> memref<1x128xf32, #tpu.memory_space<hbm>>
    %dma_wait3A_94 = tpu.memref_squeeze %dma_wait3A_93 : memref<1x128xf32, #tpu.memory_space<hbm>> -> memref<128xf32, #tpu.memory_space<hbm>>
    %dma_wait3A_95 = arith.constant 0 : i32
    %dma_wait3A_96 = tpu.memref_slice %arg22[%dma_wait3A_95] : memref<208xf32, #tpu.memory_space<vmem>> -> memref<128xf32, #tpu.memory_space<vmem>>
    tpu.wait_dma2 semaphore(%arg27 : memref<!tpu.dma_semaphore, #tpu.memory_space<semaphore_mem>>) src(%dma_wait3A_96 : memref<128xf32, #tpu.memory_space<vmem>>) dst(%dma_wait3A_94 : memref<128xf32, #tpu.memory_space<hbm>>)
    %dma_wait3A_97 = arith.constant 0 : i32
    %dma_wait3A_98 = arith.constant 0 : i32
    %dma_wait3A_99 = tpu.memref_slice %arg22[%dma_wait3A_98] : memref<208xf32, #tpu.memory_space<vmem>> -> memref<128xf32, #tpu.memory_space<vmem>>
    %dma_wait3A_100 = arith.constant 0 : i32
    %dma_wait3A_101 = tpu.memref_slice %arg10[%dma_wait3A_97, %dma_wait3A_100] : memref<4096x128xf32, #tpu.memory_space<hbm>> -> memref<1x128xf32, #tpu.memory_space<hbm>>
    %dma_wait3A_102 = tpu.memref_squeeze %dma_wait3A_101 : memref<1x128xf32, #tpu.memory_space<hbm>> -> memref<128xf32, #tpu.memory_space<hbm>>
    %dma_wait3A_103 = arith.constant 0 : i32
    %dma_wait3A_104 = tpu.memref_slice %arg10[%dma_wait3A_97, %dma_wait3A_103] : memref<4096x128xf32, #tpu.memory_space<hbm>> -> memref<1x128xf32, #tpu.memory_space<hbm>>
    %dma_wait3A_105 = tpu.memref_squeeze %dma_wait3A_104 : memref<1x128xf32, #tpu.memory_space<hbm>> -> memref<128xf32, #tpu.memory_space<hbm>>
    %dma_wait3A_106 = arith.constant 0 : i32
    %dma_wait3A_107 = tpu.memref_slice %arg22[%dma_wait3A_106] : memref<208xf32, #tpu.memory_space<vmem>> -> memref<128xf32, #tpu.memory_space<vmem>>
    tpu.wait_dma2 semaphore(%arg27 : memref<!tpu.dma_semaphore, #tpu.memory_space<semaphore_mem>>) src(%dma_wait3A_107 : memref<128xf32, #tpu.memory_space<vmem>>) dst(%dma_wait3A_105 : memref<128xf32, #tpu.memory_space<hbm>>)
    %dma_wait3A_108 = arith.constant 0 : i32
    %dma_wait3A_109 = arith.constant 0 : i32
    %dma_wait3A_110 = tpu.memref_slice %arg23[%dma_wait3A_109] : memref<208xf32, #tpu.memory_space<vmem>> -> memref<128xf32, #tpu.memory_space<vmem>>
    %dma_wait3A_111 = arith.constant 0 : i32
    %dma_wait3A_112 = tpu.memref_slice %arg9[%dma_wait3A_108, %dma_wait3A_111] : memref<4096x128xf32, #tpu.memory_space<hbm>> -> memref<1x128xf32, #tpu.memory_space<hbm>>
    %dma_wait3A_113 = tpu.memref_squeeze %dma_wait3A_112 : memref<1x128xf32, #tpu.memory_space<hbm>> -> memref<128xf32, #tpu.memory_space<hbm>>
    %dma_wait3A_114 = arith.constant 0 : i32
    %dma_wait3A_115 = tpu.memref_slice %arg9[%dma_wait3A_108, %dma_wait3A_114] : memref<4096x128xf32, #tpu.memory_space<hbm>> -> memref<1x128xf32, #tpu.memory_space<hbm>>
    %dma_wait3A_116 = tpu.memref_squeeze %dma_wait3A_115 : memref<1x128xf32, #tpu.memory_space<hbm>> -> memref<128xf32, #tpu.memory_space<hbm>>
    %dma_wait3A_117 = arith.constant 0 : i32
    %dma_wait3A_118 = tpu.memref_slice %arg23[%dma_wait3A_117] : memref<208xf32, #tpu.memory_space<vmem>> -> memref<128xf32, #tpu.memory_space<vmem>>
    tpu.wait_dma2 semaphore(%arg28 : memref<!tpu.dma_semaphore, #tpu.memory_space<semaphore_mem>>) src(%dma_wait3A_118 : memref<128xf32, #tpu.memory_space<vmem>>) dst(%dma_wait3A_116 : memref<128xf32, #tpu.memory_space<hbm>>)
    %dma_wait3A_119 = arith.constant 0 : i32
    %dma_wait3A_120 = arith.constant 0 : i32
    %dma_wait3A_121 = tpu.memref_slice %arg23[%dma_wait3A_120] : memref<208xf32, #tpu.memory_space<vmem>> -> memref<128xf32, #tpu.memory_space<vmem>>
    %dma_wait3A_122 = arith.constant 0 : i32
    %dma_wait3A_123 = tpu.memref_slice %arg10[%dma_wait3A_119, %dma_wait3A_122] : memref<4096x128xf32, #tpu.memory_space<hbm>> -> memref<1x128xf32, #tpu.memory_space<hbm>>
    %dma_wait3A_124 = tpu.memref_squeeze %dma_wait3A_123 : memref<1x128xf32, #tpu.memory_space<hbm>> -> memref<128xf32, #tpu.memory_space<hbm>>
    %dma_wait3A_125 = arith.constant 0 : i32
    %dma_wait3A_126 = tpu.memref_slice %arg10[%dma_wait3A_119, %dma_wait3A_125] : memref<4096x128xf32, #tpu.memory_space<hbm>> -> memref<1x128xf32, #tpu.memory_space<hbm>>
    %dma_wait3A_127 = tpu.memref_squeeze %dma_wait3A_126 : memref<1x128xf32, #tpu.memory_space<hbm>> -> memref<128xf32, #tpu.memory_space<hbm>>
    %dma_wait3A_128 = arith.constant 0 : i32
    %dma_wait3A_129 = tpu.memref_slice %arg23[%dma_wait3A_128] : memref<208xf32, #tpu.memory_space<vmem>> -> memref<128xf32, #tpu.memory_space<vmem>>
    tpu.wait_dma2 semaphore(%arg28 : memref<!tpu.dma_semaphore, #tpu.memory_space<semaphore_mem>>) src(%dma_wait3A_129 : memref<128xf32, #tpu.memory_space<vmem>>) dst(%dma_wait3A_127 : memref<128xf32, #tpu.memory_space<hbm>>)
    "tpu.region"() ({
      %run_scoped3A = tpu.sem_alloc : memref<!tpu.dma_semaphore, #tpu.memory_space<semaphore_mem>>
      %dma_start3A_130 = tpu.memref_slice %arg8[%mul3A_2] : memref<4096xf32, #tpu.memory_space<hbm>> -> memref<128xf32, #tpu.memory_space<hbm>>
      %dma_start3A_131 = tpu.memref_slice %arg8[%mul3A_2] : memref<4096xf32, #tpu.memory_space<hbm>> -> memref<128xf32, #tpu.memory_space<hbm>>
      tpu.enqueue_dma source(%arg19 : memref<128xf32, #tpu.memory_space<vmem>>) target(%dma_start3A_131 : memref<128xf32, #tpu.memory_space<hbm>>) target_semaphore(%run_scoped3A : memref<!tpu.dma_semaphore, #tpu.memory_space<semaphore_mem>>)
      %dma_wait3A_132 = tpu.memref_slice %arg8[%mul3A_2] : memref<4096xf32, #tpu.memory_space<hbm>> -> memref<128xf32, #tpu.memory_space<hbm>>
      %dma_wait3A_133 = tpu.memref_slice %arg8[%mul3A_2] : memref<4096xf32, #tpu.memory_space<hbm>> -> memref<128xf32, #tpu.memory_space<hbm>>
      tpu.wait_dma2 semaphore(%run_scoped3A : memref<!tpu.dma_semaphore, #tpu.memory_space<semaphore_mem>>) src(%arg19 : memref<128xf32, #tpu.memory_space<vmem>>) dst(%dma_wait3A_133 : memref<128xf32, #tpu.memory_space<hbm>>)
      tpu.yield
    }) : () -> ()
    return
  }
}

module attributes {stable_mosaic.version = 14 : i64} {
  func.func @_pre_body(%arg0: memref<4096x200xi32, #tpu.memory_space<vmem>>, %arg1: memref<4096x128xi32, #tpu.memory_space<vmem>>, %arg2: memref<4096x128xi32, #tpu.memory_space<vmem>>) attributes {dimension_semantics = [], scalar_prefetch = 0 : i64, scratch_operands = 0 : i64, tpu.core_type = #tpu.core_type<tc>} {
    %get3A = arith.constant 0 : index
    %get3A_0 = arith.constant 0 : index
    %get3A_1 = vector.load %arg0[%get3A, %get3A_0] : memref<4096x200xi32, #tpu.memory_space<vmem>>, vector<4096x128xi32>
    %swap3A = arith.constant 0 : index
    %swap3A_2 = arith.constant 0 : index
    %swap3A_3 = vector.load %arg1[%swap3A, %swap3A_2] : memref<4096x128xi32, #tpu.memory_space<vmem>>, vector<4096x128xi32>
    tpu.vector_store %arg1[%swap3A, %swap3A_2], %get3A_1 {strides = array<i32>} : memref<4096x128xi32, #tpu.memory_space<vmem>>, vector<4096x128xi32>,
    %get3A_4 = arith.constant 0 : index
    %get3A_5 = arith.constant 72 : index
    %get3A_6 = vector.load %arg0[%get3A_4, %get3A_5] : memref<4096x200xi32, #tpu.memory_space<vmem>>, vector<4096x128xi32>
    %swap3A_7 = arith.constant 0 : index
    %swap3A_8 = arith.constant 0 : index
    %swap3A_9 = vector.load %arg2[%swap3A_7, %swap3A_8] : memref<4096x128xi32, #tpu.memory_space<vmem>>, vector<4096x128xi32>
    tpu.vector_store %arg2[%swap3A_7, %swap3A_8], %get3A_6 {strides = array<i32>} : memref<4096x128xi32, #tpu.memory_space<vmem>>, vector<4096x128xi32>,
    return
  }
}

module attributes {stable_mosaic.version = 14 : i64} {
  func.func @_ls_body(%arg0: memref<32x128xf32, #tpu.memory_space<vmem>>, %arg1: memref<4096x128xf32, #tpu.memory_space<vmem>>, %arg2: memref<4096x128xf32, #tpu.memory_space<vmem>>, %arg3: memref<32x128xf32, #tpu.memory_space<vmem>>, %arg4: memref<4096x1xf32, #tpu.memory_space<vmem>>, %arg5: memref<4096x200xf32, #tpu.memory_space<vmem>>) attributes {dimension_semantics = [], scalar_prefetch = 0 : i64, scratch_operands = 0 : i64, tpu.core_type = #tpu.core_type<tc>} {
    %get3A = arith.constant 0 : index
    %get3A_0 = arith.constant 0 : index
    %get3A_1 = vector.load %arg0[%get3A, %get3A_0] : memref<32x128xf32, #tpu.memory_space<vmem>>, vector<32x128xf32>
    %min3A = arith.constant 0.000000e+00 : f32
    %min3A_2 = vector.broadcast %min3A : f32 to vector<32x128xf32>
    %min3A_3 = arith.minimumf %get3A_1, %min3A_2 : vector<32x128xf32>
    %abs3A = math.absf %get3A_1 : vector<32x128xf32>
    %neg3A = arith.constant 0.000000e+00 : f32
    %neg3A_4 = vector.broadcast %neg3A : f32 to vector<32x128xf32>
    %neg3A_5 = arith.subf %neg3A_4, %abs3A : vector<32x128xf32>
    %exp3A = math.exp %neg3A_5 : vector<32x128xf32>
    %log1p3A = math.log1p %exp3A : vector<32x128xf32>
    %sub3A = arith.subf %min3A_3, %log1p3A : vector<32x128xf32>
    %swap3A = arith.constant 0 : index
    %swap3A_6 = arith.constant 0 : index
    %swap3A_7 = vector.load %arg3[%swap3A, %swap3A_6] : memref<32x128xf32, #tpu.memory_space<vmem>>, vector<32x128xf32>
    tpu.vector_store %arg3[%swap3A, %swap3A_6], %sub3A {strides = array<i32>} : memref<32x128xf32, #tpu.memory_space<vmem>>, vector<32x128xf32>,
    %get3A_8 = arith.constant 0 : index
    %get3A_9 = arith.constant 0 : index
    %get3A_10 = vector.load %arg1[%get3A_8, %get3A_9] : memref<4096x128xf32, #tpu.memory_space<vmem>>, vector<4096x128xf32>
    %get3A_11 = arith.constant 0 : index
    %get3A_12 = arith.constant 0 : index
    %get3A_13 = vector.load %arg2[%get3A_11, %get3A_12] : memref<4096x128xf32, #tpu.memory_space<vmem>>, vector<4096x128xf32>
    %slice3A = vector.extract_strided_slice %get3A_13 {offsets = [0, 56], sizes = [4096, 72], strides = [1, 1]} : vector<4096x128xf32> to vector<4096x72xf32>
    %swap3A_14 = arith.constant 0 : index
    %swap3A_15 = arith.constant 0 : index
    %swap3A_16 = vector.load %arg5[%swap3A_14, %swap3A_15] : memref<4096x200xf32, #tpu.memory_space<vmem>>, vector<4096x128xf32>
    tpu.vector_store %arg5[%swap3A_14, %swap3A_15], %get3A_10 {strides = array<i32>} : memref<4096x200xf32, #tpu.memory_space<vmem>>, vector<4096x128xf32>,
    %swap3A_17 = arith.constant 0 : index
    %swap3A_18 = arith.constant 128 : index
    %swap3A_19 = vector.load %arg5[%swap3A_17, %swap3A_18] : memref<4096x200xf32, #tpu.memory_space<vmem>>, vector<4096x72xf32>
    tpu.vector_store %arg5[%swap3A_17, %swap3A_18], %slice3A {strides = array<i32>} : memref<4096x200xf32, #tpu.memory_space<vmem>>, vector<4096x72xf32>,
    %neg3A_20 = arith.constant 0.000000e+00 : f32
    %neg3A_21 = vector.broadcast %neg3A_20 : f32 to vector<4096x128xf32>
    %neg3A_22 = arith.subf %neg3A_21, %get3A_10 : vector<4096x128xf32>
    %min3A_23 = arith.constant 0.000000e+00 : f32
    %min3A_24 = vector.broadcast %min3A_23 : f32 to vector<4096x128xf32>
    %min3A_25 = arith.minimumf %neg3A_22, %min3A_24 : vector<4096x128xf32>
    %abs3A_26 = math.absf %neg3A_22 : vector<4096x128xf32>
    %neg3A_27 = arith.constant 0.000000e+00 : f32
    %neg3A_28 = vector.broadcast %neg3A_27 : f32 to vector<4096x128xf32>
    %neg3A_29 = arith.subf %neg3A_28, %abs3A_26 : vector<4096x128xf32>
    %exp3A_30 = math.exp %neg3A_29 : vector<4096x128xf32>
    %log1p3A_31 = math.log1p %exp3A_30 : vector<4096x128xf32>
    %sub3A_32 = arith.subf %min3A_25, %log1p3A_31 : vector<4096x128xf32>
    %reduce_sum3A = arith.constant dense<0.000000e+00> : vector<4096xf32>
    %reduce_sum3A_33 = vector.multi_reduction <add>, %sub3A_32, %reduce_sum3A [1] : vector<4096x128xf32> to vector<4096xf32>
    %broadcast_in_dim3A = vector.shape_cast %reduce_sum3A_33 : vector<4096xf32> to vector<4096x1xf32>
    %neg3A_34 = arith.constant 0.000000e+00 : f32
    %neg3A_35 = vector.broadcast %neg3A_34 : f32 to vector<4096x72xf32>
    %neg3A_36 = arith.subf %neg3A_35, %slice3A : vector<4096x72xf32>
    %min3A_37 = arith.constant 0.000000e+00 : f32
    %min3A_38 = vector.broadcast %min3A_37 : f32 to vector<4096x72xf32>
    %min3A_39 = arith.minimumf %neg3A_36, %min3A_38 : vector<4096x72xf32>
    %abs3A_40 = math.absf %neg3A_36 : vector<4096x72xf32>
    %neg3A_41 = arith.constant 0.000000e+00 : f32
    %neg3A_42 = vector.broadcast %neg3A_41 : f32 to vector<4096x72xf32>
    %neg3A_43 = arith.subf %neg3A_42, %abs3A_40 : vector<4096x72xf32>
    %exp3A_44 = math.exp %neg3A_43 : vector<4096x72xf32>
    %log1p3A_45 = math.log1p %exp3A_44 : vector<4096x72xf32>
    %sub3A_46 = arith.subf %min3A_39, %log1p3A_45 : vector<4096x72xf32>
    %reduce_sum3A_47 = arith.constant dense<0.000000e+00> : vector<4096xf32>
    %reduce_sum3A_48 = vector.multi_reduction <add>, %sub3A_46, %reduce_sum3A_47 [1] : vector<4096x72xf32> to vector<4096xf32>
    %broadcast_in_dim3A_49 = vector.shape_cast %reduce_sum3A_48 : vector<4096xf32> to vector<4096x1xf32>
    %add3A = arith.addf %broadcast_in_dim3A, %broadcast_in_dim3A_49 : vector<4096x1xf32>
    %mul3A = arith.constant 5.000000e-03 : f32
    %mul3A_50 = vector.broadcast %mul3A : f32 to vector<4096x1xf32>
    %mul3A_51 = arith.mulf %add3A, %mul3A_50 : vector<4096x1xf32>
    %swap3A_52 = arith.constant 0 : index
    %swap3A_53 = arith.constant 0 : index
    %swap3A_54 = vector.load %arg4[%swap3A_52, %swap3A_53] : memref<4096x1xf32, #tpu.memory_space<vmem>>, vector<4096x1xf32>
    tpu.vector_store %arg4[%swap3A_52, %swap3A_53], %mul3A_51 {strides = array<i32>} : memref<4096x1xf32, #tpu.memory_space<vmem>>, vector<4096x1xf32>,
    return
  }
}

</mosaic_0001>

<sc_bundles>
// kernel: gather_offload_async_start
scs
__scs_entry_jumppad:
0x0: {  	(pc) =	sbr.rel $0x88, $3  }
0x1: {  	(tag) =	ssettag $0x0;
	lr =	simm.s32 $0x1  }
0x2: {  	[smem:$0x3F9D] =	sst lr;
	_ =	strace $0xD0000000  }
0x3: {  	_ = 	snop  }
0x4: {  	_ = 	snop  }
0x5: {  	_ = 	snop  }
0x6: {  	_ = 	snop  }
0x7: {  	_ = 	snop  }
__scs_overlays_trampoline_lowered:
0x8: {  	[smem:$0x3FAC] =	sst s0  }
0x9: {  	[smem:$0x3FAD] =	sst s1  }
0xa: {  	[smem:$0x3FAE] =	sst s2  }
0xb: {  	[smem:$0x3FAF] =	sst s3  }
0xc: {  	[smem:$0x3FB0] =	sst s4  }
0xd: {  	[smem:$0x3FB1] =	sst s5  }
0xe: {  	[smem:$0x3FB2] =	sst s6  }
0xf: {  	[smem:$0x3FB3] =	sst s7  }
0x10: {  	[smem:$0x3FB4] =	sst s8  }
0x11: {  	[smem:$0x3FB5] =	sst s9;
	s0 =	simm.s32 @!p0 $0x0  }
0x12: {  	s1 =	sld [smem:$0x3F9B];
	s0 =	simm.s32 @p0 $0x1  }
0x13: {  	[smem:$0x3FB6] =	sst s0;
	s0 =	simm.s32 @!p1 $0x0  }
0x14: {  	s2 =	sld [smem:$0x3F9A];
	s0 =	simm.s32 @p1 $0x1  }
0x15: {  	[smem:$0x3FB7] =	sst s0;
	s0 =	simm.s32 @!p2 $0x0  }
0x16: {  	s3 =	sld [smem:$0x3FDB];
	s0 =	simm.s32 @p2 $0x1  }
0x17: {  	s4 =	simm.s32 $0x1BF5;
	[smem:$0x3FB9] =	sst s0  }
0x18: {  	s0 =	sld [smem:$0x3F9C];
	_ =	swait.ge [sflag:s4], $0x0  }
0x19: {  	s7 =	sld [smem:$0x3F9D]  }
0x1a: {  	s8 =	sadd.s32 $0xFFFFE003, lr  }
0x1b: {  	s9 =	sadd.s32 $0xFFFFFEF7, lr;
	s5 =	simm.s32 $0xFFFFFFFF;
	p2 =	slt.u32 s8, $0xFFFFF086  }
0x1c: {  	p1 =	slt.u32 s9, $0xF7A;
	s5 =	simm.s32 @!p2 $0x0  }
0x1d: {  	s5 =	simm.s32 @p1 $0x1;
	p0 =	seq.s32 s7, s2  }
0x1e: {  	s7 =	smul.u32 @!p0 $0xF7A, s2;
	p2 =	seq.s32 @!p0 s5, $0x0  }
0x1f: {  	s9 =	smul.u32 $0xF7A, s1;
	s8 =	simm.s32 @!p0 $0x1BF5;
	p2 =	por !p2, p0  }
0x20: {  	[sflag:s8] =	ssyncset.s32 @!p0 $0xFFFFF086;
	s6 =	sadd.s32 @!p0 s3, s7;
	s7 =	simm.s32 @!p0 $0x108  }
0x21: {  	s3 =	sadd.s32 s3, s9;
	s6 =	sadd.s32 @!p0 $0x88, s6;
	s7 =	simm.s32 @p2 $0x1082  }
0x22: {  	[simem:s7], [sflag:s8] =	dma.local @!p0 [hbm:s6], $0xF7A  }
0x23: {  	s9 =	sor.u32 $0xD0000000, s2;
	s6 =	simm.s32 $0x108;
	_ =	swait.ge @!p0 [sflag:s8], $0x0  }
0x24: {  	s3 =	sadd.s32 $0x88, s3;
	s6 =	simm.s32 @!p1 $0x1082;
	[sflag:s4] =	ssyncset.s32 $0xFFFFF086  }
0x25: {  	[simem:s6], [sflag:s4] =	dma.local [hbm:s3], $0xF7A  }
0x26: {  	[smem:$0x3F9D] =	sst s1;
	(tag) =	ssettag s2;
	_ =	strace s9  }
0x27: {  	s1 =	sld [smem:$0x3FAD]  }
0x28: {  	s2 =	sld [smem:$0x3FAE]  }
0x29: {  	s4 =	sld [smem:$0x3FB0]  }
0x2a: {  	p0 =	seq.s32 s5, $0x0;
	s5 =	sld [smem:$0x3FB1]  }
0x2b: {  	s6 =	sld [smem:$0x3FB2]  }
0x2c: {  	s7 =	sld [smem:$0x3FB3]  }
0x2d: {  	s3 =	simm.s32 $0x108;
	s8 =	sld [smem:$0x3FB4]  }
0x2e: {  	s3 =	simm.s32 @!p0 $0x1082;
	s9 =	sld [smem:$0x3FB5]  }
0x2f: {  	lr =	sadd.s32 s0, s3;
	s0 =	sld [smem:$0x3FAC]  }
0x30: {  	s3 =	sld [smem:$0x3FAF]  }
0x31: {  	[smem:$0x3FB8] =	sst s10  }
0x32: {  	s10 =	sld [smem:$0x3FB6];
	_ =	sdelay $0x3  }
0x33: {  	p0 =	seq.s32 s10, $0x1;
	s10 =	sld [smem:$0x3FB8];
	_ =	sdelay $0x3  }
0x34: {  	[smem:$0x3FB8] =	sst s10  }
0x35: {  	s10 =	sld [smem:$0x3FB7];
	_ =	sdelay $0x3  }
0x36: {  	p1 =	seq.s32 s10, $0x1;
	s10 =	sld [smem:$0x3FB8];
	_ =	sdelay $0x3  }
0x37: {  	[smem:$0x3FB8] =	sst s10  }
0x38: {  	s10 =	sld [smem:$0x3FB9]  }
0x39: {  	_ = 	snop;
	(pc) =	sbr.ind lr, $3  }
0x3a: {  	_ = 	snop  }
0x3b: {  	_ = 	snop  }
0x3c: {  	p2 =	seq.s32 s10, $0x1;
	s10 =	sld [smem:$0x3FB8]  }
0x3d: {  	_ =	shalt  }
0x3e: {  	_ =	shalt  }
0x3f: {  	_ =	shalt  }
0x40: {  	_ =	shalt  }
0x41: {  	_ =	shalt  }
0x42: {  	_ =	shalt  }
0x43: {  	_ =	shalt  }
0x44: {  	_ =	shalt  }
0x45: {  	_ =	shalt  }
0x46: {  	_ =	shalt  }
0x47: {  	_ =	shalt  }
0x48: {  	_ =	shalt  }
0x49: {  	_ =	shalt  }
0x4a: {  	_ =	shalt  }
0x4b: {  	_ =	shalt  }
0x4c: {  	_ =	shalt  }
0x4d: {  	_ =	shalt  }
0x4e: {  	_ =	shalt  }
0x4f: {  	_ =	shalt  }
0x50: {  	_ =	shalt  }
0x51: {  	_ =	shalt  }
0x52: {  	_ =	shalt  }
0x53: {  	_ =	shalt  }
0x54: {  	_ =	shalt  }
0x55: {  	_ =	shalt  }
0x56: {  	_ =	shalt  }
0x57: {  	_ =	shalt  }
0x58: {  	_ =	shalt  }
0x59: {  	_ =	shalt  }
0x5a: {  	_ =	shalt  }
0x5b: {  	_ =	shalt  }
0x5c: {  	_ =	shalt  }
0x5d: {  	_ =	shalt  }
0x5e: {  	_ =	shalt  }
0x5f: {  	_ =	shalt  }
0x60: {  	_ =	shalt  }
0x61: {  	_ =	shalt  }
0x62: {  	_ =	shalt  }
0x63: {  	_ =	shalt  }
0x64: {  	_ =	shalt  }
0x65: {  	_ =	shalt  }
0x66: {  	_ =	shalt  }
0x67: {  	_ =	shalt  }
0x68: {  	_ =	shalt  }
0x69: {  	_ =	shalt  }
0x6a: {  	_ =	shalt  }
0x6b: {  	_ =	shalt  }
0x6c: {  	_ =	shalt  }
0x6d: {  	_ =	shalt  }
0x6e: {  	_ =	shalt  }
0x6f: {  	_ =	shalt  }
0x70: {  	_ =	shalt  }
0x71: {  	_ =	shalt  }
0x72: {  	_ =	shalt  }
0x73: {  	_ =	shalt  }
0x74: {  	_ =	shalt  }
0x75: {  	_ =	shalt  }
0x76: {  	_ =	shalt  }
0x77: {  	_ =	shalt  }
0x78: {  	_ =	shalt  }
0x79: {  	_ =	shalt  }
0x7a: {  	_ =	shalt  }
0x7b: {  	_ =	shalt  }
0x7c: {  	_ =	shalt  }
0x7d: {  	_ =	shalt  }
0x7e: {  	_ =	shalt  }
0x7f: {  	_ =	shalt  }
0x80: {  	_ =	shalt  }
0x81: {  	_ =	shalt  }
0x82: {  	_ =	shalt  }
0x83: {  	_ =	shalt  }
0x84: {  	_ =	shalt  }
0x85: {  	_ =	shalt  }
0x86: {  	_ =	shalt  }
0x87: {  	_ =	shalt  }
.Lfunc_end0:
.L_simem_size_0:
called_computation_lowered:
.L_overlay_start_0:
0x88: {  	s2 =	sld [smem:$0x3FD9]  }
0x89: {  	s3 =	sld [smem:$0x3FFE];
	_ =	sdelay $0x1  }
0x8a: {  	s1 =	srdreg.scid  }
0x8b: {  	s0 =	sand.u32 $0x1, s1  }
0x8c: {  	s16 =	sshll.u32 s0, $0xA;
	s2 =	sadd.s32 s3, s2  }
0x8d: {  	s2 =	sadd.s32 s2, s16  }
0x8e: {  	[smem:$0x3FC4] =	sst s2  }
0x8f: {  	_ = 	snop  }
0x90: {  	(tm) =	ssettm $0x1  }
0x91: {  	s17 =	sld [smem:$0x3FFB];
	_ =	sdelay $0x3  }
0x92: {  	_ =	strace s17  }
0x93: {  	s2 =	sld [smem:$0x3FFC];
	_ =	sdelay $0x3  }
0x94: {  	_ =	strace s2  }
0x95: {  	s2 =	sld [smem:$0x3FFD];
	_ =	sdelay $0x3  }
0x96: {  	_ =	strace s2  }
0x97: {  	_ =	strace $0x8FFFFFFF  }
0x98: {  	s18 =	sld [smem:$0x3FDB];
	_ =	sdelay $0x1  }
0x99: {  	s19 =	simm.s32 $_scs_section_size  }
0x9a: {  	s4 =	simm.s32 $_size__tile_overlayer_lowered;
	s5 =	simm.s32 $_tile_overlayer_lowered  }
0x9b: {  	s22 =	simm.s32 $0x1BFF;
	s21 =	sshll.u32 s5, $0x1;
	s2 =	sadd.s32 s19, s18  }
0x9c: {  	s6 =	simm.s32 $0x0;
	s20 =	sshll.u32 s4, $0x1;
	s4 =	sadd.s32 s21, s2  }
0x9d: {  	[timem:s6], [sflag:s22] =	dma.local [hbm:s4], s20  }
0x9e: {  	_ =	swait.ge [sflag:s22], s20  }
0x9f: {  	s3 =	ssub.s32 $0x0, s20;
	[sflag:s22] =	ssyncset.done $0x0  }
0xa0: {  	[sflag:s22] =	ssyncadd.s32 s3;
	_ =	sdelay $0x1  }
0xa1: {  	s23 =	simm.s32 $0x1B8B  }
0xa2: {  	_ =	swait.ge [sflag:s23], $0x1  }
0xa3: {  	[sflag:s23] =	ssyncset.done $0x0  }
0xa4: {  	s25 =	simm.s32 $0x1B8E;
	s24 =	sld [smem:$0x3FFE];
	[sflag:s23] =	ssyncadd.s32 $0xFFFFFFFF  }
0xa5: {  	s26 =	simm.s32 $execute0_lowered;
	[smem:$0x3FD2] =	sst s25  }
0xa6: {  	s4 =	sshll.u32 s26, $0x1;
	_ =	strace $0x80000046;
	[dreg:$0x1] =	wrdreg $0xFFFFFFFF  }
0xa7: {  	s28 =	simm.s32 $_size_execute0_lowered;
	s2 =	sadd.s32 s2, s4;
	[dreg:$0x0] =	wrdreg $0x0  }
0xa8: {  	s4 =	sshll.u32 s28, $0x1;
	[dreg:$0x2] =	wrdreg s2  }
0xa9: {  	[dreg:$0x3] =	wrdreg s4  }
0xaa: {  	[dreg:$0x4] =	wrdreg $0xC0  }
0xab: {  	_ =	task [dreg:s6], $0x5FFFF  }
0xac: {  	[dreg:$0x1] =	wrdreg $0xFFFFFFFF  }
0xad: {  	[dreg:$0x0] =	wrdreg $0x60  }
0xae: {  	[dreg:$0x2] =	wrdreg s24  }
0xaf: {  	[dreg:$0x3] =	wrdreg $0x9  }
0xb0: {  	_ =	task.clear_ibuf [dreg:s6], $0x4FFFF;
	_ =	strace $0x90000046  }
0xb1: {  	s29 =	simm.s32 $0x9;
	_ =	strace $0x80000048  }
0xb2: {  	_ =	swait.ge [sflag:s29], $0x1  }
0xb3: {  	[sflag:s29] =	ssyncadd.s32 $0xFFFFFFFF  }
0xb4: {  	_ =	strace $0x90000048  }
0xb5: {  	_ =	sfence  }
0xb6: {  	s30 =	sld [smem:$0x0];
	_ =	sdelay $0x2  }
0xb7: {  	s31 =	sshll.u32 s1, $0xD;
	s1 =	sshrl.u32 s1, $0x2  }
0xb8: {  	s3 =	sand.u32 $0x4000, s31;
	s1 =	sadd.s32 s1, s30  }
0xb9: {  	s0 =	sor.u32 s3, s0;
	s1 =	sshll.u32 s1, $0x11  }
0xba: {  	s0 =	sor.u32 s1, s0  }
0xbb: {  	s0 =	sadd.s32 $0x8F2B, s0  }
0xbc: {  	[sflag:s0] =	ssyncadd.remote.s32 $0x1  }
0xbd: {  	_ =	sfence.sel $0xFFFF  }
0xbe: {  	[dreg:$0x0] =	wrdreg $0xFFFFFFFF;
	(pc) =	sbr.abs _section_cstart, $3  }
0xbf: {  	[dreg:$0x1] =	wrdreg $0xFFFFFFFF  }
0xc0: {  	_ =	task.clear_ibuf [dreg:s6], $0x2FFFF;
	_ =	strace $0x9FFFFFFF  }
0xc1: {  	(tm) =	ssettm $0x7FFFFFFF  }
tec
execute0_lowered:
.L_overlay_start_1:
0x0: {  	(tag) =	ssettag $0x1  }
0x1: {  	s7 =	rddreg [dreg:$0x0]  }
0x2: {  	s0 =	rddreg [dreg:$0x1];
	_ =	strace $0x80000047  }
0x3: {  	s1 =	srdreg.scid;
	s4 =	simm.s32 $0x1;
	s9 =	simm.s32 $0x3  }
0x4: {  	s12 =	simm.s32 $0x0;
	s10 =	simm.s32 $0x0;
	s5 =	sshll.u32 s1, $0x4  }
.Ltmp0:
0x5: {  	s1 =	stileid.u32;
	s5 =	sand.u32 $0x10, s5;
	(pc) =	sbr.rel .LBB2_1-.Ltmp0, $4  }
0x6: {  	s2 =	sadd.s32 $0x1E00, s7;
	s3 =	sadd.s32 $0x1C00, s7;
	s6 =	sor.u32 s1, s5  }
0x7: {  	[sflag:s4] =	ssyncpa.u1 $0x0;
	s5 =	simm.s32 $0x2;
	s6 =	sshll.u32 s6, $0x7  }
0x8: {  	s7 =	sadd.s32 $0xF44200, s7;
	[sflag:s5] =	ssyncpa.u1 $0x0;
	s8 =	sadd.s32 $0x80, s6  }
0x9: {  	vm0 =	vmmov $0xff;
	vm1 =	vcmask $0x3F20;
	[sflag:s9] =	ssyncpa.u1 $0x0;
	s9 =	simm.s32 $0x80;
	s11 =	smov.u32 s6  }
.LBB2_9:
0xa: {  	p0 =	seq.s32 s10, $0x2  }
.Ltmp1:
0xb: {  	_ = 	snop;
	(pc) =	sbr.rel @p0 .LBB2_11-.Ltmp1, $1  }
0xc: {  	_ =	sdelay $0x3  }
.LBB2_10:
0xd: {  	s12 =	sadd.s32 $0x80, s11  }
0xe: {  	s13 =	smov.u32 s6;
	p0 =	slt.s32 s12, s8  }
0xf: {  	s13 =	smov.u32 @p0 s12  }
0x10: {  	s10 =	sadd.s32 $0x1, s10;
	s12 =	smov.u32 s11;
	s11 =	smov.u32 s13  }
.LBB2_1:
0x11: {  	p0 =	sne.s32 s10, $0x0  }
.Ltmp2:
0x12: {  	_ = 	snop;
	(pc) =	sbr.rel @!p0 .LBB2_2-.Ltmp2, $1  }
0x13: {  	_ =	sdelay $0x3  }
0x14: {  	s13 =	sand.u32 $0x1, s10  }
0x15: {  	p0 =	seq.s32 s13, $0x0  }
.Ltmp3:
0x16: {  	_ = 	snop;
	(pc) =	sbr.rel @p0 .LBB2_9-.Ltmp3, $1  }
0x17: {  	_ =	sdelay $0x3  }
0x18: {  	_ =	swait.ge [sflag:s5], $0x80  }
0x19: {  	[sflag:s5] =	ssyncset.done $0x0  }
0x1a: {  	s13 =	simm.s32 $0x0;
	[sflag:s5] =	ssyncadd.s32 $0xFFFFFF80  }
0x1b: {  	v0 =	vld.msk [tilespmem:s13+$0x80 ss:$0x1], $0xffff;
	_ =	sdelay $0x4  }
0x1c: {  	vm2 =	vgt.s32 v0, $0x0  }
0x1d: {  	v0 =	vnsel vm2, $0x0, v0  }
0x1e: {  	v0 =	vmin.u32 v0, $0xF423F  }
0x1f: {  	v0 =	vshll.u32 v0, $0x4;
	_ =	sdelay $0x3  }
0x20: {  	s13 =	simm.s32 $0x4100  }
0x21: {  	[tilespmem:s13], [sflag:$0x1] =	stream.indirect_vreg.gather [hbm:s2], $0x80, v0, vm0, $0x38;
	[tilespmem:$0x8100] =	vst v63  }
0x22: {  	s14 =	simm.s32 $0x4500;
	s31 =	simm.s32 $0x10  }
0x23: {  	[tilespmem:s14], [sflag:$0x1] =	stream.indirect_vreg.gather [hbm:s2], $0x80, v0, vm1, $0x38;
	[tilespmem:$0x8100] =	vst v63  }
0x24: {  	s14 =	simm.s32 $0x80;
	v0 =	vld.msk [tilespmem:s31+$0x80 ss:$0x1], $0xffff  }
.LBB2_5:
0x25: {  	p0 =	sne.s32 s14, $0x1C0;
	_ =	sdelay $0x4  }
0x26: {  	vm2 =	vgt.s32 v0, $0x0  }
0x27: {  	v0 =	vnsel vm2, $0x0, v0  }
0x28: {  	v0 =	vmin.u32 v0, $0xF423F  }
0x29: {  	v0 =	vshll.u32 v0, $0x4;
	_ =	sdelay $0x3  }
.Ltmp4:
0x2a: {  	s13 =	sadd.s32 $0x800, s13;
	(pc) =	sbr.rel @p0 .LBB2_5-.Ltmp4, $4  }
0x2b: {  	[tilespmem:s13], [sflag:$0x1] =	stream.indirect_vreg.gather [hbm:s2], $0x80, v0, vm0, $0x38;
	[tilespmem:$0x8100] =	vst v63  }
0x2c: {  	s15 =	sshra.s32 s14, $0x2;
	s16 =	sadd.s32 $0x400, s13  }
0x2d: {  	[tilespmem:s16], [sflag:$0x1] =	stream.indirect_vreg.gather [hbm:s2], $0x80, v0, vm1, $0x38;
	[tilespmem:$0x8100] =	vst v63  }
0x2e: {  	s14 =	sadd.s32 $0x40, s14;
	v0 =	vld.msk [tilespmem:s15+$0x80 ss:$0x1], $0xffff  }
0x2f: {  	_ =	sdelay $0x3  }
0x30: {  	vm2 =	vgt.s32 v0, $0x0  }
0x31: {  	v0 =	vnsel vm2, $0x0, v0  }
0x32: {  	v0 =	vmin.u32 v0, $0xF423F  }
0x33: {  	v0 =	vshll.u32 v0, $0x4;
	_ =	sdelay $0x3  }
0x34: {  	s13 =	sadd.s32 $0x800, s13  }
0x35: {  	[tilespmem:s13], [sflag:$0x1] =	stream.indirect_vreg.gather [hbm:s2], $0x80, v0, vm0, $0x38;
	[tilespmem:$0x8100] =	vst v63  }
0x36: {  	s13 =	sadd.s32 $0x400, s13  }
0x37: {  	[tilespmem:s13], [sflag:$0x1] =	stream.indirect_vreg.gather [hbm:s2], $0x80, v0, vm1, $0x38;
	[tilespmem:$0x8100] =	vst v63  }
0x38: {  	s12 =	sshll.u32 s12, $0x4;
	s14 =	simm.s32 $0x80;
	_ =	swait.ge [sflag:s4], $0x4000  }
0x39: {  	s15 =	simm.s32 $0x4500;
	s12 =	sadd.s32 s12, s7;
	[sflag:s4] =	ssyncset.done $0x0  }
0x3a: {  	s16 =	sadd.s32 $0x0, s12;
	s13 =	simm.s32 $0x4100;
	[sflag:s4] =	ssyncadd.s32 $0xFFFFC000  }
.LBB2_7:
0x3b: {  	[hbm:s16] =	stream.linear.scatter [tilespmem:s13], [sflag:$0x3], $0x400, $0x38;
	[tilespmem:$0x8100] =	vst v63  }
0x3c: {  	s16 =	smov.u32 s14;
	s13 =	smov.u32 s15;
	p0 =	sne.s32 s14, $0x780  }
.Ltmp5:
0x3d: {  	s14 =	sadd.s32 $0x80, s14;
	(pc) =	sbr.rel @p0 .LBB2_7-.Ltmp5, $2  }
0x3e: {  	_ =	sdelay $0x2  }
0x3f: {  	s15 =	sadd.s32 $0x400, s15;
	s16 =	sadd.s32 s16, s12  }
.Ltmp6:
0x40: {  	(pc) =	sbr.rel .LBB2_9-.Ltmp6, $2  }
0x41: {  	_ =	sdelay $0x2  }
0x42: {  	[hbm:s16] =	stream.linear.scatter [tilespmem:s13], [sflag:$0x3], $0x400, $0x38;
	[tilespmem:$0x8100] =	vst v63  }
.LBB2_2:
.Ltmp7:
0x43: {  	(pc) =	sbr.rel .LBB2_10-.Ltmp7, $4  }
0x44: {  	_ = 	snop  }
0x45: {  	s12 =	sshrl.u32 s11, $0x3  }
0x46: {  	s13 =	sand.u32 $0x7, s11;
	s12 =	sadd.s32 s3, s12  }
0x47: {  	[tilespmem:s9], [sflag:$0x2] =	stream.linear.gather [hbm4b:s12+s13], $0x80, $0x38;
	[tilespmem:$0x8100] =	vst v63  }
.LBB2_11:
0x48: {  	s2 =	simm.s32 $0x3  }
0x49: {  	_ =	swait.ge [sflag:s2], $0x4000  }
0x4a: {  	[sflag:s2] =	ssyncset.done $0x0  }
0x4b: {  	[sflag:s2] =	ssyncadd.s32 $0xFFFFC000  }
0x4c: {  	_ =	sfence.sel $0x180000  }
0x4d: {  	s3 =	simm.s32 $0x2;
	[bflag:$0x0] =	sbarrier.arrive $0xFFFF  }
0x4e: {  	[sflag:s3] =	ssyncpa.u1 $0x1  }
0x4f: {  	s31 =	simm.s32 $0x1;
	[sflag:s2] =	ssyncpa.u1 $0x1  }
0x50: {  	[sflag:s31] =	ssyncpa.u1 $0x1  }
0x51: {  	p0 =	sne.s32 s1, $0x0;
	_ =	strace $0x90000047  }
0x52: {  	s0 =	sadd.s32 @!p0 $0x100000, s0;
	[bflag:$0x2] =	sbarrier.arrive $0xFFFF  }
0x53: {  	[sflag:s0] =	ssyncadd.tile.s32 @!p0 $0x1;
	_ =	shalt  }
.Lfunc_end2:
_tile_overlayer_lowered:
.L_overlay_start_2:
0x54: {  	(tag) =	ssettag $0x2  }
0x55: {  	s0 =	rddreg [dreg:$0x0];
	s2 =	stileid.u32  }
0x56: {  	s1 =	rddreg [dreg:$0x1];
	p0 =	sne.s32 s2, $0x0  }
0x57: {  	s3 =	rddreg [dreg:$0x2];
	[bflag:$0x3] =	sbarrier.arrive $0xFFFF;
	s2 =	simm.s32 @!p0 $0x1C01  }
0x58: {  	[timem:s3], [sflag:s2] =	dma.local @!p0 [hbm:s0], s1  }
0x59: {  	s0 =	simm.s32 @!p0 $0x1  }
0x5a: {  	_ =	swait.ge @!p0 [sflag:s0], s1  }
0x5b: {  	s1 =	ssub.s32 @!p0 $0x0, s1;
	[sflag:s0] =	ssyncset.done @!p0 $0x0  }
0x5c: {  	[sflag:s0] =	ssyncadd.s32 @!p0 s1  }
0x5d: {  	[bflag:$0x3] =	sbarrier.arrive $0xFFFF  }
0x5e: {  	_ =	shalt  }

// kernel: kernel.5.cloned.1.call-start
scs
__scs_entry_jumppad:
0x0: {  	(pc) =	sbr.rel $0x88, $3  }
0x1: {  	(tag) =	ssettag $0x0;
	lr =	simm.s32 $0x1  }
0x2: {  	[smem:$0x3F9D] =	sst lr;
	_ =	strace $0xD0000000  }
0x3: {  	_ = 	snop  }
0x4: {  	_ = 	snop  }
0x5: {  	_ = 	snop  }
0x6: {  	_ = 	snop  }
0x7: {  	_ = 	snop  }
__scs_overlays_trampoline_lowered:
0x8: {  	[smem:$0x3FAC] =	sst s0  }
0x9: {  	[smem:$0x3FAD] =	sst s1  }
0xa: {  	[smem:$0x3FAE] =	sst s2  }
0xb: {  	[smem:$0x3FAF] =	sst s3  }
0xc: {  	[smem:$0x3FB0] =	sst s4  }
0xd: {  	[smem:$0x3FB1] =	sst s5  }
0xe: {  	[smem:$0x3FB2] =	sst s6  }
0xf: {  	[smem:$0x3FB3] =	sst s7  }
0x10: {  	[smem:$0x3FB4] =	sst s8  }
0x11: {  	[smem:$0x3FB5] =	sst s9;
	s0 =	simm.s32 @!p0 $0x0  }
0x12: {  	s1 =	sld [smem:$0x3F9B];
	s0 =	simm.s32 @p0 $0x1  }
0x13: {  	[smem:$0x3FB6] =	sst s0;
	s0 =	simm.s32 @!p1 $0x0  }
0x14: {  	s2 =	sld [smem:$0x3F9A];
	s0 =	simm.s32 @p1 $0x1  }
0x15: {  	[smem:$0x3FB7] =	sst s0;
	s0 =	simm.s32 @!p2 $0x0  }
0x16: {  	s3 =	sld [smem:$0x3FDB];
	s0 =	simm.s32 @p2 $0x1  }
0x17: {  	s4 =	simm.s32 $0x1BF5;
	[smem:$0x3FB9] =	sst s0  }
0x18: {  	s0 =	sld [smem:$0x3F9C];
	_ =	swait.ge [sflag:s4], $0x0  }
0x19: {  	s7 =	sld [smem:$0x3F9D]  }
0x1a: {  	s8 =	sadd.s32 $0xFFFFE003, lr  }
0x1b: {  	s9 =	sadd.s32 $0xFFFFFEF7, lr;
	s5 =	simm.s32 $0xFFFFFFFF;
	p2 =	slt.u32 s8, $0xFFFFF086  }
0x1c: {  	p1 =	slt.u32 s9, $0xF7A;
	s5 =	simm.s32 @!p2 $0x0  }
0x1d: {  	s5 =	simm.s32 @p1 $0x1;
	p0 =	seq.s32 s7, s2  }
0x1e: {  	s7 =	smul.u32 @!p0 $0xF7A, s2;
	p2 =	seq.s32 @!p0 s5, $0x0  }
0x1f: {  	s9 =	smul.u32 $0xF7A, s1;
	s8 =	simm.s32 @!p0 $0x1BF5;
	p2 =	por !p2, p0  }
0x20: {  	[sflag:s8] =	ssyncset.s32 @!p0 $0xFFFFF086;
	s6 =	sadd.s32 @!p0 s3, s7;
	s7 =	simm.s32 @!p0 $0x108  }
0x21: {  	s3 =	sadd.s32 s3, s9;
	s6 =	sadd.s32 @!p0 $0x88, s6;
	s7 =	simm.s32 @p2 $0x1082  }
0x22: {  	[simem:s7], [sflag:s8] =	dma.local @!p0 [hbm:s6], $0xF7A  }
0x23: {  	s9 =	sor.u32 $0xD0000000, s2;
	s6 =	simm.s32 $0x108;
	_ =	swait.ge @!p0 [sflag:s8], $0x0  }
0x24: {  	s3 =	sadd.s32 $0x88, s3;
	s6 =	simm.s32 @!p1 $0x1082;
	[sflag:s4] =	ssyncset.s32 $0xFFFFF086  }
0x25: {  	[simem:s6], [sflag:s4] =	dma.local [hbm:s3], $0xF7A  }
0x26: {  	[smem:$0x3F9D] =	sst s1;
	(tag) =	ssettag s2;
	_ =	strace s9  }
0x27: {  	s1 =	sld [smem:$0x3FAD]  }
0x28: {  	s2 =	sld [smem:$0x3FAE]  }
0x29: {  	s4 =	sld [smem:$0x3FB0]  }
0x2a: {  	p0 =	seq.s32 s5, $0x0;
	s5 =	sld [smem:$0x3FB1]  }
0x2b: {  	s6 =	sld [smem:$0x3FB2]  }
0x2c: {  	s7 =	sld [smem:$0x3FB3]  }
0x2d: {  	s3 =	simm.s32 $0x108;
	s8 =	sld [smem:$0x3FB4]  }
0x2e: {  	s3 =	simm.s32 @!p0 $0x1082;
	s9 =	sld [smem:$0x3FB5]  }
0x2f: {  	lr =	sadd.s32 s0, s3;
	s0 =	sld [smem:$0x3FAC]  }
0x30: {  	s3 =	sld [smem:$0x3FAF]  }
0x31: {  	[smem:$0x3FB8] =	sst s10  }
0x32: {  	s10 =	sld [smem:$0x3FB6];
	_ =	sdelay $0x3  }
0x33: {  	p0 =	seq.s32 s10, $0x1;
	s10 =	sld [smem:$0x3FB8];
	_ =	sdelay $0x3  }
0x34: {  	[smem:$0x3FB8] =	sst s10  }
0x35: {  	s10 =	sld [smem:$0x3FB7];
	_ =	sdelay $0x3  }
0x36: {  	p1 =	seq.s32 s10, $0x1;
	s10 =	sld [smem:$0x3FB8];
	_ =	sdelay $0x3  }
0x37: {  	[smem:$0x3FB8] =	sst s10  }
0x38: {  	s10 =	sld [smem:$0x3FB9]  }
0x39: {  	_ = 	snop;
	(pc) =	sbr.ind lr, $3  }
0x3a: {  	_ = 	snop  }
0x3b: {  	_ = 	snop  }
0x3c: {  	p2 =	seq.s32 s10, $0x1;
	s10 =	sld [smem:$0x3FB8]  }
0x3d: {  	_ =	shalt  }
0x3e: {  	_ =	shalt  }
0x3f: {  	_ =	shalt  }
0x40: {  	_ =	shalt  }
0x41: {  	_ =	shalt  }
0x42: {  	_ =	shalt  }
0x43: {  	_ =	shalt  }
0x44: {  	_ =	shalt  }
0x45: {  	_ =	shalt  }
0x46: {  	_ =	shalt  }
0x47: {  	_ =	shalt  }
0x48: {  	_ =	shalt  }
0x49: {  	_ =	shalt  }
0x4a: {  	_ =	shalt  }
0x4b: {  	_ =	shalt  }
0x4c: {  	_ =	shalt  }
0x4d: {  	_ =	shalt  }
0x4e: {  	_ =	shalt  }
0x4f: {  	_ =	shalt  }
0x50: {  	_ =	shalt  }
0x51: {  	_ =	shalt  }
0x52: {  	_ =	shalt  }
0x53: {  	_ =	shalt  }
0x54: {  	_ =	shalt  }
0x55: {  	_ =	shalt  }
0x56: {  	_ =	shalt  }
0x57: {  	_ =	shalt  }
0x58: {  	_ =	shalt  }
0x59: {  	_ =	shalt  }
0x5a: {  	_ =	shalt  }
0x5b: {  	_ =	shalt  }
0x5c: {  	_ =	shalt  }
0x5d: {  	_ =	shalt  }
0x5e: {  	_ =	shalt  }
0x5f: {  	_ =	shalt  }
0x60: {  	_ =	shalt  }
0x61: {  	_ =	shalt  }
0x62: {  	_ =	shalt  }
0x63: {  	_ =	shalt  }
0x64: {  	_ =	shalt  }
0x65: {  	_ =	shalt  }
0x66: {  	_ =	shalt  }
0x67: {  	_ =	shalt  }
0x68: {  	_ =	shalt  }
0x69: {  	_ =	shalt  }
0x6a: {  	_ =	shalt  }
0x6b: {  	_ =	shalt  }
0x6c: {  	_ =	shalt  }
0x6d: {  	_ =	shalt  }
0x6e: {  	_ =	shalt  }
0x6f: {  	_ =	shalt  }
0x70: {  	_ =	shalt  }
0x71: {  	_ =	shalt  }
0x72: {  	_ =	shalt  }
0x73: {  	_ =	shalt  }
0x74: {  	_ =	shalt  }
0x75: {  	_ =	shalt  }
0x76: {  	_ =	shalt  }
0x77: {  	_ =	shalt  }
0x78: {  	_ =	shalt  }
0x79: {  	_ =	shalt  }
0x7a: {  	_ =	shalt  }
0x7b: {  	_ =	shalt  }
0x7c: {  	_ =	shalt  }
0x7d: {  	_ =	shalt  }
0x7e: {  	_ =	shalt  }
0x7f: {  	_ =	shalt  }
0x80: {  	_ =	shalt  }
0x81: {  	_ =	shalt  }
0x82: {  	_ =	shalt  }
0x83: {  	_ =	shalt  }
0x84: {  	_ =	shalt  }
0x85: {  	_ =	shalt  }
0x86: {  	_ =	shalt  }
0x87: {  	_ =	shalt  }
.Lfunc_end0:
.L_simem_size_0:
called_computation.1_lowered:
.L_overlay_start_0:
0x88: {  	s2 =	sld [smem:$0x3FD9]  }
0x89: {  	s3 =	sld [smem:$0x3FFE];
	_ =	sdelay $0x1  }
0x8a: {  	s1 =	srdreg.scid  }
0x8b: {  	s0 =	sand.u32 $0x1, s1  }
0x8c: {  	s14 =	sshll.u32 s0, $0xA;
	s2 =	sadd.s32 s3, s2  }
0x8d: {  	s2 =	sadd.s32 s2, s14  }
0x8e: {  	[smem:$0x3FC4] =	sst s2  }
0x8f: {  	_ = 	snop  }
0x90: {  	s2 =	sld [smem:$0x3FD0];
	_ =	sdelay $0x2  }
0x91: {  	s15 =	simm.s32 $0xA;
	s4 =	simm.s32 $0x10  }
0x92: {  	[smem:s4], [sflag:s15] =	dma.local [hbm:s2], $0x1  }
0x93: {  	_ =	swait.eq [sflag:s15], $0x1  }
0x94: {  	s16 =	sld [smem:$0x10];
	[sflag:s15] =	ssyncset.done $0x0  }
0x95: {  	s17 =	sld [smem:$0x11];
	[sflag:s15] =	ssyncadd.s32 $0xFFFFFFFF  }
0x96: {  	s18 =	sld [smem:$0x12];
	(tm) =	ssettm $0x1  }
0x97: {  	s5 =	sld [smem:$0x3FFB];
	_ =	sdelay $0x3  }
0x98: {  	_ =	strace s5  }
0x99: {  	s5 =	sld [smem:$0x3FFC];
	_ =	sdelay $0x3  }
0x9a: {  	_ =	strace s5  }
0x9b: {  	s5 =	sld [smem:$0x3FFD];
	_ =	sdelay $0x3  }
0x9c: {  	_ =	strace s5  }
0x9d: {  	_ =	strace $0x8FFFFFFF  }
0x9e: {  	s19 =	sld [smem:$0x3FDB];
	_ =	sdelay $0x1  }
0x9f: {  	s6 =	simm.s32 $_scs_section_size  }
0xa0: {  	s7 =	simm.s32 $_size__tile_overlayer_lowered;
	s8 =	simm.s32 $_tile_overlayer_lowered  }
0xa1: {  	s22 =	simm.s32 $0x1BFF;
	s21 =	sshll.u32 s8, $0x1;
	s5 =	sadd.s32 s6, s19  }
0xa2: {  	s9 =	simm.s32 $0x0;
	s20 =	sshll.u32 s7, $0x1;
	s7 =	sadd.s32 s21, s5  }
0xa3: {  	[timem:s9], [sflag:s22] =	dma.local [hbm:s7], s20  }
0xa4: {  	_ =	swait.ge [sflag:s22], s20  }
0xa5: {  	s6 =	ssub.s32 $0x0, s20;
	[sflag:s22] =	ssyncset.done $0x0  }
0xa6: {  	[sflag:s22] =	ssyncadd.s32 s6;
	_ =	sdelay $0x1  }
0xa7: {  	s23 =	simm.s32 $0x1B8B  }
0xa8: {  	_ =	swait.ge [sflag:s23], $0x1  }
0xa9: {  	[sflag:s23] =	ssyncset.done $0x0  }
0xaa: {  	s25 =	simm.s32 $0x1B8E;
	s24 =	sld [smem:$0x3FFE];
	[sflag:s23] =	ssyncadd.s32 $0xFFFFFFFF  }
0xab: {  	s26 =	simm.s32 $execute0_lowered;
	[smem:$0x3FD2] =	sst s25  }
0xac: {  	s7 =	sshll.u32 s26, $0x1;
	_ =	strace $0x80000049;
	[dreg:$0x1] =	wrdreg $0xFFFFFFFF  }
0xad: {  	s28 =	simm.s32 $_size_execute0_lowered;
	s5 =	sadd.s32 s5, s7;
	[dreg:$0x0] =	wrdreg $0x0  }
0xae: {  	s7 =	sshll.u32 s28, $0x1;
	[dreg:$0x2] =	wrdreg s5  }
0xaf: {  	[dreg:$0x3] =	wrdreg s7  }
0xb0: {  	[dreg:$0x4] =	wrdreg $0xC0  }
0xb1: {  	_ =	task [dreg:s9], $0x5FFFF  }
0xb2: {  	[dreg:$0x1] =	wrdreg $0xFFFFFFFF  }
0xb3: {  	[dreg:$0x0] =	wrdreg $0x60  }
0xb4: {  	[dreg:$0x2] =	wrdreg s16  }
0xb5: {  	[dreg:$0x3] =	wrdreg s17  }
0xb6: {  	[dreg:$0x4] =	wrdreg s18  }
0xb7: {  	[dreg:$0x5] =	wrdreg s24  }
0xb8: {  	[dreg:$0x6] =	wrdreg $0x9  }
0xb9: {  	_ =	task.clear_ibuf [dreg:s9], $0x7FFFF;
	_ =	strace $0x90000049  }
0xba: {  	s29 =	simm.s32 $0x9;
	_ =	strace $0x8000004B  }
0xbb: {  	_ =	swait.ge [sflag:s29], $0x1  }
0xbc: {  	[sflag:s29] =	ssyncadd.s32 $0xFFFFFFFF  }
0xbd: {  	_ =	strace $0x9000004B  }
0xbe: {  	_ =	sfence  }
0xbf: {  	s30 =	sld [smem:$0x0];
	_ =	sdelay $0x2  }
0xc0: {  	s31 =	sshll.u32 s1, $0xD;
	s1 =	sshrl.u32 s1, $0x2  }
0xc1: {  	s3 =	sand.u32 $0x4000, s31;
	s1 =	sadd.s32 s1, s30  }
0xc2: {  	s0 =	sor.u32 s3, s0;
	s1 =	sshll.u32 s1, $0x11  }
0xc3: {  	s0 =	sor.u32 s1, s0  }
0xc4: {  	s0 =	sadd.s32 $0x8F2B, s0  }
0xc5: {  	[sflag:s0] =	ssyncadd.remote.s32 $0x1  }
0xc6: {  	_ =	sfence.sel $0xFFFF  }
0xc7: {  	[dreg:$0x0] =	wrdreg $0xFFFFFFFF;
	(pc) =	sbr.abs _section_cstart, $3  }
0xc8: {  	[dreg:$0x1] =	wrdreg $0xFFFFFFFF  }
0xc9: {  	_ =	task.clear_ibuf [dreg:s9], $0x2FFFF;
	_ =	strace $0x9FFFFFFF  }
0xca: {  	(tm) =	ssettm $0x7FFFFFFF  }
0xcb: {  	_ =	shalt  }
tec
execute0_lowered:
.L_overlay_start_1:
0x0: {  	(tag) =	ssettag $0x1  }
0x1: {  	s0 =	rddreg [dreg:$0x0]  }
0x2: {  	s1 =	rddreg [dreg:$0x1]  }
0x3: {  	s7 =	rddreg [dreg:$0x2]  }
0x4: {  	s6 =	rddreg [dreg:$0x3];
	s2 =	srdreg.scid  }
0x5: {  	s3 =	stileid.u32;
	s15 =	simm.s32 $0x80;
	s20 =	simm.s32 $0xC100  }
0x6: {  	s29 =	simm.s32 $0x15580;
	s30 =	simm.s32 $0x1;
	s31 =	simm.s32 $0xE100  }
0x7: {  	v28 =	vlaneseq.u32;
	s17 =	simm.s32 $0x169C8;
	s5 =	sand.u32 $0x1, s2;
	s2 =	simm.s32 $0x0  }
0x8: {  	s18 =	simm.s32 $0x3;
	s19 =	simm.s32 $0x16A50;
	v24 =	vmul.u32 $0x40, v28;
	v18 =	vand.u32 $0x7, v28;
	[smem:$0x7FF] =	sst s2  }
0x9: {  	s28 =	simm.s32 $0x0;
	s3 =	sshll.u32 s3, $0x8;
	_ =	strace $0x8000004A;
	[tilespmem:$0x1FF20] =	vst v18  }
0xa: {  	s4 =	sshll.u32 s5, $0x7;
	s12 =	ssub.s32 $0x2, s5;
	s5 =	sadd.s32 $0xF6E200, s6;
	v32 =	vor.u32 $0x1400, v24;
	[tilespmem:$0x1FFC0] =	vst v24  }
0xb: {  	s3 =	sor.u32 s4, s3;
	s4 =	sadd.s32 $0x1EA8600, s6;
	s14 =	sshrl.u32 s12, $0x1;
	v33 =	vor.u32 $0x1800, v24;
	[tilespmem:$0x1FF30] =	vst v32  }
0xc: {  	v35 =	vor.u32 $0x2000, v24;
	s8 =	sshll.u32 s3, $0x4;
	s10 =	sshll.u32 s3, $0x3;
	s11 =	sshrl.u32 s3, $0x3;
	[tilespmem:$0x1FF40] =	vst v33  }
0xd: {  	v48 =	vor.u32 $0x2400, v24;
	s12 =	ssub.s32 s12, s14;
	s14 =	simm.s32 $0x6;
	[tilespmem:$0x1FF50] =	vst v35;
	s9 =	sadd.s32 s8, s6  }
0xe: {  	v41 =	vor.u32 $0x2800, v24;
	[tilespmem:$0x1FF60] =	vst v48;
	s10 =	sadd.s32 s10, s6;
	s13 =	sadd.s32 s11, s6;
	s0 =	sadd.s32 s0, s11  }
0xf: {  	v51 =	vor.u32 $0x2C00, v24;
	[tilespmem:$0x1FF70] =	vst v41;
	s6 =	sadd.s32 $0xF7E200, s6;
	s21 =	sadd.s32 s1, s11;
	[dreg:$0x5] =	wrdreg s0  }
0x10: {  	v34 =	vor.u32 $0x1C00, v24;
	[tilespmem:$0x1FF80] =	vst v51;
	s22 =	sadd.s32 s7, s8;
	s26 =	smax.u32 s12, $0x1;
	[dreg:$0x6] =	wrdreg s21  }
0x11: {  	v44 =	vor.u32 $0x3000, v24;
	[tilespmem:$0x1FF90] =	vst v34;
	s1 =	simm.s32 $0x16980;
	[dreg:$0x7] =	wrdreg s22;
	s23 =	sadd.s32 $0xF56200, s9  }
.Ltmp0:
0x12: {  	v29 =	vor.u32 $0x800, v24;
	[tilespmem:$0x1FFA0] =	vst v44;
	s24 =	sadd.s32 $0xF66200, s10;
	[dreg:$0xb] =	wrdreg s26;
	(pc) =	sbr.rel .LBB2_1-.Ltmp0, $4  }
0x13: {  	v26 =	vor.u32 $0x400, v24;
	[tilespmem:$0x1FFB0] =	vst v29;
	s25 =	sadd.s32 $0xF8E200, s13;
	s21 =	simm.s32 $0x10180;
	[dreg:$0x8] =	wrdreg s23  }
0x14: {  	v30 =	vor.u32 $0xC00, v24;
	[tilespmem:$0x1FFD0] =	vst v26;
	s22 =	simm.s32 $0x48;
	s26 =	simm.s32 $0x13580;
	[dreg:$0x9] =	wrdreg s24  }
0x15: {  	v31 =	vor.u32 $0x1000, v24;
	[tilespmem:$0x1FFE0] =	vst v30;
	s0 =	simm.s32 $0x2;
	s13 =	simm.s32 $0x0;
	[dreg:$0xa] =	wrdreg s25  }
0x16: {  	[tilespmem:$0x1FFF0] =	vst v31;
	s23 =	simm.s32 $0x16A98;
	s24 =	simm.s32 $0x4;
	s25 =	simm.s32 $0x5  }
.LBB2_14:
0x17: {  	_ =	swait.ge [sflag:s24], $0x80  }
0x18: {  	[sflag:s24] =	ssyncset.done $0x0  }
0x19: {  	[sflag:s24] =	ssyncadd.s32 $0xFFFFFF80  }
0x1a: {  	_ =	swait.ge [sflag:s24], $0x80  }
0x1b: {  	[sflag:s24] =	ssyncset.done $0x0  }
0x1c: {  	[sflag:s24] =	ssyncadd.s32 $0xFFFFFF80  }
0x1d: {  	_ =	swait.ge [sflag:s25], $0x80  }
0x1e: {  	[sflag:s25] =	ssyncset.done $0x0  }
0x1f: {  	[sflag:s25] =	ssyncadd.s32 $0xFFFFFF80  }
0x20: {  	_ =	swait.ge [sflag:s25], $0x80  }
0x21: {  	[sflag:s25] =	ssyncset.done $0x0  }
0x22: {  	s8 =	simm.s32 $0x10100;
	s7 =	rddreg [dreg:$0xa];
	[sflag:s25] =	ssyncadd.s32 $0xFFFFFF80  }
0x23: {  	[hbm4b:s7+s2] =	stream.linear.scatter [tilespmem:s8], [sflag:$0x6], $0x80, $0x38;
	[tilespmem:$0x16B20] =	vst v63  }
0x24: {  	_ =	swait.ge [sflag:s14], $0x80  }
0x25: {  	s28 =	sadd.s32 $0x1, s28;
	s16 =	rddreg [dreg:$0xb];
	v18 =	vld [tilespmem:$0x1FF20]  }
0x26: {  	v26 =	vmov v29;
	v29 =	vmov v30;
	v30 =	vmov v32;
	v32 =	vld [tilespmem:$0x1FF30];
	p0 =	sne.s32 s28, s16  }
.Ltmp1:
0x27: {  	v31 =	vmov v33;
	v33 =	vld [tilespmem:$0x1FF40];
	(pc) =	sbr.rel @!p0 .LBB2_15-.Ltmp1, $4  }
0x28: {  	v35 =	vld [tilespmem:$0x1FF50]  }
0x29: {  	v48 =	vld [tilespmem:$0x1FF60]  }
0x2a: {  	[sflag:s14] =	ssyncset.done $0x0;
	v41 =	vld [tilespmem:$0x1FF70]  }
0x2b: {  	v24 =	vmov v27;
	v51 =	vld [tilespmem:$0x1FF80];
	[sflag:s14] =	ssyncadd.s32 $0xFFFFFF80  }
.LBB2_1:
0x2c: {  	s7 =	rddreg [dreg:$0x5]  }
0x2d: {  	[tilespmem:s2], [sflag:$0x6] =	stream.linear.gather [hbm4b:s7+s2], $0x80, $0x38;
	[tilespmem:$0x16B20] =	vst v63  }
0x2e: {  	_ =	swait.ge [sflag:s14], $0x80  }
0x2f: {  	[sflag:s14] =	ssyncset.done $0x0  }
0x30: {  	s9 =	rddreg [dreg:$0x6];
	[sflag:s14] =	ssyncadd.s32 $0xFFFFFF80  }
0x31: {  	[tilespmem:s15], [sflag:$0x6] =	stream.linear.gather [hbm4b:s9+s2], $0x80, $0x38;
	[tilespmem:$0x16B20] =	vst v63  }
0x32: {  	_ =	swait.ge [sflag:s14], $0x80  }
0x33: {  	[sflag:s14] =	ssyncset.done $0x0  }
0x34: {  	s8 =	simm.s32 $0x100;
	s10 =	rddreg [dreg:$0x7];
	[sflag:s14] =	ssyncadd.s32 $0xFFFFFF80  }
0x35: {  	[tilespmem:s8], [sflag:$0x6] =	stream.linear.gather [hbm4b:s10+s2], $0x4000, $0x38;
	[tilespmem:$0x16B20] =	vst v63  }
0x36: {  	_ =	swait.ge [sflag:s14], $0x4000  }
0x37: {  	[sflag:s14] =	ssyncset.done $0x0  }
0x38: {  	s9 =	simm.s32 $0x4100;
	s11 =	rddreg [dreg:$0x8];
	[sflag:s14] =	ssyncadd.s32 $0xFFFFC000  }
0x39: {  	[tilespmem:s9], [sflag:$0x6] =	stream.linear.gather [hbm4b:s11+s2], $0x4000, $0x38;
	[tilespmem:$0x16B20] =	vst v63  }
0x3a: {  	_ =	swait.ge [sflag:s14], $0x4000  }
0x3b: {  	[sflag:s14] =	ssyncset.done $0x0  }
0x3c: {  	s16 =	simm.s32 $0x8100;
	s12 =	rddreg [dreg:$0x9];
	[sflag:s14] =	ssyncadd.s32 $0xFFFFC000  }
0x3d: {  	[tilespmem:s16], [sflag:$0x6] =	stream.linear.gather [hbm4b:s12+s2], $0x2000, $0x38;
	[tilespmem:$0x16B20] =	vst v63  }
0x3e: {  	_ =	swait.ge [sflag:s14], $0x2000  }
0x3f: {  	[sflag:s14] =	ssyncset.done $0x0  }
0x40: {  	s9 =	simm.s32 $0xA100;
	[sflag:s14] =	ssyncadd.s32 $0xFFFFE000  }
0x41: {  	[tilespmem:s9], [sflag:$0x1] =	stream.indirect.gather [hbm4b:s4+s15], $0x40, s2, s15, $0xb8;
	[tilespmem:$0x16B20] =	vst v63  }
0x42: {  	_ = 	snop  }
0x43: {  	[tilespmem:s20], [sflag:$0x1] =	stream.indirect.gather [hbm4b:s4+s15], $0x40, s15, s15, $0xb8;
	[tilespmem:$0x16B20] =	vst v63  }
0x44: {  	_ = 	snop  }
0x45: {  	[tilespmem:s21], [sflag:$0x2] =	stream.indirect.gather [hbm4b:s4+s15], $0x40, s8, s15, $0xb8;
	[tilespmem:$0x16B20] =	vst v63  }
0x46: {  	s10 =	simm.s32 $0x4138;
	s11 =	simm.s32 $0x12180  }
0x47: {  	[tilespmem:s11], [sflag:$0x2] =	stream.indirect.gather [hbm4b:s4+s22], $0x40, s10, s22, $0xb8;
	[tilespmem:$0x16B20] =	vst v63  }
0x48: {  	s12 =	simm.s32 $0x180  }
0x49: {  	[tilespmem:s26], [sflag:$0x3] =	stream.indirect.gather [hbm4b:s4+s15], $0x40, s12, s15, $0xb8;
	[tilespmem:$0x16B20] =	vst v63  }
0x4a: {  	s16 =	simm.s32 $0x41B8  }
0x4b: {  	[tilespmem:s29], [sflag:$0x3] =	stream.indirect.gather [hbm4b:s4+s22], $0x40, s16, s22, $0xb8;
	[tilespmem:$0x16B20] =	vst v63  }
0x4c: {  	_ =	swait.ge [sflag:s30], $0x2000  }
0x4d: {  	[sflag:s30] =	ssyncset.done $0x0  }
0x4e: {  	[sflag:s30] =	ssyncadd.s32 $0xFFFFE000  }
0x4f: {  	_ =	swait.ge [sflag:s30], $0x2000  }
0x50: {  	[sflag:s30] =	ssyncset.done $0x0  }
0x51: {  	s8 =	simm.s32 $0xA200;
	[sflag:s30] =	ssyncadd.s32 $0xFFFFE000  }
0x52: {  	s7 =	simm.s32 $0x8200;
	v0 =	vld [tilespmem:s8+$0xFFFFFF00]  }
0x53: {  	v1 =	vld [tilespmem:s7+$0xFFFFFF00];
	_ =	sdelay $0x4  }
0x54: {  	v0 =	vmul.f32 v1, v0  }
0x55: {  	s16 =	simm.s32 $0xE200  }
0x56: {  	[tilespmem:s16+$0xFFFFFF00] =	vst v0  }
0x57: {  	v0 =	vld [tilespmem:s7+$0xFFFFFF10]  }
0x58: {  	v1 =	vld [tilespmem:s8+$0xFFFFFF10];
	_ =	sdelay $0x4  }
0x59: {  	v0 =	vmul.f32 v0, v1;
	_ =	sdelay $0x1  }
0x5a: {  	[tilespmem:s16+$0xFFFFFF10] =	vst v0  }
0x5b: {  	v0 =	vld [tilespmem:s8+$0xFFFFFF20]  }
0x5c: {  	v1 =	vld [tilespmem:s7+$0xFFFFFF20];
	_ =	sdelay $0x4  }
0x5d: {  	v0 =	vmul.f32 v1, v0;
	_ =	sdelay $0x1  }
0x5e: {  	[tilespmem:s16+$0xFFFFFF20] =	vst v0  }
0x5f: {  	v0 =	vld [tilespmem:s8+$0xFFFFFF30]  }
0x60: {  	v1 =	vld [tilespmem:s7+$0xFFFFFF30];
	_ =	sdelay $0x4  }
0x61: {  	v0 =	vmul.f32 v1, v0;
	_ =	sdelay $0x1  }
0x62: {  	[tilespmem:s16+$0xFFFFFF30] =	vst v0  }
0x63: {  	v0 =	vld [tilespmem:s8+$0xFFFFFF40]  }
0x64: {  	v1 =	vld [tilespmem:s7+$0xFFFFFF40];
	_ =	sdelay $0x4  }
0x65: {  	v0 =	vmul.f32 v1, v0;
	_ =	sdelay $0x1  }
0x66: {  	[tilespmem:s16+$0xFFFFFF40] =	vst v0  }
0x67: {  	v0 =	vld [tilespmem:s8+$0xFFFFFF50]  }
0x68: {  	v1 =	vld [tilespmem:s7+$0xFFFFFF50];
	_ =	sdelay $0x4  }
0x69: {  	v0 =	vmul.f32 v1, v0;
	_ =	sdelay $0x1  }
0x6a: {  	[tilespmem:s16+$0xFFFFFF50] =	vst v0  }
0x6b: {  	v0 =	vld [tilespmem:s8+$0xFFFFFF60]  }
0x6c: {  	v1 =	vld [tilespmem:s7+$0xFFFFFF60];
	_ =	sdelay $0x4  }
0x6d: {  	v0 =	vmul.f32 v1, v0;
	_ =	sdelay $0x1  }
0x6e: {  	[tilespmem:s16+$0xFFFFFF60] =	vst v0  }
0x6f: {  	v0 =	vld [tilespmem:s8+$0xFFFFFF70]  }
0x70: {  	v1 =	vld [tilespmem:s7+$0xFFFFFF70];
	_ =	sdelay $0x4  }
0x71: {  	v0 =	vmul.f32 v1, v0;
	_ =	sdelay $0x1  }
0x72: {  	[tilespmem:s16+$0xFFFFFF70] =	vst v0  }
0x73: {  	v0 =	vld [tilespmem:s8+$0xFFFFFF80]  }
0x74: {  	v1 =	vld [tilespmem:s7+$0xFFFFFF80];
	_ =	sdelay $0x4  }
0x75: {  	v0 =	vmul.f32 v1, v0;
	_ =	sdelay $0x1  }
0x76: {  	[tilespmem:s16+$0xFFFFFF80] =	vst v0  }
0x77: {  	v0 =	vld [tilespmem:s8+$0xFFFFFF90]  }
0x78: {  	v1 =	vld [tilespmem:s7+$0xFFFFFF90];
	_ =	sdelay $0x4  }
0x79: {  	v0 =	vmul.f32 v1, v0;
	_ =	sdelay $0x1  }
0x7a: {  	[tilespmem:s16+$0xFFFFFF90] =	vst v0  }
0x7b: {  	v0 =	vld [tilespmem:s8+$0xFFFFFFA0]  }
0x7c: {  	v1 =	vld [tilespmem:s7+$0xFFFFFFA0];
	_ =	sdelay $0x4  }
0x7d: {  	v0 =	vmul.f32 v1, v0;
	_ =	sdelay $0x1  }
0x7e: {  	[tilespmem:s16+$0xFFFFFFA0] =	vst v0  }
0x7f: {  	v0 =	vld [tilespmem:s8+$0xFFFFFFB0]  }
0x80: {  	v1 =	vld [tilespmem:s7+$0xFFFFFFB0];
	_ =	sdelay $0x4  }
0x81: {  	v0 =	vmul.f32 v1, v0;
	_ =	sdelay $0x1  }
0x82: {  	[tilespmem:s16+$0xFFFFFFB0] =	vst v0  }
0x83: {  	v0 =	vld [tilespmem:s8+$0xFFFFFFC0]  }
0x84: {  	v1 =	vld [tilespmem:s7+$0xFFFFFFC0];
	_ =	sdelay $0x4  }
0x85: {  	v0 =	vmul.f32 v1, v0;
	_ =	sdelay $0x1  }
0x86: {  	[tilespmem:s16+$0xFFFFFFC0] =	vst v0  }
0x87: {  	v0 =	vld [tilespmem:s8+$0xFFFFFFD0]  }
0x88: {  	v1 =	vld [tilespmem:s7+$0xFFFFFFD0];
	_ =	sdelay $0x4  }
0x89: {  	v0 =	vmul.f32 v1, v0;
	_ =	sdelay $0x1  }
0x8a: {  	[tilespmem:s16+$0xFFFFFFD0] =	vst v0  }
0x8b: {  	v0 =	vld [tilespmem:s8+$0xFFFFFFE0]  }
0x8c: {  	v1 =	vld [tilespmem:s7+$0xFFFFFFE0];
	_ =	sdelay $0x4  }
0x8d: {  	v0 =	vmul.f32 v1, v0;
	_ =	sdelay $0x1  }
0x8e: {  	[tilespmem:s16+$0xFFFFFFE0] =	vst v0  }
0x8f: {  	v0 =	vld [tilespmem:s8+$0xFFFFFFF0]  }
0x90: {  	v1 =	vld [tilespmem:s7+$0xFFFFFFF0];
	_ =	sdelay $0x4  }
0x91: {  	v0 =	vmul.f32 v1, v0;
	_ =	sdelay $0x1  }
0x92: {  	[tilespmem:s16+$0xFFFFFFF0] =	vst v0  }
0x93: {  	v0 =	vld [tilespmem:s8+$0x0]  }
0x94: {  	v1 =	vld [tilespmem:s7+$0x0];
	_ =	sdelay $0x4  }
0x95: {  	v0 =	vmul.f32 v1, v0;
	_ =	sdelay $0x1  }
0x96: {  	[tilespmem:s16+$0x0] =	vst v0  }
0x97: {  	v0 =	vld [tilespmem:s8+$0x10]  }
0x98: {  	v1 =	vld [tilespmem:s7+$0x10];
	_ =	sdelay $0x4  }
0x99: {  	v0 =	vmul.f32 v1, v0;
	_ =	sdelay $0x1  }
0x9a: {  	[tilespmem:s16+$0x10] =	vst v0  }
0x9b: {  	v0 =	vld [tilespmem:s8+$0x20]  }
0x9c: {  	v1 =	vld [tilespmem:s7+$0x20];
	_ =	sdelay $0x4  }
0x9d: {  	v0 =	vmul.f32 v1, v0;
	_ =	sdelay $0x1  }
0x9e: {  	[tilespmem:s16+$0x20] =	vst v0  }
0x9f: {  	v0 =	vld [tilespmem:s8+$0x30]  }
0xa0: {  	v1 =	vld [tilespmem:s7+$0x30];
	_ =	sdelay $0x4  }
0xa1: {  	v0 =	vmul.f32 v1, v0;
	_ =	sdelay $0x1  }
0xa2: {  	[tilespmem:s16+$0x30] =	vst v0  }
0xa3: {  	v0 =	vld [tilespmem:s8+$0x40]  }
0xa4: {  	v1 =	vld [tilespmem:s7+$0x40];
	_ =	sdelay $0x4  }
0xa5: {  	v0 =	vmul.f32 v1, v0;
	_ =	sdelay $0x1  }
0xa6: {  	[tilespmem:s16+$0x40] =	vst v0  }
0xa7: {  	v0 =	vld [tilespmem:s8+$0x50]  }
0xa8: {  	v1 =	vld [tilespmem:s7+$0x50];
	_ =	sdelay $0x4  }
0xa9: {  	v0 =	vmul.f32 v1, v0;
	_ =	sdelay $0x1  }
0xaa: {  	[tilespmem:s16+$0x50] =	vst v0  }
0xab: {  	v0 =	vld [tilespmem:s8+$0x60]  }
0xac: {  	v1 =	vld [tilespmem:s7+$0x60];
	_ =	sdelay $0x4  }
0xad: {  	v0 =	vmul.f32 v1, v0;
	_ =	sdelay $0x1  }
0xae: {  	[tilespmem:s16+$0x60] =	vst v0  }
0xaf: {  	v0 =	vld [tilespmem:s8+$0x70]  }
0xb0: {  	v1 =	vld [tilespmem:s7+$0x70];
	_ =	sdelay $0x4  }
0xb1: {  	v0 =	vmul.f32 v1, v0;
	_ =	sdelay $0x1  }
0xb2: {  	[tilespmem:s16+$0x70] =	vst v0  }
0xb3: {  	v0 =	vld [tilespmem:s8+$0x80]  }
0xb4: {  	v1 =	vld [tilespmem:s7+$0x80];
	_ =	sdelay $0x4  }
0xb5: {  	v0 =	vmul.f32 v1, v0;
	_ =	sdelay $0x1  }
0xb6: {  	[tilespmem:s16+$0x80] =	vst v0  }
0xb7: {  	v0 =	vld [tilespmem:s8+$0x90]  }
0xb8: {  	v1 =	vld [tilespmem:s7+$0x90];
	_ =	sdelay $0x4  }
0xb9: {  	v0 =	vmul.f32 v1, v0;
	_ =	sdelay $0x1  }
0xba: {  	[tilespmem:s16+$0x90] =	vst v0  }
0xbb: {  	v0 =	vld [tilespmem:s8+$0xA0]  }
0xbc: {  	v1 =	vld [tilespmem:s7+$0xA0];
	_ =	sdelay $0x4  }
0xbd: {  	v0 =	vmul.f32 v1, v0;
	_ =	sdelay $0x1  }
0xbe: {  	[tilespmem:s16+$0xA0] =	vst v0  }
0xbf: {  	v0 =	vld [tilespmem:s8+$0xB0]  }
0xc0: {  	v1 =	vld [tilespmem:s7+$0xB0];
	_ =	sdelay $0x4  }
0xc1: {  	v0 =	vmul.f32 v1, v0;
	_ =	sdelay $0x1  }
0xc2: {  	[tilespmem:s16+$0xB0] =	vst v0  }
0xc3: {  	v0 =	vld [tilespmem:s8+$0xC0]  }
0xc4: {  	v1 =	vld [tilespmem:s7+$0xC0]  }
0xc5: {  	s9 =	simm.s32 $0xE200  }
0xc6: {  	s11 =	simm.s32 $0x0;
	s10 =	simm.s32 $0xA200;
	s12 =	simm.s32 $0x8400  }
.LBB2_2:
0xc7: {  	s11 =	sadd.s32 $0x4, s11;
	s8 =	sadd.s32 $0x200, s8;
	s16 =	sadd.s32 $0x200, s16  }
0xc8: {  	p0 =	slt.u32 s11, $0x3C  }
0xc9: {  	v0 =	vmul.f32 v1, v0;
	_ =	sdelay $0x1  }
0xca: {  	[tilespmem:s9+$0xC0] =	vst v0  }
0xcb: {  	v0 =	vld [tilespmem:s10+$0xD0]  }
0xcc: {  	v1 =	vld [tilespmem:s7+$0xD0];
	_ =	sdelay $0x4  }
0xcd: {  	v0 =	vmul.f32 v1, v0;
	_ =	sdelay $0x1  }
0xce: {  	[tilespmem:s9+$0xD0] =	vst v0  }
0xcf: {  	v0 =	vld [tilespmem:s10+$0xE0]  }
0xd0: {  	v1 =	vld [tilespmem:s7+$0xE0];
	_ =	sdelay $0x4  }
0xd1: {  	v0 =	vmul.f32 v1, v0;
	_ =	sdelay $0x1  }
0xd2: {  	[tilespmem:s9+$0xE0] =	vst v0  }
0xd3: {  	v0 =	vld [tilespmem:s10+$0xF0];
	s10 =	smov.u32 s8  }
0xd4: {  	v1 =	vld [tilespmem:s7+$0xF0];
	s7 =	smov.u32 s12;
	_ =	sdelay $0x4  }
0xd5: {  	v0 =	vmul.f32 v1, v0;
	_ =	sdelay $0x1  }
0xd6: {  	[tilespmem:s9+$0xF0] =	vst v0;
	s9 =	smov.u32 s16  }
0xd7: {  	v0 =	vld [tilespmem:s8+$0xFFFFFF00]  }
0xd8: {  	v1 =	vld [tilespmem:s12+$0xFFFFFF00];
	_ =	sdelay $0x4  }
0xd9: {  	v0 =	vmul.f32 v1, v0;
	_ =	sdelay $0x1  }
0xda: {  	[tilespmem:s16+$0xFFFFFF00] =	vst v0  }
0xdb: {  	v0 =	vld [tilespmem:s12+$0xFFFFFF10]  }
0xdc: {  	v1 =	vld [tilespmem:s8+$0xFFFFFF10];
	_ =	sdelay $0x4  }
0xdd: {  	v0 =	vmul.f32 v0, v1;
	_ =	sdelay $0x1  }
0xde: {  	[tilespmem:s16+$0xFFFFFF10] =	vst v0  }
0xdf: {  	v0 =	vld [tilespmem:s8+$0xFFFFFF20]  }
0xe0: {  	v1 =	vld [tilespmem:s12+$0xFFFFFF20];
	_ =	sdelay $0x4  }
0xe1: {  	v0 =	vmul.f32 v1, v0;
	_ =	sdelay $0x1  }
0xe2: {  	[tilespmem:s16+$0xFFFFFF20] =	vst v0  }
0xe3: {  	v0 =	vld [tilespmem:s8+$0xFFFFFF30]  }
0xe4: {  	v1 =	vld [tilespmem:s12+$0xFFFFFF30];
	_ =	sdelay $0x4  }
0xe5: {  	v0 =	vmul.f32 v1, v0;
	_ =	sdelay $0x1  }
0xe6: {  	[tilespmem:s16+$0xFFFFFF30] =	vst v0  }
0xe7: {  	v0 =	vld [tilespmem:s8+$0xFFFFFF40]  }
0xe8: {  	v1 =	vld [tilespmem:s12+$0xFFFFFF40];
	_ =	sdelay $0x4  }
0xe9: {  	v0 =	vmul.f32 v1, v0;
	_ =	sdelay $0x1  }
0xea: {  	[tilespmem:s16+$0xFFFFFF40] =	vst v0  }
0xeb: {  	v0 =	vld [tilespmem:s8+$0xFFFFFF50]  }
0xec: {  	v1 =	vld [tilespmem:s12+$0xFFFFFF50];
	_ =	sdelay $0x4  }
0xed: {  	v0 =	vmul.f32 v1, v0;
	_ =	sdelay $0x1  }
0xee: {  	[tilespmem:s16+$0xFFFFFF50] =	vst v0  }
0xef: {  	v0 =	vld [tilespmem:s8+$0xFFFFFF60]  }
0xf0: {  	v1 =	vld [tilespmem:s12+$0xFFFFFF60];
	_ =	sdelay $0x4  }
0xf1: {  	v0 =	vmul.f32 v1, v0;
	_ =	sdelay $0x1  }
0xf2: {  	[tilespmem:s16+$0xFFFFFF60] =	vst v0  }
0xf3: {  	v0 =	vld [tilespmem:s8+$0xFFFFFF70]  }
0xf4: {  	v1 =	vld [tilespmem:s12+$0xFFFFFF70];
	_ =	sdelay $0x4  }
0xf5: {  	v0 =	vmul.f32 v1, v0;
	_ =	sdelay $0x1  }
0xf6: {  	[tilespmem:s16+$0xFFFFFF70] =	vst v0  }
0xf7: {  	v0 =	vld [tilespmem:s8+$0xFFFFFF80]  }
0xf8: {  	v1 =	vld [tilespmem:s12+$0xFFFFFF80];
	_ =	sdelay $0x4  }
0xf9: {  	v0 =	vmul.f32 v1, v0;
	_ =	sdelay $0x1  }
0xfa: {  	[tilespmem:s16+$0xFFFFFF80] =	vst v0  }
0xfb: {  	v0 =	vld [tilespmem:s8+$0xFFFFFF90]  }
0xfc: {  	v1 =	vld [tilespmem:s12+$0xFFFFFF90];
	_ =	sdelay $0x4  }
0xfd: {  	v0 =	vmul.f32 v1, v0;
	_ =	sdelay $0x1  }
0xfe: {  	[tilespmem:s16+$0xFFFFFF90] =	vst v0  }
0xff: {  	v0 =	vld [tilespmem:s8+$0xFFFFFFA0]  }
0x100: {  	v1 =	vld [tilespmem:s12+$0xFFFFFFA0];
	_ =	sdelay $0x4  }
0x101: {  	v0 =	vmul.f32 v1, v0;
	_ =	sdelay $0x1  }
0x102: {  	[tilespmem:s16+$0xFFFFFFA0] =	vst v0  }
0x103: {  	v0 =	vld [tilespmem:s8+$0xFFFFFFB0]  }
0x104: {  	v1 =	vld [tilespmem:s12+$0xFFFFFFB0];
	_ =	sdelay $0x4  }
0x105: {  	v0 =	vmul.f32 v1, v0;
	_ =	sdelay $0x1  }
0x106: {  	[tilespmem:s16+$0xFFFFFFB0] =	vst v0  }
0x107: {  	v0 =	vld [tilespmem:s8+$0xFFFFFFC0]  }
0x108: {  	v1 =	vld [tilespmem:s12+$0xFFFFFFC0];
	_ =	sdelay $0x4  }
0x109: {  	v0 =	vmul.f32 v1, v0;
	_ =	sdelay $0x1  }
0x10a: {  	[tilespmem:s16+$0xFFFFFFC0] =	vst v0  }
0x10b: {  	v0 =	vld [tilespmem:s8+$0xFFFFFFD0]  }
0x10c: {  	v1 =	vld [tilespmem:s12+$0xFFFFFFD0];
	_ =	sdelay $0x4  }
0x10d: {  	v0 =	vmul.f32 v1, v0;
	_ =	sdelay $0x1  }
0x10e: {  	[tilespmem:s16+$0xFFFFFFD0] =	vst v0  }
0x10f: {  	v0 =	vld [tilespmem:s8+$0xFFFFFFE0]  }
0x110: {  	v1 =	vld [tilespmem:s12+$0xFFFFFFE0];
	_ =	sdelay $0x4  }
0x111: {  	v0 =	vmul.f32 v1, v0;
	_ =	sdelay $0x1  }
0x112: {  	[tilespmem:s16+$0xFFFFFFE0] =	vst v0  }
0x113: {  	v0 =	vld [tilespmem:s8+$0xFFFFFFF0]  }
0x114: {  	v1 =	vld [tilespmem:s12+$0xFFFFFFF0];
	_ =	sdelay $0x4  }
0x115: {  	v0 =	vmul.f32 v1, v0;
	_ =	sdelay $0x1  }
0x116: {  	[tilespmem:s16+$0xFFFFFFF0] =	vst v0  }
0x117: {  	v0 =	vld [tilespmem:s8+$0x0]  }
0x118: {  	v1 =	vld [tilespmem:s12+$0x0];
	_ =	sdelay $0x4  }
0x119: {  	v0 =	vmul.f32 v1, v0;
	_ =	sdelay $0x1  }
0x11a: {  	[tilespmem:s16+$0x0] =	vst v0  }
0x11b: {  	v0 =	vld [tilespmem:s8+$0x10]  }
0x11c: {  	v1 =	vld [tilespmem:s12+$0x10];
	_ =	sdelay $0x4  }
0x11d: {  	v0 =	vmul.f32 v1, v0;
	_ =	sdelay $0x1  }
0x11e: {  	[tilespmem:s16+$0x10] =	vst v0  }
0x11f: {  	v0 =	vld [tilespmem:s8+$0x20]  }
0x120: {  	v1 =	vld [tilespmem:s12+$0x20];
	_ =	sdelay $0x4  }
0x121: {  	v0 =	vmul.f32 v1, v0;
	_ =	sdelay $0x1  }
0x122: {  	[tilespmem:s16+$0x20] =	vst v0  }
0x123: {  	v0 =	vld [tilespmem:s8+$0x30]  }
0x124: {  	v1 =	vld [tilespmem:s12+$0x30];
	_ =	sdelay $0x4  }
0x125: {  	v0 =	vmul.f32 v1, v0;
	_ =	sdelay $0x1  }
0x126: {  	[tilespmem:s16+$0x30] =	vst v0  }
0x127: {  	v0 =	vld [tilespmem:s8+$0x40]  }
0x128: {  	v1 =	vld [tilespmem:s12+$0x40];
	_ =	sdelay $0x4  }
0x129: {  	v0 =	vmul.f32 v1, v0;
	_ =	sdelay $0x1  }
0x12a: {  	[tilespmem:s16+$0x40] =	vst v0  }
0x12b: {  	v0 =	vld [tilespmem:s8+$0x50]  }
0x12c: {  	v1 =	vld [tilespmem:s12+$0x50];
	_ =	sdelay $0x4  }
0x12d: {  	v0 =	vmul.f32 v1, v0;
	_ =	sdelay $0x1  }
0x12e: {  	[tilespmem:s16+$0x50] =	vst v0  }
0x12f: {  	v0 =	vld [tilespmem:s8+$0x60]  }
0x130: {  	v1 =	vld [tilespmem:s12+$0x60];
	_ =	sdelay $0x4  }
0x131: {  	v0 =	vmul.f32 v1, v0;
	_ =	sdelay $0x1  }
0x132: {  	[tilespmem:s16+$0x60] =	vst v0  }
0x133: {  	v0 =	vld [tilespmem:s8+$0x70]  }
0x134: {  	v1 =	vld [tilespmem:s12+$0x70];
	_ =	sdelay $0x4  }
0x135: {  	v0 =	vmul.f32 v1, v0;
	_ =	sdelay $0x1  }
0x136: {  	[tilespmem:s16+$0x70] =	vst v0  }
0x137: {  	v0 =	vld [tilespmem:s8+$0x80]  }
0x138: {  	v1 =	vld [tilespmem:s12+$0x80];
	_ =	sdelay $0x4  }
0x139: {  	v0 =	vmul.f32 v1, v0;
	_ =	sdelay $0x1  }
0x13a: {  	[tilespmem:s16+$0x80] =	vst v0  }
0x13b: {  	v0 =	vld [tilespmem:s8+$0x90]  }
0x13c: {  	v1 =	vld [tilespmem:s12+$0x90];
	_ =	sdelay $0x4  }
0x13d: {  	v0 =	vmul.f32 v1, v0;
	_ =	sdelay $0x1  }
0x13e: {  	[tilespmem:s16+$0x90] =	vst v0  }
0x13f: {  	v0 =	vld [tilespmem:s8+$0xA0]  }
0x140: {  	v1 =	vld [tilespmem:s12+$0xA0];
	_ =	sdelay $0x4  }
0x141: {  	v0 =	vmul.f32 v1, v0;
	_ =	sdelay $0x1  }
0x142: {  	[tilespmem:s16+$0xA0] =	vst v0  }
0x143: {  	v0 =	vld [tilespmem:s8+$0xB0]  }
0x144: {  	v1 =	vld [tilespmem:s12+$0xB0];
	_ =	sdelay $0x4  }
0x145: {  	v0 =	vmul.f32 v1, v0;
	_ =	sdelay $0x1  }
.Ltmp2:
0x146: {  	[tilespmem:s16+$0xB0] =	vst v0;
	(pc) =	sbr.rel @p0 .LBB2_2-.Ltmp2, $3  }
0x147: {  	v0 =	vld [tilespmem:s8+$0xC0]  }
0x148: {  	v1 =	vld [tilespmem:s12+$0xC0];
	_ =	sdelay $0x1  }
0x149: {  	s12 =	sadd.s32 $0x200, s12  }
0x14a: {  	_ =	sdelay $0x1  }
0x14b: {  	v0 =	vmul.f32 v1, v0;
	_ =	sdelay $0x1  }
0x14c: {  	[tilespmem:s9+$0xC0] =	vst v0  }
0x14d: {  	v0 =	vld [tilespmem:s10+$0xD0]  }
0x14e: {  	v61 =	vld [tilespmem:s7+$0xD0];
	_ =	sdelay $0x4  }
0x14f: {  	v0 =	vmul.f32 v61, v0;
	_ =	sdelay $0x1  }
0x150: {  	[tilespmem:s9+$0xD0] =	vst v0  }
0x151: {  	v0 =	vld [tilespmem:s10+$0xE0]  }
0x152: {  	v62 =	vld [tilespmem:s7+$0xE0];
	_ =	sdelay $0x4  }
0x153: {  	v0 =	vmul.f32 v62, v0;
	_ =	sdelay $0x1  }
0x154: {  	[tilespmem:s9+$0xE0] =	vst v0  }
0x155: {  	v0 =	vld [tilespmem:s10+$0xF0]  }
0x156: {  	v63 =	vld [tilespmem:s7+$0xF0];
	_ =	sdelay $0x4  }
0x157: {  	v0 =	vmul.f32 v63, v0;
	_ =	sdelay $0x1  }
0x158: {  	s7 =	simm.s32 $0x0;
	[tilespmem:s9+$0xF0] =	vst v0  }
.LBB2_4:
0x159: {  	s8 =	sshll.u32 s7, $0x4  }
0x15a: {  	s9 =	simm.s32 $0x1;
	v0 =	vmov s8  }
0x15b: {  	v2 =	vadd.s32 s9, v28;
	v0 =	vshll.u32 v0, $0x6  }
0x15c: {  	v1 =	vadd.s32 s13, v28;
	v2 =	vand.u32 $0x3F, v2;
	v15 =	vor.u32 v24, v0  }
0x15d: {  	v1 =	vand.u32 $0x38, v1;
	v0 =	vor.u32 v18, v15;
	v2 =	vor.u32 v15, v2  }
0x15e: {  	s12 =	simm.s32 $0x2;
	v1 =	vor.u32 v1, v0  }
0x15f: {  	v3 =	vadd.s32 s12, v28  }
0x160: {  	s16 =	simm.s32 $0x3;
	v3 =	vand.u32 $0x3F, v3  }
0x161: {  	v4 =	vadd.s32 s16, v28;
	v3 =	vor.u32 v15, v3  }
0x162: {  	s10 =	simm.s32 $0x4;
	v4 =	vand.u32 $0x3F, v4;
	v9 =	vld.idx.msk [tilespmem:v2+s31+$0x0], $0xffff  }
0x163: {  	v5 =	vadd.s32 s10, v28;
	v4 =	vor.u32 v15, v4;
	v7 =	vld.idx.msk [tilespmem:v1+s31+$0x0], $0xffff  }
0x164: {  	s11 =	simm.s32 $0x5;
	v8 =	vld.idx.msk [tilespmem:v1+s20+$0x0], $0xffff;
	v1 =	vand.u32 $0x3F, v5  }
0x165: {  	v10 =	vld.idx.msk [tilespmem:v2+s20+$0x0], $0xffff;
	v5 =	vadd.s32 s11, v28;
	v13 =	vor.u32 v15, v1  }
0x166: {  	s12 =	simm.s32 $0x6;
	v6 =	vld.idx.msk [tilespmem:v3+s20+$0x0], $0xffff;
	v2 =	vand.u32 $0x3F, v5  }
0x167: {  	v1 =	vld.idx.msk [tilespmem:v3+s31+$0x0], $0xffff;
	v3 =	vadd.s32 s12, v28;
	v5 =	vor.u32 v15, v2  }
0x168: {  	s10 =	simm.s32 $0x7;
	v2 =	vld.idx.msk [tilespmem:v4+s31+$0x0], $0xffff;
	v3 =	vand.u32 $0x3F, v3  }
0x169: {  	s9 =	simm.s32 $0x8;
	v12 =	vmul.f32 v8, v7;
	v8 =	vld.idx.msk [tilespmem:v4+s20+$0x0], $0xffff;
	v4 =	vadd.s32 s10, v28;
	v7 =	vor.u32 v15, v3  }
0x16a: {  	v11 =	vimm.f32 $0.0e+00;
	v14 =	vadd.s32 s9, v28;
	v3 =	vld.idx.msk [tilespmem:v13+s31+$0x0], $0xffff;
	v4 =	vand.u32 $0x3F, v4  }
0x16b: {  	s16 =	simm.s32 $0x9;
	v11 =	vadd.f32 v12, v11;
	v12 =	vmul.f32 v10, v9;
	v10 =	vld.idx.msk [tilespmem:v13+s20+$0x0], $0xffff;
	v9 =	vor.u32 v15, v4  }
0x16c: {  	v14 =	vand.u32 $0x38, v14;
	s10 =	simm.s32 $0x10;
	v13 =	vadd.s32 s16, v28;
	v4 =	vld.idx.msk [tilespmem:v5+s31+$0x0], $0xffff  }
.LBB2_5:
0x16d: {  	p0 =	slt.u32 s10, $0x38;
	v14 =	vor.u32 v14, v0;
	s11 =	sadd.s32 $0x2, s9;
	v11 =	vadd.f32 v12, v11;
	v1 =	vmul.f32 v6, v1;
	v5 =	vld.idx.msk [tilespmem:v5+s20+$0x0], $0xffff  }
0x16e: {  	v6 =	vand.u32 $0x3F, v13;
	v12 =	vadd.s32 s11, v28;
	v13 =	vld.idx.msk [tilespmem:v7+s31+$0x0], $0xffff  }
0x16f: {  	v6 =	vor.u32 v15, v6;
	s11 =	sadd.s32 $0x3, s9;
	v2 =	vmul.f32 v8, v2;
	v1 =	vadd.f32 v1, v11;
	v7 =	vld.idx.msk [tilespmem:v7+s20+$0x0], $0xffff  }
0x170: {  	v8 =	vand.u32 $0x3F, v12;
	v11 =	vadd.s32 s11, v28;
	v12 =	vld.idx.msk [tilespmem:v9+s31+$0x0], $0xffff  }
0x171: {  	s11 =	sadd.s32 $0x4, s9;
	v8 =	vor.u32 v15, v8;
	v1 =	vadd.f32 v2, v1;
	v2 =	vmul.f32 v10, v3;
	v3 =	vld.idx.msk [tilespmem:v9+s20+$0x0], $0xffff  }
0x172: {  	v10 =	vand.u32 $0x3F, v11;
	v11 =	vadd.s32 s11, v28;
	v9 =	vld.idx.msk [tilespmem:v14+s31+$0x0], $0xffff  }
0x173: {  	s11 =	sadd.s32 $0x5, s9;
	v10 =	vor.u32 v15, v10;
	v14 =	vld.idx.msk [tilespmem:v14+s20+$0x0], $0xffff;
	v1 =	vadd.f32 v2, v1;
	v2 =	vmul.f32 v5, v4  }
0x174: {  	v5 =	vand.u32 $0x3F, v11;
	v11 =	vadd.s32 s11, v28;
	v4 =	vld.idx.msk [tilespmem:v6+s31+$0x0], $0xffff  }
0x175: {  	s11 =	sadd.s32 $0x6, s9;
	v17 =	vor.u32 v15, v5;
	v7 =	vmul.f32 v7, v13;
	v16 =	vld.idx.msk [tilespmem:v6+s20+$0x0], $0xffff;
	v2 =	vadd.f32 v2, v1  }
0x176: {  	v5 =	vand.u32 $0x3F, v11;
	v11 =	vadd.s32 s11, v28;
	v1 =	vld.idx.msk [tilespmem:v8+s31+$0x0], $0xffff  }
0x177: {  	s11 =	sadd.s32 $0x7, s9;
	s9 =	smov.u32 s10;
	v5 =	vor.u32 v15, v5;
	v3 =	vmul.f32 v3, v12;
	v6 =	vld.idx.msk [tilespmem:v8+s20+$0x0], $0xffff;
	v13 =	vadd.f32 v7, v2  }
.Ltmp3:
0x178: {  	v7 =	vand.u32 $0x3F, v11;
	v11 =	vadd.s32 s11, v28;
	v2 =	vld.idx.msk [tilespmem:v10+s31+$0x0], $0xffff;
	(pc) =	sbr.rel @p0 .LBB2_5-.Ltmp3, $4  }
0x179: {  	v9 =	vmul.f32 v14, v9;
	v7 =	vor.u32 v15, v7;
	v8 =	vld.idx.msk [tilespmem:v10+s20+$0x0], $0xffff;
	v10 =	vadd.f32 v3, v13  }
0x17a: {  	v14 =	vand.u32 $0x3F, v11;
	v13 =	vadd.s32 s10, v28;
	v3 =	vld.idx.msk [tilespmem:v17+s31+$0x0], $0xffff  }
0x17b: {  	s11 =	sadd.s32 $0x1, s10;
	v12 =	vmul.f32 v16, v4;
	v11 =	vadd.f32 v9, v10;
	v10 =	vld.idx.msk [tilespmem:v17+s20+$0x0], $0xffff;
	v9 =	vor.u32 v15, v14  }
0x17c: {  	s10 =	sadd.s32 $0x8, s10;
	v14 =	vand.u32 $0x38, v13;
	v13 =	vadd.s32 s11, v28;
	v4 =	vld.idx.msk [tilespmem:v5+s31+$0x0], $0xffff  }
0x17d: {  	_ =	sdelay $0x2  }
0x17e: {  	v11 =	vadd.f32 v12, v11;
	v1 =	vmul.f32 v6, v1  }
0x17f: {  	v0 =	vor.u32 v14, v0;
	v5 =	vld.idx.msk [tilespmem:v5+s20+$0x0], $0xffff  }
0x180: {  	s10 =	sadd.s32 $0x2, s9;
	v59 =	vand.u32 $0x3F, v13;
	v60 =	vld.idx.msk [tilespmem:v7+s31+$0x0], $0xffff;
	v2 =	vmul.f32 v8, v2;
	v1 =	vadd.f32 v1, v11  }
0x181: {  	v62 =	vld.idx.msk [tilespmem:v7+s20+$0x0], $0xffff;
	v61 =	vadd.s32 s10, v28;
	v6 =	vor.u32 v15, v59  }
0x182: {  	s12 =	sadd.s32 $0x3, s9;
	v63 =	vld.idx.msk [tilespmem:v9+s31+$0x0], $0xffff;
	v8 =	vand.u32 $0x3F, v61;
	v21 =	vmul.f32 v10, v3;
	v1 =	vadd.f32 v2, v1  }
0x183: {  	v23 =	vld.idx.msk [tilespmem:v9+s20+$0x0], $0xffff;
	v22 =	vadd.s32 s12, v28;
	v8 =	vor.u32 v15, v8  }
0x184: {  	s16 =	sadd.s32 $0x4, s9;
	v3 =	vand.u32 $0x3F, v22;
	v36 =	vld.idx.msk [tilespmem:v0+s31+$0x0], $0xffff;
	v37 =	vmul.f32 v5, v4;
	v1 =	vadd.f32 v21, v1  }
0x185: {  	v38 =	vadd.s32 s16, v28;
	v3 =	vor.u32 v15, v3;
	v0 =	vld.idx.msk [tilespmem:v0+s20+$0x0], $0xffff  }
0x186: {  	s11 =	sadd.s32 $0x5, s9;
	v4 =	vand.u32 $0x3F, v38;
	v40 =	vmul.f32 v62, v60;
	v39 =	vld.idx.msk [tilespmem:v6+s31+$0x0], $0xffff;
	v1 =	vadd.f32 v37, v1  }
0x187: {  	v42 =	vadd.s32 s11, v28;
	v6 =	vld.idx.msk [tilespmem:v6+s20+$0x0], $0xffff;
	v4 =	vor.u32 v15, v4  }
0x188: {  	s12 =	sadd.s32 $0x6, s9;
	v7 =	vand.u32 $0x3F, v42;
	v45 =	vmul.f32 v23, v63;
	v43 =	vld.idx.msk [tilespmem:v8+s31+$0x0], $0xffff;
	v1 =	vadd.f32 v40, v1  }
0x189: {  	v46 =	vadd.s32 s12, v28;
	v7 =	vor.u32 v15, v7;
	v8 =	vld.idx.msk [tilespmem:v8+s20+$0x0], $0xffff  }
0x18a: {  	s16 =	sadd.s32 $0x7, s9;
	v9 =	vand.u32 $0x3F, v46;
	v47 =	vld.idx.msk [tilespmem:v3+s31+$0x0], $0xffff;
	v0 =	vmul.f32 v0, v36;
	v1 =	vadd.f32 v45, v1  }
0x18b: {  	v49 =	vadd.s32 s16, v28;
	v9 =	vor.u32 v15, v9;
	v3 =	vld.idx.msk [tilespmem:v3+s20+$0x0], $0xffff  }
0x18c: {  	v2 =	vand.u32 $0x3F, v49;
	v50 =	vld.idx.msk [tilespmem:v4+s31+$0x0], $0xffff;
	v52 =	vmul.f32 v6, v39;
	v0 =	vadd.f32 v0, v1  }
0x18d: {  	v2 =	vor.u32 v15, v2;
	v4 =	vld.idx.msk [tilespmem:v4+s20+$0x0], $0xffff  }
0x18e: {  	v53 =	vld.idx.msk [tilespmem:v7+s31+$0x0], $0xffff;
	v54 =	vmul.f32 v8, v43;
	v0 =	vadd.f32 v52, v0  }
0x18f: {  	v55 =	vld.idx.msk [tilespmem:v7+s20+$0x0], $0xffff  }
0x190: {  	v56 =	vld.idx.msk [tilespmem:v9+s31+$0x0], $0xffff;
	v57 =	vmul.f32 v3, v47;
	v0 =	vadd.f32 v54, v0  }
0x191: {  	v58 =	vld.idx.msk [tilespmem:v9+s20+$0x0], $0xffff  }
0x192: {  	v59 =	vld.idx.msk [tilespmem:v2+s31+$0x0], $0xffff;
	v60 =	vmul.f32 v4, v50;
	v0 =	vadd.f32 v57, v0  }
0x193: {  	v2 =	vld.idx.msk [tilespmem:v2+s20+$0x0], $0xffff  }
0x194: {  	v61 =	vmul.f32 v55, v53;
	v0 =	vadd.f32 v60, v0;
	_ =	sdelay $0x1  }
0x195: {  	s7 =	sadd.s32 $0x1, s7;
	v62 =	vmul.f32 v58, v56;
	v0 =	vadd.f32 v61, v0  }
0x196: {  	p0 =	sne.s32 s7, $0x8  }
.Ltmp4:
0x197: {  	v63 =	vmul.f32 v2, v59;
	v0 =	vadd.f32 v62, v0;
	(pc) =	sbr.rel @p0 .LBB2_4-.Ltmp4, $3  }
0x198: {  	_ = 	snop  }
0x199: {  	v0 =	vadd.f32 v63, v0;
	_ =	sdelay $0x1  }
0x19a: {  	s16 =	simm.s32 $0x0;
	[tilespmem:s8+$0x10100] =	vst v0  }
0x19b: {  	s7 =	simm.s32 $0x0  }
.LBB2_8:
0x19c: {  	s8 =	sshll.u32 s7, $0x1;
	_ =	swait.ge [sflag:s0], $0x3200  }
0x19d: {  	p0 =	seq.s32 s7, $0x0;
	s9 =	simm.s32 $0x1;
	[sflag:s0] =	ssyncset.done $0x0  }
0x19e: {  	s10 =	simm.s32 @!p0 $0x4;
	v0 =	vadd.s32 s9, v28;
	s12 =	sshll.u32 s8, $0x6;
	[sflag:s0] =	ssyncadd.s32 $0xFFFFCE00  }
0x19f: {  	v36 =	vmov s12;
	v3 =	vand.u32 $0x3F, v0;
	_ =	swait.ge @!p0 [sflag:s10], $0x80  }
0x1a0: {  	v0 =	vor.u32 v36, v3;
	[sflag:s10] =	ssyncset.done @!p0 $0x0  }
0x1a1: {  	v1 =	vor.u32 v44, v3;
	[sflag:s10] =	ssyncadd.s32 @!p0 $0xFFFFFF80  }
0x1a2: {  	s11 =	simm.s32 $0x2;
	v2 =	vor.u32 v34, v3;
	_ =	swait.ge @!p0 [sflag:s10], $0x80  }
0x1a3: {  	v5 =	vadd.s32 s11, v28;
	v4 =	vor.u32 v24, v3;
	[sflag:s10] =	ssyncset.done @!p0 $0x0  }
0x1a4: {  	v5 =	vand.u32 $0x3F, v5;
	v6 =	vor.u32 v48, v3;
	[sflag:s10] =	ssyncadd.s32 @!p0 $0xFFFFFF80  }
0x1a5: {  	v7 =	vor.u32 v24, v5;
	v15 =	vld.idx.msk [tilespmem:v0+s31+$0x0], $0xffff  }
0x1a6: {  	v8 =	vor.u32 v26, v3;
	v1 =	vld.idx.msk [tilespmem:v1+s21+$0x0], $0xffff  }
0x1a7: {  	v9 =	vor.u32 v44, v5;
	v2 =	vld.idx.msk [tilespmem:v2+s21+$0x0], $0xffff  }
0x1a8: {  	v0 =	vor.u32 v36, v5;
	v4 =	vld.idx.msk [tilespmem:v4+s21+$0x0], $0xffff  }
0x1a9: {  	v10 =	vor.u32 v32, v3;
	v6 =	vld.idx.msk [tilespmem:v6+s21+$0x0], $0xffff  }
0x1aa: {  	v11 =	vor.u32 v26, v5;
	v7 =	vld.idx.msk [tilespmem:v7+s21+$0x0], $0xffff  }
0x1ab: {  	v12 =	vor.u32 v30, v3;
	v8 =	vld.idx.msk [tilespmem:v8+s21+$0x0], $0xffff  }
0x1ac: {  	v13 =	vor.u32 v30, v5;
	v9 =	vld.idx.msk [tilespmem:v9+s21+$0x0], $0xffff  }
0x1ad: {  	v19 =	vld.idx.msk [tilespmem:v0+s31+$0x0], $0xffff;
	v0 =	vor.u32 v33, v5  }
0x1ae: {  	s12 =	simm.s32 $0x3;
	v14 =	vor.u32 v51, v5;
	v10 =	vld.idx.msk [tilespmem:v10+s21+$0x0], $0xffff  }
0x1af: {  	v16 =	vadd.s32 s12, v28;
	v11 =	vld.idx.msk [tilespmem:v11+s21+$0x0], $0xffff  }
0x1b0: {  	v17 =	vor.u32 v32, v5;
	v39 =	vand.u32 $0x3F, v16;
	v12 =	vld.idx.msk [tilespmem:v12+s21+$0x0], $0xffff  }
0x1b1: {  	v16 =	vor.u32 v36, v39;
	v13 =	vld.idx.msk [tilespmem:v13+s21+$0x0], $0xffff  }
0x1b2: {  	v18 =	vor.u32 v34, v5;
	v42 =	vmul.f32 v2, v15;
	v2 =	vmul.f32 v4, v15;
	v0 =	vld.idx.msk [tilespmem:v0+s21+$0x0], $0xffff  }
0x1b3: {  	v20 =	vor.u32 v41, v3;
	v21 =	vor.u32 v30, v39;
	v14 =	vld.idx.msk [tilespmem:v14+s21+$0x0], $0xffff;
	v6 =	vmul.f32 v6, v15  }
0x1b4: {  	v45 =	vmul.f32 v1, v15;
	v1 =	vor.u32 v51, v39;
	v8 =	vmul.f32 v8, v15;
	[tilespmem:$0x1FE10] =	vst v2  }
0x1b5: {  	v25 =	vor.u32 v24, v39;
	v17 =	vld.idx.msk [tilespmem:v17+s21+$0x0], $0xffff;
	[tilespmem:$0x1FE20] =	vst v6;
	v6 =	vmul.f32 v7, v19  }
0x1b6: {  	v23 =	vld.idx.msk [tilespmem:v16+s31+$0x0], $0xffff;
	[tilespmem:$0x1FE40] =	vst v8;
	v38 =	vmul.f32 v9, v19;
	v9 =	vmul.f32 v10, v15  }
0x1b7: {  	v22 =	vor.u32 v51, v3;
	v4 =	vld.idx.msk [tilespmem:v18+s21+$0x0], $0xffff;
	[tilespmem:$0x1FE30] =	vst v6;
	v0 =	vmul.f32 v0, v19  }
0x1b8: {  	v27 =	vor.u32 v48, v5;
	v2 =	vor.u32 v32, v39;
	v8 =	vld.idx.msk [tilespmem:v21+s21+$0x0], $0xffff;
	[tilespmem:$0x1FE50] =	vst v9;
	v9 =	vadd.s32 s16, v28  }
0x1b9: {  	v6 =	vor.u32 v26, v39;
	v58 =	vand.u32 $0x3F, v9;
	[tilespmem:$0x1FE60] =	vst v0;
	v0 =	vld.idx.msk [tilespmem:v1+s21+$0x0], $0xffff;
	v1 =	vmul.f32 v12, v15  }
0x1ba: {  	v57 =	vor.u32 v31, v5;
	v7 =	vld.idx.msk [tilespmem:v20+s21+$0x0], $0xffff;
	v9 =	vmul.f32 v13, v19;
	v13 =	vor.u32 v30, v58  }
0x1bb: {  	v10 =	vld.idx.msk [tilespmem:v25+s21+$0x0], $0xffff;
	v18 =	vor.u32 v33, v58;
	[tilespmem:$0x1FE70] =	vst v1;
	v1 =	vmul.f32 v11, v19  }
0x1bc: {  	v47 =	vor.u32 v48, v39;
	v16 =	vor.u32 v33, v3;
	v46 =	vmul.f32 v14, v19;
	v20 =	vld.idx.msk [tilespmem:v22+s21+$0x0], $0xffff  }
0x1bd: {  	v28 =	vor.u32 v41, v39;
	v2 =	vld.idx.msk [tilespmem:v2+s21+$0x0], $0xffff;
	[tilespmem:$0x1FE80] =	vst v1;
	v1 =	vor.u32 v36, v58  }
0x1be: {  	v55 =	vor.u32 v26, v58;
	v14 =	vor.u32 v29, v58;
	v26 =	vor.u32 v31, v58;
	v6 =	vld.idx.msk [tilespmem:v6+s21+$0x0], $0xffff  }
0x1bf: {  	[tilespmem:$0x1FEA0] =	vst v9;
	v9 =	vor.u32 v31, v39;
	v11 =	vmul.f32 v17, v19;
	v63 =	vld.idx.msk [tilespmem:v13+s21+$0x0], $0xffff  }
0x1c0: {  	v62 =	vimm.f32 $0.0e+00;
	v40 =	vor.u32 v35, v58;
	[tilespmem:$0x1FEB0] =	vst v9;
	v9 =	vor.u32 v24, v58;
	v61 =	vld.idx.msk [tilespmem:v18+s21+$0x0], $0xffff  }
0x1c1: {  	v60 =	vimm.f32 $0.0e+00;
	v43 =	vor.u32 v41, v58;
	v12 =	vor.u32 v34, v58;
	[tilespmem:$0x1FEC0] =	vst v11;
	v11 =	vld.idx.msk [tilespmem:v16+s21+$0x0], $0xffff  }
0x1c2: {  	v53 =	vmul.f32 v10, v23;
	v17 =	vor.u32 v32, v58;
	v34 =	vld.idx.msk [tilespmem:v1+s31+$0x0], $0xffff;
	v1 =	vmul.f32 v4, v19  }
0x1c3: {  	v37 =	vmul.f32 v2, v23;
	v2 =	vor.u32 v48, v58;
	v16 =	vld.idx.msk [tilespmem:v27+s21+$0x0], $0xffff;
	v0 =	vmul.f32 v0, v23  }
0x1c4: {  	v56 =	vimm.f32 $0.0e+00;
	v48 =	vor.u32 v31, v3;
	v18 =	vld.idx.msk [tilespmem:v14+s21+$0x0], $0xffff;
	[tilespmem:$0x1FED0] =	vst v1;
	v1 =	vmul.f32 v8, v23  }
0x1c5: {  	v50 =	vimm.f32 $0.0e+00;
	[tilespmem:$0x1FF00] =	vst v0;
	v0 =	vmul.f32 v7, v15;
	v7 =	vor.u32 v29, v3;
	v4 =	vld.idx.msk [tilespmem:v9+s21+$0x0], $0xffff  }
0x1c6: {  	v22 =	vimm.f32 $0.0e+00;
	v9 =	vld.idx.msk [tilespmem:v12+s21+$0x0], $0xffff;
	[tilespmem:$0x1FEE0] =	vst v1;
	v1 =	vmul.f32 v6, v23;
	v6 =	vor.u32 v51, v58  }
0x1c7: {  	v13 =	vor.u32 v35, v39;
	v59 =	vmul.f32 v11, v15;
	v11 =	vld.idx.msk [tilespmem:v17+s21+$0x0], $0xffff;
	v12 =	vmul.f32 v20, v15  }
0x1c8: {  	[tilespmem:$0x1FE90] =	vst v36;
	v36 =	vimm.f32 $0.0e+00;
	v52 =	vmul.f32 v16, v19;
	v20 =	vor.u32 v33, v39;
	v16 =	vld.idx.msk [tilespmem:v40+s21+$0x0], $0xffff  }
0x1c9: {  	v40 =	vimm.f32 $0.0e+00;
	v8 =	vor.u32 v35, v3;
	[tilespmem:$0x1FF10] =	vst v12;
	v12 =	vld.idx.msk [tilespmem:v43+s21+$0x0], $0xffff;
	v43 =	vimm.f32 $0.0e+00  }
0x1ca: {  	v14 =	vld.idx.msk [tilespmem:v7+s21+$0x0], $0xffff;
	v51 =	vor.u32 v35, v5;
	v3 =	vmul.f32 v4, v34;
	v4 =	vor.u32 v44, v39  }
0x1cb: {  	v7 =	vimm.f32 $0.0e+00;
	[tilespmem:$0x1FEF0] =	vst v1;
	v1 =	vor.u32 v29, v5;
	v17 =	vld.idx.msk [tilespmem:v6+s21+$0x0], $0xffff;
	v6 =	vmul.f32 v9, v34  }
0x1cc: {  	v49 =	vld.idx.msk [tilespmem:v26+s21+$0x0], $0xffff;
	v5 =	vor.u32 v41, v5;
	v54 =	vadd.f32 v3, v22;
	v3 =	vimm.f32 $0.0e+00  }
0x1cd: {  	s9 =	simm.s32 $0x4;
	v2 =	vld.idx.msk [tilespmem:v2+s21+$0x0], $0xffff;
	v9 =	vimm.f32 $0.0e+00;
	v10 =	vadd.f32 v6, v22;
	v6 =	vor.u32 v29, v39  }
.LBB2_9:
0x1ce: {  	v21 =	vld [tilespmem:$0x1FE10];
	_ =	sdelay $0x4  }
0x1cf: {  	v12 =	vmul.f32 v12, v34;
	v31 =	vadd.f32 v21, v54;
	v21 =	vld.idx.msk [tilespmem:v5+s21+$0x0], $0xffff  }
0x1d0: {  	v5 =	vld [tilespmem:$0x1FE50]  }
0x1d1: {  	v12 =	vadd.f32 v12, v7;
	v7 =	vld [tilespmem:$0x1FE30]  }
0x1d2: {  	v11 =	vmul.f32 v11, v34;
	_ =	sdelay $0x1  }
0x1d3: {  	v11 =	vadd.f32 v11, v22;
	_ =	sdelay $0x1  }
0x1d4: {  	v5 =	vadd.f32 v5, v11;
	v11 =	vadd.f32 v7, v31;
	v7 =	vld [tilespmem:$0x1FEB0];
	_ =	sdelay $0x5  }
0x1d5: {  	v32 =	vld [tilespmem:$0x1FF80]  }
0x1d6: {  	s10 =	smov.u32 s9;
	v17 =	vmul.f32 v17, v34  }
0x1d7: {  	s11 =	sadd.s32 $0x1, s10;
	v63 =	vmul.f32 v63, v34;
	v30 =	vld.idx.msk [tilespmem:v7+s21+$0x0], $0xffff;
	v7 =	vlaneseq.u32  }
0x1d8: {  	v20 =	vld.idx.msk [tilespmem:v20+s21+$0x0], $0xffff;
	v33 =	vmul.f32 v2, v34;
	v2 =	vadd.f32 v17, v60;
	v31 =	vadd.s32 s11, v7  }
0x1d9: {  	v44 =	vld [tilespmem:$0x1FF90];
	v3 =	vadd.f32 v63, v3;
	v63 =	vmul.f32 v49, v34;
	v49 =	vand.u32 $0x3F, v31  }
0x1da: {  	v25 =	vld [tilespmem:$0x1FFA0];
	[tilespmem:$0x1FD60] =	vst v2;
	v2 =	vor.u32 v32, v49  }
0x1db: {  	[tilespmem:$0x1FD70] =	vst v2;
	v2 =	vld [tilespmem:$0x1FEC0]  }
0x1dc: {  	v47 =	vld.idx.msk [tilespmem:v47+s21+$0x0], $0xffff  }
0x1dd: {  	v13 =	vld.idx.msk [tilespmem:v13+s21+$0x0], $0xffff  }
0x1de: {  	v8 =	vld.idx.msk [tilespmem:v8+s21+$0x0], $0xffff  }
0x1df: {  	v54 =	vld.idx.msk [tilespmem:v28+s21+$0x0], $0xffff  }
0x1e0: {  	[tilespmem:$0x1FD80] =	vst v45;
	v45 =	vadd.f32 v2, v5;
	v2 =	vld [tilespmem:$0x1FE70]  }
0x1e1: {  	v28 =	vmov v36;
	v36 =	vld [tilespmem:$0x1FE90]  }
0x1e2: {  	v41 =	vld [tilespmem:$0x1FF60];
	v12 =	vadd.f32 v0, v12;
	v0 =	vmul.f32 v30, v23  }
0x1e3: {  	v4 =	vld.idx.msk [tilespmem:v4+s21+$0x0], $0xffff  }
0x1e4: {  	[tilespmem:$0x1FDA0] =	vst v0;
	v0 =	vmul.f32 v47, v23;
	v5 =	vld.idx.msk [tilespmem:v6+s21+$0x0], $0xffff  }
0x1e5: {  	v35 =	vmul.f32 v61, v34;
	v39 =	vor.u32 v44, v39;
	v3 =	vadd.f32 v2, v3;
	v2 =	vld [tilespmem:$0x1FFC0]  }
0x1e6: {  	v17 =	vor.u32 v36, v49;
	[tilespmem:$0x1FDB0] =	vst v0;
	v0 =	vld [tilespmem:$0x1FEA0]  }
0x1e7: {  	[tilespmem:$0x1FD90] =	vst v38;
	v35 =	vadd.f32 v35, v62;
	v33 =	vadd.f32 v33, v9;
	v9 =	vld [tilespmem:$0x1FF30];
	v38 =	vor.u32 v25, v49  }
0x1e8: {  	v16 =	vmul.f32 v16, v34;
	v27 =	vmul.f32 v20, v23;
	v31 =	vld.idx.msk [tilespmem:v55+s21+$0x0], $0xffff  }
0x1e9: {  	v24 =	vadd.f32 v59, v35;
	v61 =	vmul.f32 v13, v23;
	v60 =	vmul.f32 v5, v23;
	v5 =	vld [tilespmem:$0x1FE20]  }
0x1ea: {  	s12 =	sadd.s32 $0x2, s10;
	v8 =	vmul.f32 v8, v15;
	v16 =	vadd.f32 v16, v56;
	v20 =	vld.idx.msk [tilespmem:v39+s21+$0x0], $0xffff;
	v13 =	vor.u32 v2, v49  }
0x1eb: {  	v17 =	vld.idx.msk [tilespmem:v17+s31+$0x0], $0xffff;
	v6 =	vor.u32 v44, v49;
	v3 =	vadd.f32 v0, v3;
	v0 =	vadd.s32 s12, v7  }
0x1ec: {  	v55 =	vmul.f32 v54, v23;
	v30 =	vor.u32 v41, v49;
	v35 =	vld.idx.msk [tilespmem:v38+s21+$0x0], $0xffff;
	v54 =	vand.u32 $0x3F, v0  }
0x1ed: {  	v8 =	vadd.f32 v8, v16;
	v16 =	vld.idx.msk [tilespmem:v57+s21+$0x0], $0xffff;
	v29 =	vmul.f32 v31, v34;
	v31 =	vor.u32 v36, v54  }
0x1ee: {  	[tilespmem:$0x1FDC0] =	vst v46;
	v46 =	vor.u32 v2, v54;
	v26 =	vadd.f32 v5, v33;
	v5 =	vld [tilespmem:$0x1FED0]  }
0x1ef: {  	v4 =	vmul.f32 v4, v23;
	v13 =	vld.idx.msk [tilespmem:v13+s21+$0x0], $0xffff  }
0x1f0: {  	v20 =	vmul.f32 v20, v23;
	v6 =	vld.idx.msk [tilespmem:v6+s21+$0x0], $0xffff;
	v23 =	vor.u32 v9, v49  }
0x1f1: {  	[tilespmem:$0x1FDD0] =	vst v4;
	v56 =	vld.idx.msk [tilespmem:v30+s21+$0x0], $0xffff;
	v4 =	vmul.f32 v35, v17  }
0x1f2: {  	v10 =	vadd.f32 v42, v10;
	v58 =	vor.u32 v25, v58;
	v57 =	vld.idx.msk [tilespmem:v31+s31+$0x0], $0xffff  }
0x1f3: {  	[tilespmem:$0x1FDE0] =	vst v4;
	v4 =	vadd.f32 v37, v45;
	v37 =	vld.idx.msk [tilespmem:v46+s21+$0x0], $0xffff  }
0x1f4: {  	v38 =	vld [tilespmem:$0x1FF40];
	v10 =	vadd.f32 v5, v10;
	v5 =	vmul.f32 v13, v17  }
0x1f5: {  	[tilespmem:$0x1FDF0] =	vst v4;
	v4 =	vmul.f32 v6, v17;
	v6 =	vadd.f32 v53, v11;
	v11 =	vld.idx.msk [tilespmem:v23+s21+$0x0], $0xffff  }
0x1f6: {  	v1 =	vld.idx.msk [tilespmem:v1+s21+$0x0], $0xffff;
	[tilespmem:$0x1FE10] =	vst v5;
	v5 =	vmul.f32 v56, v17  }
0x1f7: {  	v39 =	vld.idx.msk [tilespmem:v58+s21+$0x0], $0xffff  }
0x1f8: {  	v18 =	vmul.f32 v18, v34;
	v0 =	vld [tilespmem:$0x1FFD0];
	v58 =	vor.u32 v25, v54;
	[tilespmem:$0x1FE20] =	vst v5;
	v5 =	vmul.f32 v37, v57  }
0x1f9: {  	v62 =	vld.idx.msk [tilespmem:v51+s21+$0x0], $0xffff;
	v47 =	vor.u32 v38, v54  }
0x1fa: {  	v18 =	vadd.f32 v18, v50;
	v50 =	vor.u32 v32, v54;
	[tilespmem:$0x1FE30] =	vst v5;
	v5 =	vmul.f32 v11, v17  }
0x1fb: {  	v51 =	vadd.f32 v52, v26;
	v26 =	vor.u32 v9, v54;
	v31 =	vld [tilespmem:$0x1FFE0]  }
0x1fc: {  	[tilespmem:$0x1FE50] =	vst v5;
	v5 =	vld [tilespmem:$0x1FE60]  }
0x1fd: {  	v42 =	vor.u32 v0, v54;
	v46 =	vld.idx.msk [tilespmem:v58+s21+$0x0], $0xffff  }
0x1fe: {  	v14 =	vmul.f32 v14, v15;
	v33 =	vor.u32 v0, v49;
	v58 =	vld.idx.msk [tilespmem:v47+s21+$0x0], $0xffff  }
0x1ff: {  	v1 =	vmul.f32 v1, v19;
	v11 =	vld.idx.msk [tilespmem:v50+s21+$0x0], $0xffff  }
0x200: {  	v14 =	vadd.f32 v14, v18;
	v21 =	vmul.f32 v21, v19;
	v45 =	vor.u32 v31, v49;
	v50 =	vld.idx.msk [tilespmem:v26+s21+$0x0], $0xffff  }
0x201: {  	v53 =	vmul.f32 v62, v19;
	v23 =	vor.u32 v31, v54;
	v62 =	vadd.f32 v5, v24;
	v5 =	vld [tilespmem:$0x1FEE0]  }
0x202: {  	v12 =	vadd.f32 v21, v12;
	v21 =	vld.idx.msk [tilespmem:v42+s21+$0x0], $0xffff  }
0x203: {  	v1 =	vadd.f32 v1, v14;
	s12 =	sadd.s32 $0x3, s10;
	v13 =	vld.idx.msk [tilespmem:v33+s21+$0x0], $0xffff  }
0x204: {  	v16 =	vmul.f32 v16, v19;
	v14 =	vadd.s32 s10, v7;
	v42 =	vadd.s32 s12, v7;
	v37 =	vld.idx.msk [tilespmem:v48+s21+$0x0], $0xffff  }
0x205: {  	v34 =	vmul.f32 v39, v34;
	v39 =	vand.u32 $0x3F, v42;
	v19 =	vld.idx.msk [tilespmem:v45+s21+$0x0], $0xffff;
	v7 =	vmul.f32 v50, v57  }
0x206: {  	v48 =	vld.idx.msk [tilespmem:v23+s21+$0x0], $0xffff;
	v3 =	vadd.f32 v5, v3;
	v5 =	vmul.f32 v58, v57;
	v58 =	vand.u32 $0x3F, v14  }
0x207: {  	v33 =	vor.u32 v0, v39;
	[tilespmem:$0x1FEC0] =	vst v7;
	v7 =	vadd.f32 v55, v12;
	v55 =	vor.u32 v0, v58;
	v0 =	vld [tilespmem:$0x1FE40];
	_ =	sdelay $0x1  }
0x208: {  	v22 =	vmul.f32 v46, v57;
	v46 =	vld [tilespmem:$0x1FFF0];
	v56 =	vor.u32 v2, v39  }
0x209: {  	v29 =	vadd.f32 v29, v40;
	v24 =	vor.u32 v32, v39;
	[tilespmem:$0x1FE60] =	vst v5;
	v5 =	vmul.f32 v19, v17;
	_ =	sdelay $0x1  }
0x20a: {  	[tilespmem:$0x1FE70] =	vst v5;
	v5 =	vmul.f32 v48, v57;
	v29 =	vadd.f32 v0, v29;
	v0 =	vld [tilespmem:$0x1FE80]  }
0x20b: {  	v52 =	vor.u32 v44, v54  }
0x20c: {  	v26 =	vld.idx.msk [tilespmem:v56+s21+$0x0], $0xffff;
	[tilespmem:$0x1FEA0] =	vst v5;
	v5 =	vor.u32 v46, v39  }
0x20d: {  	v8 =	vadd.f32 v53, v8;
	[tilespmem:$0x1FEB0] =	vst v5;
	v5 =	vmul.f32 v11, v57;
	v11 =	vld.idx.msk [tilespmem:v24+s21+$0x0], $0xffff  }
0x20e: {  	v24 =	vor.u32 v2, v58;
	v2 =	vld [tilespmem:$0x1FD60]  }
0x20f: {  	v56 =	vadd.f32 v61, v8;
	v8 =	vadd.f32 v0, v29;
	v0 =	vld [tilespmem:$0x1FF10]  }
0x210: {  	v40 =	vld.idx.msk [tilespmem:v52+s21+$0x0], $0xffff;
	_ =	sdelay $0x1  }
0x211: {  	v13 =	vmul.f32 v13, v17;
	_ =	sdelay $0x1  }
0x212: {  	v18 =	vor.u32 v36, v39;
	v19 =	vmovc v57;
	v29 =	vadd.f32 v0, v2;
	v0 =	vmov v13  }
0x213: {  	v45 =	vor.u32 v31, v39;
	[tilespmem:$0x1FE40] =	vst v0;
	v0 =	vmul.f32 v40, v19;
	_ =	sdelay $0x1  }
0x214: {  	[tilespmem:$0x1FED0] =	vst v0;
	v0 =	vld [tilespmem:$0x1FD70]  }
0x215: {  	v30 =	vor.u32 v38, v49;
	v35 =	vld [tilespmem:$0x1FF70]  }
0x216: {  	v23 =	vld.idx.msk [tilespmem:v18+s31+$0x0], $0xffff  }
0x217: {  	v48 =	vld.idx.msk [tilespmem:v45+s21+$0x0], $0xffff;
	_ =	sdelay $0x1  }
0x218: {  	v10 =	vadd.f32 v20, v10  }
0x219: {  	v20 =	vor.u32 v35, v49;
	v52 =	vld.idx.msk [tilespmem:v30+s21+$0x0], $0xffff;
	v37 =	vmul.f32 v37, v15;
	v14 =	vadd.f32 v63, v28  }
0x21a: {  	v42 =	vld [tilespmem:$0x1FFB0];
	v18 =	vor.u32 v9, v39  }
0x21b: {  	v59 =	vor.u32 v41, v54;
	v13 =	vadd.f32 v37, v14;
	v14 =	vld.idx.msk [tilespmem:v0+s21+$0x0], $0xffff;
	v0 =	vmul.f32 v48, v23  }
0x21c: {  	v12 =	vld.idx.msk [tilespmem:v33+s21+$0x0], $0xffff  }
0x21d: {  	v28 =	vor.u32 v38, v58;
	[tilespmem:$0x1FEE0] =	vst v0;
	v0 =	vld [tilespmem:$0x1FEF0]  }
0x21e: {  	v20 =	vld.idx.msk [tilespmem:v20+s21+$0x0], $0xffff;
	v9 =	vor.u32 v9, v58  }
0x21f: {  	v18 =	vld.idx.msk [tilespmem:v18+s21+$0x0], $0xffff  }
0x220: {  	v63 =	vor.u32 v31, v58;
	v31 =	vld.idx.msk [tilespmem:v59+s21+$0x0], $0xffff;
	v2 =	vor.u32 v44, v58  }
0x221: {  	v15 =	vmov v17;
	v45 =	vld [tilespmem:$0x1FF50]  }
0x222: {  	v17 =	vor.u32 v36, v58;
	v61 =	vld.idx.msk [tilespmem:v28+s21+$0x0], $0xffff;
	v40 =	vadd.f32 v0, v8;
	v0 =	vmul.f32 v12, v23  }
0x223: {  	v44 =	vor.u32 v32, v58;
	v32 =	vmul.f32 v11, v23;
	v11 =	vld.idx.msk [tilespmem:v9+s21+$0x0], $0xffff  }
0x224: {  	[tilespmem:$0x1FEF0] =	vst v0;
	v0 =	vld [tilespmem:$0x1FD80]  }
0x225: {  	v9 =	vadd.f32 v16, v13;
	v16 =	vld.idx.msk [tilespmem:v2+s21+$0x0], $0xffff  }
0x226: {  	v2 =	vld [tilespmem:$0x1FD90];
	v14 =	vmul.f32 v14, v15  }
0x227: {  	v43 =	vadd.f32 v34, v43;
	[tilespmem:$0x1FE00] =	vst v4;
	v34 =	vld.idx.msk [tilespmem:v17+s31+$0x0], $0xffff  }
0x228: {  	v4 =	vor.u32 v35, v39;
	[tilespmem:$0x1FF10] =	vst v14;
	v14 =	vld [tilespmem:$0x1FDC0]  }
0x229: {  	v53 =	vor.u32 v42, v58;
	v37 =	vmul.f32 v18, v23;
	v18 =	vld.idx.msk [tilespmem:v24+s21+$0x0], $0xffff;
	v12 =	vadd.f32 v0, v43  }
0x22a: {  	v28 =	vmov v4;
	v4 =	vld [tilespmem:$0x1FF00]  }
0x22b: {  	v13 =	vadd.f32 v2, v12;
	v2 =	vld [tilespmem:$0x1FDA0]  }
0x22c: {  	v21 =	vmul.f32 v21, v57;
	v33 =	vor.u32 v42, v49;
	v0 =	vmul.f32 v20, v15;
	v20 =	vld [tilespmem:$0x1FDD0]  }
0x22d: {  	v63 =	vld.idx.msk [tilespmem:v63+s21+$0x0], $0xffff;
	v57 =	vor.u32 v35, v58;
	v30 =	vor.u32 v45, v58;
	v14 =	vadd.f32 v14, v29  }
0x22e: {  	v48 =	vor.u32 v46, v49;
	v8 =	vor.u32 v45, v49;
	v49 =	vmul.f32 v18, v34;
	v18 =	vld.idx.msk [tilespmem:v53+s21+$0x0], $0xffff  }
0x22f: {  	v50 =	vadd.f32 v60, v1;
	v60 =	vadd.f32 v4, v14;
	v4 =	vld [tilespmem:$0x1FDE0]  }
0x230: {  	v17 =	vor.u32 v41, v58;
	v36 =	vadd.f32 v2, v9;
	v2 =	vld [tilespmem:$0x1FDB0]  }
0x231: {  	v62 =	vadd.f32 v27, v62;
	v27 =	vor.u32 v46, v58;
	v14 =	vld.idx.msk [tilespmem:v33+s21+$0x0], $0xffff;
	v43 =	vadd.f32 v20, v13  }
0x232: {  	v12 =	vld.idx.msk [tilespmem:v57+s21+$0x0], $0xffff;
	v20 =	vor.u32 v38, v39;
	v38 =	vmovc v22;
	v22 =	vmul.f32 v16, v34;
	v16 =	vmov v21  }
0x233: {  	p1 =	slt.u32 s9, $0x3C;
	v47 =	vor.u32 v41, v39;
	v1 =	vor.u32 v42, v54;
	[tilespmem:$0x1FE80] =	vst v16;
	v16 =	vld.idx.msk [tilespmem:v30+s21+$0x0], $0xffff  }
.Ltmp5:
0x234: {  	v59 =	vmul.f32 v52, v15;
	v52 =	vmul.f32 v31, v19;
	v10 =	vadd.f32 v22, v10;
	v22 =	vld [tilespmem:$0x1FDF0];
	(pc) =	sbr.rel @p1 .LBB2_9-.Ltmp5, $4  }
0x235: {  	v53 =	vmul.f32 v26, v23;
	v57 =	vor.u32 v46, v54;
	v9 =	vadd.f32 v2, v51;
	v2 =	vld.idx.msk [tilespmem:v17+s21+$0x0], $0xffff  }
0x236: {  	v46 =	vmov v5;
	v5 =	vor.u32 v35, v54;
	v13 =	vor.u32 v45, v39;
	v17 =	vld.idx.msk [tilespmem:v44+s21+$0x0], $0xffff  }
0x237: {  	v21 =	vmov v32;
	v51 =	vor.u32 v45, v54;
	v54 =	vadd.f32 v49, v6;
	v49 =	vld.idx.msk [tilespmem:v27+s21+$0x0], $0xffff  }
0x238: {  	s9 =	sadd.s32 $0x4, s9;
	[tilespmem:$0x1FF00] =	vst v21;
	v45 =	vmov v4;
	v4 =	vor.u32 v25, v39;
	v6 =	vor.u32 v42, v39;
	v42 =	vld [tilespmem:$0x1FE00]  }
0x239: {  	v27 =	vld [tilespmem:$0x1FE50]  }
0x23a: {  	v11 =	vmul.f32 v11, v34;
	_ =	sdelay $0x1  }
0x23b: {  	v11 =	vadd.f32 v11, v22;
	v22 =	vld [tilespmem:$0x1FE10];
	_ =	sdelay $0x1  }
0x23c: {  	v11 =	vadd.f32 v27, v11;
	v27 =	vld [tilespmem:$0x1FE30];
	_ =	sdelay $0x2  }
0x23d: {  	v22 =	vadd.f32 v22, v54;
	_ =	sdelay $0x1  }
0x23e: {  	v22 =	vadd.f32 v27, v22;
	v27 =	vld.idx.msk [tilespmem:v28+s21+$0x0], $0xffff  }
0x23f: {  	v28 =	vld [tilespmem:$0x1FE70]  }
0x240: {  	v21 =	vmul.f32 v63, v34;
	v20 =	vld.idx.msk [tilespmem:v20+s21+$0x0], $0xffff;
	v2 =	vmul.f32 v2, v34  }
0x241: {  	v8 =	vld.idx.msk [tilespmem:v8+s21+$0x0], $0xffff  }
0x242: {  	v3 =	vadd.f32 v21, v3;
	v2 =	vadd.f32 v2, v9;
	v9 =	vld [tilespmem:$0x1FEC0]  }
0x243: {  	v32 =	vld [tilespmem:$0x1FFA0]  }
0x244: {  	v16 =	vmul.f32 v16, v34;
	v3 =	vadd.f32 v28, v3;
	v28 =	vld [tilespmem:$0x1FE20]  }
0x245: {  	v1 =	vld.idx.msk [tilespmem:v1+s21+$0x0], $0xffff  }
0x246: {  	v12 =	vmul.f32 v12, v34;
	v6 =	vld.idx.msk [tilespmem:v6+s21+$0x0], $0xffff;
	v16 =	vadd.f32 v16, v56;
	v8 =	vmul.f32 v8, v15  }
0x247: {  	v18 =	vmul.f32 v18, v34;
	v9 =	vadd.f32 v9, v11;
	v11 =	vld.idx.msk [tilespmem:v48+s21+$0x0], $0xffff  }
0x248: {  	v29 =	vld [tilespmem:$0x1FEB0];
	v7 =	vadd.f32 v12, v7;
	v8 =	vadd.f32 v8, v16  }
0x249: {  	v14 =	vmul.f32 v14, v15;
	v16 =	vadd.f32 v18, v50;
	v2 =	vadd.f32 v28, v2;
	v28 =	vld.idx.msk [tilespmem:v57+s21+$0x0], $0xffff  }
0x24a: {  	v12 =	vld.idx.msk [tilespmem:v55+s21+$0x0], $0xffff;
	v55 =	vmul.f32 v49, v34  }
0x24b: {  	v0 =	vadd.f32 v0, v7;
	v7 =	vld [tilespmem:$0x1FEA0];
	v1 =	vmul.f32 v1, v19;
	v14 =	vadd.f32 v14, v16  }
0x24c: {  	v30 =	vld [tilespmem:$0x1FF90];
	v11 =	vmul.f32 v11, v15;
	v15 =	vadd.f32 v55, v36  }
0x24d: {  	v24 =	vld.idx.msk [tilespmem:v47+s21+$0x0], $0xffff;
	v6 =	vmul.f32 v6, v23;
	v1 =	vadd.f32 v1, v14  }
0x24e: {  	v5 =	vld.idx.msk [tilespmem:v5+s21+$0x0], $0xffff;
	v25 =	vor.u32 v32, v58;
	v11 =	vadd.f32 v11, v15;
	v58 =	vmul.f32 v28, v19  }
0x24f: {  	v56 =	vld [tilespmem:$0x1FE40];
	v1 =	vadd.f32 v6, v1  }
0x250: {  	v3 =	vadd.f32 v7, v3;
	v7 =	vmul.f32 v12, v34;
	v6 =	vadd.f32 v58, v11;
	v11 =	vld [tilespmem:$0x1FED0]  }
0x251: {  	v57 =	vld [tilespmem:$0x1FE80]  }
0x252: {  	v29 =	vld.idx.msk [tilespmem:v29+s21+$0x0], $0xffff;
	v7 =	vadd.f32 v7, v40  }
0x253: {  	v10 =	vadd.f32 v42, v10;
	v21 =	vor.u32 v30, v39;
	v15 =	vld [tilespmem:$0x1FEF0]  }
0x254: {  	v16 =	vld.idx.msk [tilespmem:v51+s21+$0x0], $0xffff;
	v7 =	vadd.f32 v56, v7  }
0x255: {  	v10 =	vadd.f32 v11, v10;
	v11 =	vld [tilespmem:$0x1FEE0]  }
0x256: {  	v18 =	vld.idx.msk [tilespmem:v25+s21+$0x0], $0xffff;
	v7 =	vadd.f32 v57, v7  }
0x257: {  	v26 =	vmul.f32 v61, v34;
	v13 =	vld.idx.msk [tilespmem:v13+s21+$0x0], $0xffff;
	v17 =	vmul.f32 v17, v34  }
0x258: {  	v5 =	vmul.f32 v5, v19;
	v21 =	vld.idx.msk [tilespmem:v21+s21+$0x0], $0xffff;
	v7 =	vadd.f32 v15, v7  }
0x259: {  	v4 =	vld.idx.msk [tilespmem:v4+s21+$0x0], $0xffff;
	v26 =	vadd.f32 v26, v62;
	v17 =	vadd.f32 v17, v60  }
0x25a: {  	v0 =	vadd.f32 v5, v0;
	[tilespmem:$0x16990] =	vst v7;
	v7 =	vmul.f32 v16, v19;
	v3 =	vadd.f32 v11, v3  }
0x25b: {  	v9 =	vadd.f32 v37, v9;
	v14 =	vmul.f32 v29, v23;
	v15 =	vmul.f32 v18, v34  }
0x25c: {  	v22 =	vadd.f32 v53, v22;
	v7 =	vadd.f32 v7, v8;
	v8 =	vld [tilespmem:$0x1FF10];
	[tilespmem:$0x169B0] =	vst v3;
	v3 =	vmul.f32 v13, v23  }
0x25d: {  	[tilespmem:$0x169A0] =	vst v1;
	v1 =	vmul.f32 v21, v23;
	v6 =	vadd.f32 v14, v6;
	v5 =	vadd.f32 v15, v43;
	v11 =	vld [tilespmem:$0x1FE60]  }
0x25e: {  	v12 =	vadd.f32 v59, v26;
	[tilespmem:$0x169D0] =	vst v9;
	v9 =	vmul.f32 v27, v23;
	v3 =	vadd.f32 v3, v7  }
0x25f: {  	[tilespmem:$0x169C0] =	vst v6;
	v5 =	vadd.f32 v45, v5;
	v1 =	vadd.f32 v1, v10  }
0x260: {  	v2 =	vadd.f32 v52, v2;
	v0 =	vadd.f32 v9, v0;
	v6 =	vmul.f32 v24, v23;
	[tilespmem:$0x16A00] =	vst v3;
	v3 =	vld [tilespmem:$0x1FF00]  }
0x261: {  	v8 =	vadd.f32 v8, v17;
	[tilespmem:$0x169F0] =	vst v1;
	v1 =	vmul.f32 v4, v23;
	v4 =	vadd.f32 v38, v5  }
0x262: {  	v20 =	vmul.f32 v20, v23;
	[tilespmem:$0x16980] =	vst v22;
	v2 =	vadd.f32 v6, v2;
	v11 =	vadd.f32 v11, v12  }
0x263: {  	[tilespmem:$0x16A20] =	vst v0;
	v6 =	vadd.f32 v46, v8;
	v1 =	vadd.f32 v1, v4  }
0x264: {  	[tilespmem:$0x16A10] =	vst v2;
	v11 =	vadd.f32 v20, v11  }
0x265: {  	s9 =	sor.u32 s3, s8;
	[tilespmem:$0x16A40] =	vst v1;
	v3 =	vadd.f32 v3, v6  }
0x266: {  	s9 =	sshll.u32 s9, $0x4;
	[tilespmem:$0x169E0] =	vst v11  }
0x267: {  	s10 =	sadd.s32 s5, s9;
	[tilespmem:$0x16A30] =	vst v3  }
0x268: {  	[hbm4b:s10+s2] =	stream.linear.scatter [tilespmem:s1], [sflag:$0x4], $0x80, $0x38;
	[tilespmem:$0x16B20] =	vst v63  }
0x269: {  	p1 =	seq.s32 s7, $0x3F;
	s9 =	sadd.s32 s6, s9  }
0x26a: {  	[hbm4b:s9+s2] =	stream.linear.scatter [tilespmem:s17], [sflag:$0x4], $0x80, $0x38;
	[tilespmem:$0x16B20] =	vst v63  }
0x26b: {  	s9 =	sshll.u32 @!p1 s7, $0x8  }
0x26c: {  	s11 =	simm.s32 @!p1 $0x80;
	s12 =	simm.s32 @!p1 $0x10180;
	s10 =	sadd.s32 @!p1 $0x200, s9  }
0x26d: {  	[tilespmem:s12], [sflag:$0x2] =	stream.indirect.gather @!p1 [hbm4b:s4+s11], $0x40, s10, s11, $0xb8;
	[tilespmem:$0x16B20] =	vst v63  }
0x26e: {  	s9 =	sadd.s32 @!p1 $0x4238, s9;
	s10 =	simm.s32 @!p1 $0x48;
	s11 =	simm.s32 @!p1 $0x12180  }
0x26f: {  	[tilespmem:s11], [sflag:$0x2] =	stream.indirect.gather @!p1 [hbm4b:s4+s10], $0x40, s9, s10, $0xb8;
	[tilespmem:$0x16B20] =	vst v63  }
0x270: {  	_ =	swait.ge [sflag:s18], $0x3200  }
0x271: {  	[sflag:s18] =	ssyncset.done $0x0  }
0x272: {  	s10 =	simm.s32 @!p0 $0x5;
	[sflag:s18] =	ssyncadd.s32 $0xFFFFCE00  }
0x273: {  	_ =	swait.ge @!p0 [sflag:s10], $0x80  }
0x274: {  	[sflag:s10] =	ssyncset.done @!p0 $0x0  }
0x275: {  	[sflag:s10] =	ssyncadd.s32 @!p0 $0xFFFFFF80  }
0x276: {  	_ =	swait.ge @!p0 [sflag:s10], $0x80  }
0x277: {  	v33 =	vld [tilespmem:$0x1FFC0]  }
0x278: {  	s8 =	sor.u32 $0x1, s8;
	v59 =	vlaneseq.u32;
	s11 =	simm.s32 $0x1;
	v28 =	vld [tilespmem:$0x1FF60]  }
0x279: {  	s12 =	sshll.u32 s8, $0x6;
	v0 =	vadd.s32 s11, v59;
	v61 =	vld [tilespmem:$0x1FFD0]  }
0x27a: {  	v60 =	vmov s12;
	v1 =	vand.u32 $0x3F, v0;
	v62 =	vld [tilespmem:$0x1FF30]  }
0x27b: {  	s12 =	simm.s32 $0x2;
	v0 =	vor.u32 v60, v1;
	v15 =	vld [tilespmem:$0x1FF40]  }
0x27c: {  	v5 =	vadd.s32 s12, v59;
	s11 =	simm.s32 $0x3;
	v2 =	vor.u32 v32, v1;
	v35 =	vld [tilespmem:$0x1FFE0]  }
0x27d: {  	v5 =	vand.u32 $0x3F, v5;
	v16 =	vadd.s32 s11, v59;
	v3 =	vor.u32 v30, v1;
	v63 =	vld [tilespmem:$0x1FF80]  }
0x27e: {  	v9 =	vor.u32 v32, v5;
	v31 =	vand.u32 $0x3F, v16;
	[sflag:s10] =	ssyncset.done @!p0 $0x0;
	v29 =	vld [tilespmem:$0x1FF70]  }
0x27f: {  	v16 =	vor.u32 v60, v31;
	v49 =	vld [tilespmem:$0x1FFF0];
	[sflag:s10] =	ssyncadd.s32 @!p0 $0xFFFFFF80  }
0x280: {  	v50 =	vld.idx.msk [tilespmem:v0+s31+$0x0], $0xffff;
	v0 =	vor.u32 v60, v5  }
0x281: {  	v2 =	vld.idx.msk [tilespmem:v2+s26+$0x0], $0xffff;
	v4 =	vor.u32 v33, v1  }
0x282: {  	v3 =	vld.idx.msk [tilespmem:v3+s26+$0x0], $0xffff;
	v6 =	vor.u32 v28, v1  }
0x283: {  	v9 =	vld.idx.msk [tilespmem:v9+s26+$0x0], $0xffff;
	v7 =	vor.u32 v33, v5  }
0x284: {  	v23 =	vld.idx.msk [tilespmem:v16+s31+$0x0], $0xffff;
	v8 =	vor.u32 v61, v1  }
0x285: {  	v10 =	vor.u32 v62, v1;
	v20 =	vld.idx.msk [tilespmem:v0+s31+$0x0], $0xffff  }
0x286: {  	v11 =	vor.u32 v61, v5;
	v4 =	vld.idx.msk [tilespmem:v4+s26+$0x0], $0xffff  }
0x287: {  	v12 =	vor.u32 v35, v1;
	v6 =	vld.idx.msk [tilespmem:v6+s26+$0x0], $0xffff  }
0x288: {  	v13 =	vor.u32 v35, v5;
	v7 =	vld.idx.msk [tilespmem:v7+s26+$0x0], $0xffff  }
0x289: {  	v14 =	vor.u32 v63, v5;
	v8 =	vld.idx.msk [tilespmem:v8+s26+$0x0], $0xffff  }
0x28a: {  	v17 =	vor.u32 v62, v5;
	v10 =	vld.idx.msk [tilespmem:v10+s26+$0x0], $0xffff  }
0x28b: {  	v0 =	vor.u32 v15, v5;
	v11 =	vld.idx.msk [tilespmem:v11+s26+$0x0], $0xffff  }
0x28c: {  	v18 =	vor.u32 v30, v5;
	v12 =	vld.idx.msk [tilespmem:v12+s26+$0x0], $0xffff  }
0x28d: {  	v48 =	vor.u32 v33, v31;
	v13 =	vld.idx.msk [tilespmem:v13+s26+$0x0], $0xffff  }
0x28e: {  	v27 =	vor.u32 v28, v5;
	v3 =	vmul.f32 v3, v50;
	v14 =	vld.idx.msk [tilespmem:v14+s26+$0x0], $0xffff  }
0x28f: {  	v19 =	vor.u32 v29, v1;
	v21 =	vor.u32 v35, v31;
	v22 =	vor.u32 v63, v1;
	v17 =	vld.idx.msk [tilespmem:v17+s26+$0x0], $0xffff  }
0x290: {  	v41 =	vmul.f32 v2, v50;
	[tilespmem:$0x1FC50] =	vst v3;
	v0 =	vld.idx.msk [tilespmem:v0+s26+$0x0], $0xffff;
	v3 =	vmul.f32 v4, v50  }
0x291: {  	s12 =	simm.s32 $0x0;
	v2 =	vor.u32 v63, v31;
	v39 =	vmul.f32 v9, v20;
	v4 =	vld.idx.msk [tilespmem:v18+s26+$0x0], $0xffff;
	v6 =	vmul.f32 v6, v50  }
0x292: {  	v9 =	vadd.s32 s12, v59;
	v8 =	vmul.f32 v8, v50;
	v45 =	vmul.f32 v10, v50;
	v10 =	vld.idx.msk [tilespmem:v48+s26+$0x0], $0xffff;
	[tilespmem:$0x1FC60] =	vst v3  }
0x293: {  	v51 =	vand.u32 $0x3F, v9;
	v9 =	vmul.f32 v13, v20;
	v36 =	vmul.f32 v14, v20;
	v14 =	vld.idx.msk [tilespmem:v27+s26+$0x0], $0xffff;
	[tilespmem:$0x1FC70] =	vst v6  }
0x294: {  	v18 =	vld.idx.msk [tilespmem:v22+s26+$0x0], $0xffff;
	v3 =	vor.u32 v62, v31;
	v6 =	vmul.f32 v7, v20;
	[tilespmem:$0x1FC90] =	vst v8  }
0x295: {  	v7 =	vld.idx.msk [tilespmem:v19+s26+$0x0], $0xffff;
	v0 =	vmul.f32 v0, v20;
	[tilespmem:$0x1FCF0] =	vst v9  }
0x296: {  	v16 =	vor.u32 v15, v1;
	v8 =	vld.idx.msk [tilespmem:v21+s26+$0x0], $0xffff;
	[tilespmem:$0x1FC80] =	vst v6  }
0x297: {  	v9 =	vor.u32 v49, v31;
	v21 =	vld [tilespmem:$0x1FFB0];
	v19 =	vor.u32 v15, v51;
	[tilespmem:$0x1FCA0] =	vst v0;
	v0 =	vor.u32 v29, v31  }
0x298: {  	v6 =	vor.u32 v61, v31;
	[tilespmem:$0x1FCB0] =	vst v0;
	v0 =	vld.idx.msk [tilespmem:v2+s26+$0x0], $0xffff;
	v2 =	vmul.f32 v12, v50  }
0x299: {  	[tilespmem:$0x1FD00] =	vst v9;
	v9 =	vor.u32 v33, v51;
	v3 =	vld.idx.msk [tilespmem:v3+s26+$0x0], $0xffff  }
0x29a: {  	v52 =	vimm.f32 $0.0e+00;
	v22 =	vld [tilespmem:$0x1FF50];
	v12 =	vor.u32 v30, v51;
	[tilespmem:$0x1FCC0] =	vst v2;
	v2 =	vmul.f32 v11, v20  }
0x29b: {  	v58 =	vimm.f32 $0.0e+00;
	v46 =	vor.u32 v28, v31;
	v11 =	vld.idx.msk [tilespmem:v16+s26+$0x0], $0xffff;
	v16 =	vor.u32 v62, v51  }
0x29c: {  	v43 =	vimm.f32 $0.0e+00;
	v53 =	vmul.f32 v14, v20;
	v14 =	vld.idx.msk [tilespmem:v19+s26+$0x0], $0xffff;
	[tilespmem:$0x1FCD0] =	vst v2;
	v2 =	vor.u32 v60, v51  }
0x29d: {  	v56 =	vor.u32 v29, v5;
	v47 =	vmul.f32 v17, v20;
	v17 =	vor.u32 v21, v51;
	v6 =	vld.idx.msk [tilespmem:v6+s26+$0x0], $0xffff  }
0x29e: {  	v54 =	vor.u32 v61, v51;
	v25 =	vor.u32 v49, v51;
	v42 =	vmul.f32 v3, v23;
	v3 =	vld.idx.msk [tilespmem:v9+s26+$0x0], $0xffff  }
0x29f: {  	v55 =	vor.u32 v29, v51;
	v13 =	vor.u32 v35, v51;
	v24 =	vor.u32 v22, v51;
	v9 =	vld.idx.msk [tilespmem:v12+s26+$0x0], $0xffff  }
0x2a0: {  	v48 =	vor.u32 v49, v1;
	v40 =	vor.u32 v22, v5;
	v59 =	vmul.f32 v11, v50;
	v11 =	vld.idx.msk [tilespmem:v16+s26+$0x0], $0xffff  }
0x2a1: {  	v57 =	vmul.f32 v10, v23;
	v62 =	vimm.f32 $0.0e+00;
	v37 =	vld.idx.msk [tilespmem:v2+s31+$0x0], $0xffff;
	v2 =	vmul.f32 v4, v20  }
0x2a2: {  	[tilespmem:$0x1FCE0] =	vst v60;
	v60 =	vimm.f32 $0.0e+00;
	v61 =	vld.idx.msk [tilespmem:v17+s26+$0x0], $0xffff;
	v44 =	vmul.f32 v6, v23;
	v6 =	vor.u32 v63, v51  }
0x2a3: {  	v4 =	vmul.f32 v7, v50;
	v7 =	vor.u32 v21, v1;
	[tilespmem:$0x1FD10] =	vst v2;
	v2 =	vmul.f32 v8, v23  }
0x2a4: {  	v35 =	vmul.f32 v0, v23;
	v0 =	vor.u32 v21, v5;
	v12 =	vmul.f32 v18, v50;
	v17 =	vld.idx.msk [tilespmem:v24+s26+$0x0], $0xffff  }
0x2a5: {  	v18 =	vor.u32 v15, v31;
	v15 =	vimm.f32 $0.0e+00;
	v63 =	vld.idx.msk [tilespmem:v13+s26+$0x0], $0xffff;
	[tilespmem:$0x1FD20] =	vst v2;
	v2 =	vor.u32 v28, v51  }
0x2a6: {  	[tilespmem:$0x1FD40] =	vst v15;
	v15 =	vimm.f32 $0.0e+00;
	v13 =	vld.idx.msk [tilespmem:v55+s26+$0x0], $0xffff;
	v55 =	vor.u32 v49, v5;
	v49 =	vor.u32 v22, v31  }
0x2a7: {  	v5 =	vor.u32 v21, v31;
	v8 =	vor.u32 v22, v1;
	v16 =	vld.idx.msk [tilespmem:v6+s26+$0x0], $0xffff;
	v6 =	vmul.f32 v9, v37  }
0x2a8: {  	[tilespmem:$0x1FD30] =	vst v12;
	v22 =	vimm.f32 $0.0e+00;
	v1 =	vor.u32 v32, v31;
	v3 =	vmul.f32 v3, v37;
	v12 =	vld.idx.msk [tilespmem:v7+s26+$0x0], $0xffff  }
0x2a9: {  	v28 =	vlaneseq.u32;
	v7 =	vimm.f32 $0.0e+00;
	v10 =	vadd.f32 v6, v22;
	v6 =	vld.idx.msk [tilespmem:v25+s26+$0x0], $0xffff  }
0x2aa: {  	s9 =	simm.s32 $0x4;
	[tilespmem:$0x1FD50] =	vst v15;
	v9 =	vimm.f32 $0.0e+00;
	v19 =	vadd.f32 v3, v22;
	v3 =	vimm.f32 $0.0e+00;
	v2 =	vld.idx.msk [tilespmem:v2+s26+$0x0], $0xffff  }
.LBB2_11:
0x2ab: {  	v13 =	vmul.f32 v13, v37;
	_ =	sdelay $0x1  }
0x2ac: {  	v13 =	vadd.f32 v13, v7;
	v7 =	vld [tilespmem:$0x1FC50];
	_ =	sdelay $0x2  }
0x2ad: {  	v15 =	vld [tilespmem:$0x1FC60];
	_ =	sdelay $0x1  }
0x2ae: {  	v10 =	vadd.f32 v7, v10;
	v7 =	vld [tilespmem:$0x1FC80]  }
0x2af: {  	v11 =	vmul.f32 v11, v37;
	_ =	sdelay $0x1  }
0x2b0: {  	v11 =	vadd.f32 v11, v22;
	v19 =	vadd.f32 v15, v19  }
0x2b1: {  	v21 =	vmul.f32 v61, v37  }
0x2b2: {  	v61 =	vmul.f32 v6, v37;
	v6 =	vadd.f32 v45, v11;
	v11 =	vadd.f32 v7, v19;
	v7 =	vld [tilespmem:$0x1FD00]  }
0x2b3: {  	v18 =	vld.idx.msk [tilespmem:v18+s26+$0x0], $0xffff  }
0x2b4: {  	[tilespmem:$0x1FBB0] =	vst v44;
	v44 =	vld [tilespmem:$0x1FF90]  }
0x2b5: {  	v33 =	vld [tilespmem:$0x1FF80]  }
0x2b6: {  	s10 =	smov.u32 s9;
	v25 =	vld [tilespmem:$0x1FFA0]  }
0x2b7: {  	[tilespmem:$0x1FC10] =	vst v35;
	v35 =	vld [tilespmem:$0x1FCE0];
	s11 =	sadd.s32 $0x1, s10  }
0x2b8: {  	v46 =	vld.idx.msk [tilespmem:v46+s26+$0x0], $0xffff;
	v30 =	vadd.s32 s11, v28  }
0x2b9: {  	v63 =	vmul.f32 v63, v37;
	v32 =	vld.idx.msk [tilespmem:v49+s26+$0x0], $0xffff;
	v49 =	vand.u32 $0x3F, v30  }
0x2ba: {  	v16 =	vmul.f32 v16, v37;
	v45 =	vmul.f32 v2, v37;
	v2 =	vor.u32 v33, v49;
	v19 =	vld.idx.msk [tilespmem:v7+s26+$0x0], $0xffff  }
0x2bb: {  	[tilespmem:$0x1FBA0] =	vst v2;
	v2 =	vld [tilespmem:$0x1FCC0]  }
0x2bc: {  	v8 =	vld.idx.msk [tilespmem:v8+s26+$0x0], $0xffff;
	v3 =	vadd.f32 v63, v3;
	v63 =	vadd.f32 v16, v60;
	v16 =	vor.u32 v35, v49  }
0x2bd: {  	v30 =	vld.idx.msk [tilespmem:v54+s26+$0x0], $0xffff;
	v14 =	vmul.f32 v14, v37;
	v60 =	vor.u32 v44, v49  }
0x2be: {  	[tilespmem:$0x1FBD0] =	vst v39;
	v39 =	vld [tilespmem:$0x1FF60]  }
0x2bf: {  	v14 =	vadd.f32 v14, v62;
	v62 =	vld.idx.msk [tilespmem:v0+s26+$0x0], $0xffff;
	v0 =	vmul.f32 v19, v23  }
0x2c0: {  	v3 =	vadd.f32 v2, v3;
	v2 =	vld [tilespmem:$0x1FFC0]  }
0x2c1: {  	v16 =	vld.idx.msk [tilespmem:v16+s31+$0x0], $0xffff;
	[tilespmem:$0x1FBE0] =	vst v0;
	v0 =	vmul.f32 v46, v23  }
0x2c2: {  	v17 =	vmul.f32 v17, v37;
	v29 =	vmul.f32 v30, v37;
	v30 =	vld.idx.msk [tilespmem:v60+s26+$0x0], $0xffff  }
0x2c3: {  	v31 =	vor.u32 v44, v31;
	v6 =	vadd.f32 v47, v6;
	[tilespmem:$0x1FBF0] =	vst v0;
	v0 =	vld [tilespmem:$0x1FCF0]  }
0x2c4: {  	v38 =	vld.idx.msk [tilespmem:v56+s26+$0x0], $0xffff;
	v8 =	vmul.f32 v8, v50;
	v17 =	vadd.f32 v17, v58  }
0x2c5: {  	v15 =	vld [tilespmem:$0x1FCB0];
	v4 =	vadd.f32 v4, v13;
	v6 =	vadd.f32 v42, v6;
	v13 =	vor.u32 v2, v49  }
0x2c6: {  	v5 =	vld.idx.msk [tilespmem:v5+s26+$0x0], $0xffff;
	v51 =	vor.u32 v25, v51;
	v8 =	vadd.f32 v8, v17  }
0x2c7: {  	s12 =	sadd.s32 $0x2, s10;
	v17 =	vld.idx.msk [tilespmem:v55+s26+$0x0], $0xffff;
	[tilespmem:$0x1FC30] =	vst v6;
	v6 =	vmul.f32 v30, v16;
	v19 =	vor.u32 v39, v49  }
0x2c8: {  	v27 =	vmul.f32 v18, v23;
	v18 =	vld.idx.msk [tilespmem:v31+s26+$0x0], $0xffff;
	v3 =	vadd.f32 v0, v3;
	v0 =	vadd.s32 s12, v28  }
0x2c9: {  	[tilespmem:$0x1FC50] =	vst v6;
	v6 =	vld [tilespmem:$0x1FD10];
	v56 =	vand.u32 $0x3F, v0  }
0x2ca: {  	v31 =	vadd.f32 v45, v9;
	v9 =	vmul.f32 v32, v23;
	v13 =	vld.idx.msk [tilespmem:v13+s26+$0x0], $0xffff;
	v32 =	vor.u32 v35, v56  }
0x2cb: {  	[tilespmem:$0x1FC00] =	vst v36;
	v36 =	vld.idx.msk [tilespmem:v51+s26+$0x0], $0xffff;
	v46 =	vor.u32 v2, v56  }
0x2cc: {  	v19 =	vld.idx.msk [tilespmem:v19+s26+$0x0], $0xffff  }
0x2cd: {  	v34 =	vld.idx.msk [tilespmem:v15+s26+$0x0], $0xffff  }
0x2ce: {  	v51 =	vor.u32 v25, v49;
	v0 =	vld [tilespmem:$0x1FC70]  }
0x2cf: {  	v10 =	vadd.f32 v6, v10;
	v6 =	vmul.f32 v13, v16;
	v55 =	vld.idx.msk [tilespmem:v32+s31+$0x0], $0xffff  }
0x2d0: {  	v37 =	vmul.f32 v36, v37;
	v36 =	vld.idx.msk [tilespmem:v46+s26+$0x0], $0xffff  }
0x2d1: {  	v15 =	vld [tilespmem:$0x1FF40];
	[tilespmem:$0x1FC60] =	vst v6;
	v6 =	vmul.f32 v19, v16  }
0x2d2: {  	v1 =	vld.idx.msk [tilespmem:v1+s26+$0x0], $0xffff  }
0x2d3: {  	v54 =	vmul.f32 v34, v23;
	v34 =	vld.idx.msk [tilespmem:v51+s26+$0x0], $0xffff;
	[tilespmem:$0x1FC70] =	vst v6;
	v6 =	vadd.f32 v57, v11  }
0x2d4: {  	v28 =	vld [tilespmem:$0x1FFD0]  }
0x2d5: {  	[tilespmem:$0x1FC40] =	vst v6;
	v26 =	vadd.f32 v0, v31;
	v0 =	vld [tilespmem:$0x1FF30];
	v6 =	vmul.f32 v36, v55  }
0x2d6: {  	v47 =	vor.u32 v15, v56;
	v32 =	vld [tilespmem:$0x1FFE0]  }
0x2d7: {  	[tilespmem:$0x1FC80] =	vst v6;
	v6 =	vld [tilespmem:$0x1FCA0];
	_ =	sdelay $0x1  }
0x2d8: {  	[tilespmem:$0x1FBC0] =	vst v41;
	v24 =	vor.u32 v25, v56  }
0x2d9: {  	v41 =	vld.idx.msk [tilespmem:v40+s26+$0x0], $0xffff;
	v5 =	vmul.f32 v5, v23;
	v14 =	vadd.f32 v59, v14;
	v31 =	vor.u32 v28, v49  }
0x2da: {  	v60 =	vmul.f32 v1, v23;
	v18 =	vmul.f32 v18, v23;
	v47 =	vld.idx.msk [tilespmem:v47+s26+$0x0], $0xffff;
	v23 =	vor.u32 v0, v49  }
0x2db: {  	v1 =	vmul.f32 v34, v16;
	v34 =	vor.u32 v32, v49;
	v14 =	vadd.f32 v6, v14;
	v6 =	vld [tilespmem:$0x1FD20];
	_ =	sdelay $0x1  }
0x2dc: {  	v58 =	vmul.f32 v62, v20;
	v17 =	vmul.f32 v17, v20;
	v19 =	vld.idx.msk [tilespmem:v24+s26+$0x0], $0xffff  }
0x2dd: {  	[tilespmem:$0x1FC20] =	vst v1;
	v45 =	vor.u32 v28, v56;
	v24 =	vor.u32 v33, v56;
	v13 =	vld.idx.msk [tilespmem:v31+s26+$0x0], $0xffff  }
0x2de: {  	v1 =	vadd.f32 v53, v26;
	v53 =	vmul.f32 v41, v20;
	v11 =	vld.idx.msk [tilespmem:v23+s26+$0x0], $0xffff;
	v23 =	vor.u32 v32, v56  }
0x2df: {  	v31 =	vmul.f32 v38, v20;
	v20 =	vld.idx.msk [tilespmem:v34+s26+$0x0], $0xffff;
	v3 =	vadd.f32 v6, v3;
	v6 =	vmul.f32 v47, v55  }
0x2e0: {  	v34 =	vld [tilespmem:$0x1FF70]  }
0x2e1: {  	v7 =	vlaneseq.u32;
	s12 =	sadd.s32 $0x3, s10;
	[tilespmem:$0x1FCA0] =	vst v6;
	v6 =	vld [tilespmem:$0x1FD40]  }
0x2e2: {  	v51 =	vld.idx.msk [tilespmem:v45+s26+$0x0], $0xffff;
	v4 =	vadd.f32 v31, v4;
	v31 =	vadd.s32 s12, v7  }
0x2e3: {  	v62 =	vor.u32 v44, v56;
	v31 =	vand.u32 $0x3F, v31;
	v22 =	vld.idx.msk [tilespmem:v23+s26+$0x0], $0xffff  }
0x2e4: {  	v45 =	vmul.f32 v11, v16;
	v11 =	vld.idx.msk [tilespmem:v24+s26+$0x0], $0xffff;
	v24 =	vor.u32 v33, v31  }
0x2e5: {  	v12 =	vmul.f32 v12, v50;
	v21 =	vadd.f32 v21, v52  }
0x2e6: {  	v29 =	vadd.f32 v29, v6;
	v6 =	vor.u32 v34, v31  }
0x2e7: {  	v12 =	vadd.f32 v12, v21;
	v21 =	vor.u32 v35, v31;
	[tilespmem:$0x1FCB0] =	vst v6;
	v6 =	vmul.f32 v20, v16  }
0x2e8: {  	v40 =	vld.idx.msk [tilespmem:v62+s26+$0x0], $0xffff;
	v62 =	vadd.f32 v27, v14;
	v47 =	vadd.s32 s10, v7;
	v14 =	vmul.f32 v22, v55  }
0x2e9: {  	v22 =	vmul.f32 v11, v55;
	v11 =	vld.idx.msk [tilespmem:v24+s26+$0x0], $0xffff;
	[tilespmem:$0x1FCC0] =	vst v6;
	v6 =	vmul.f32 v51, v55;
	v51 =	vand.u32 $0x3F, v47  }
0x2ea: {  	v42 =	vor.u32 v2, v31;
	v24 =	vor.u32 v35, v51;
	v35 =	vor.u32 v2, v51;
	v2 =	vld [tilespmem:$0x1FC90];
	_ =	sdelay $0x1  }
0x2eb: {  	v8 =	vadd.f32 v53, v8  }
0x2ec: {  	v12 =	vadd.f32 v58, v12;
	v26 =	vor.u32 v0, v56;
	v23 =	vld.idx.msk [tilespmem:v21+s31+$0x0], $0xffff  }
0x2ed: {  	v58 =	vadd.f32 v9, v8;
	v21 =	vor.u32 v0, v31;
	v9 =	vor.u32 v0, v51;
	v0 =	vld [tilespmem:$0x1FD30]  }
0x2ee: {  	v29 =	vadd.f32 v2, v29;
	v2 =	vld [tilespmem:$0x1FCD0];
	_ =	sdelay $0x2  }
0x2ef: {  	v13 =	vmul.f32 v13, v16;
	_ =	sdelay $0x1  }
0x2f0: {  	v20 =	vmovc v55;
	v8 =	vadd.f32 v2, v29;
	v29 =	vadd.f32 v0, v63;
	v0 =	vmov v13  }
0x2f1: {  	v57 =	vor.u32 v32, v31;
	[tilespmem:$0x1FC90] =	vst v0;
	v0 =	vmul.f32 v40, v20  }
0x2f2: {  	v48 =	vld.idx.msk [tilespmem:v48+s26+$0x0], $0xffff  }
0x2f3: {  	[tilespmem:$0x1FD10] =	vst v0;
	v0 =	vld [tilespmem:$0x1FBA0]  }
0x2f4: {  	v7 =	vld [tilespmem:$0x1FD50];
	_ =	sdelay $0x1  }
0x2f5: {  	[tilespmem:$0x1FCF0] =	vst v14;
	v14 =	vld.idx.msk [tilespmem:v57+s26+$0x0], $0xffff;
	_ =	sdelay $0x2  }
0x2f6: {  	v48 =	vmul.f32 v48, v50;
	v50 =	vmov v16;
	v16 =	vadd.f32 v61, v7  }
0x2f7: {  	v10 =	vadd.f32 v18, v10  }
0x2f8: {  	v18 =	vor.u32 v34, v49;
	v13 =	vadd.f32 v48, v16;
	v16 =	vld.idx.msk [tilespmem:v0+s26+$0x0], $0xffff;
	v0 =	vmul.f32 v14, v23  }
0x2f9: {  	v43 =	vadd.f32 v37, v43;
	v41 =	vor.u32 v28, v31;
	v37 =	vld.idx.msk [tilespmem:v26+s26+$0x0], $0xffff  }
0x2fa: {  	[tilespmem:$0x1FD20] =	vst v0;
	v0 =	vld [tilespmem:$0x1FBB0];
	_ =	sdelay $0x2  }
0x2fb: {  	v18 =	vld.idx.msk [tilespmem:v18+s26+$0x0], $0xffff;
	v2 =	vor.u32 v44, v51  }
0x2fc: {  	v7 =	vadd.f32 v54, v4;
	v4 =	vld.idx.msk [tilespmem:v41+s26+$0x0], $0xffff  }
0x2fd: {  	v47 =	vmul.f32 v37, v55;
	v37 =	vld.idx.msk [tilespmem:v24+s31+$0x0], $0xffff;
	v0 =	vadd.f32 v0, v8  }
0x2fe: {  	v24 =	vmul.f32 v11, v23;
	v11 =	vld.idx.msk [tilespmem:v9+s26+$0x0], $0xffff  }
0x2ff: {  	v61 =	vor.u32 v32, v51;
	[tilespmem:$0x1FD40] =	vst v0;
	v0 =	vld [tilespmem:$0x1FBC0]  }
0x300: {  	v9 =	vadd.f32 v17, v13;
	v17 =	vld.idx.msk [tilespmem:v2+s26+$0x0], $0xffff  }
0x301: {  	v2 =	vld [tilespmem:$0x1FBD0];
	_ =	sdelay $0x2  }
0x302: {  	v63 =	vld.idx.msk [tilespmem:v61+s26+$0x0], $0xffff;
	v61 =	vadd.f32 v0, v43;
	_ =	sdelay $0x1  }
0x303: {  	v44 =	vmul.f32 v4, v23;
	v4 =	vmul.f32 v18, v50;
	v18 =	vadd.f32 v2, v61;
	v2 =	vld [tilespmem:$0x1FBE0];
	_ =	sdelay $0x4  }
0x304: {  	v2 =	vadd.f32 v2, v9  }
0x305: {  	v38 =	vld [tilespmem:$0x1FFB0]  }
0x306: {  	[tilespmem:$0x1FD50] =	vst v2;
	v2 =	vld [tilespmem:$0x1FBF0]  }
0x307: {  	v21 =	vld.idx.msk [tilespmem:v21+s26+$0x0], $0xffff;
	_ =	sdelay $0x1  }
0x308: {  	v30 =	vor.u32 v15, v49  }
0x309: {  	v52 =	vadd.f32 v5, v12;
	v36 =	vld [tilespmem:$0x1FFF0]  }
0x30a: {  	v59 =	vor.u32 v39, v56;
	v57 =	vld.idx.msk [tilespmem:v42+s26+$0x0], $0xffff;
	v9 =	vadd.f32 v2, v1;
	v1 =	vmul.f32 v16, v50  }
0x30b: {  	v42 =	vmul.f32 v21, v23;
	v21 =	vor.u32 v33, v51;
	v33 =	vor.u32 v38, v49;
	v12 =	vld.idx.msk [tilespmem:v35+s26+$0x0], $0xffff  }
0x30c: {  	[tilespmem:$0x1FD30] =	vst v1;
	v1 =	vld [tilespmem:$0x1FC00]  }
0x30d: {  	v53 =	vld.idx.msk [tilespmem:v30+s26+$0x0], $0xffff  }
0x30e: {  	v19 =	vmul.f32 v19, v55;
	v41 =	vld [tilespmem:$0x1FF50];
	v55 =	vor.u32 v34, v51  }
0x30f: {  	v32 =	vld.idx.msk [tilespmem:v59+s26+$0x0], $0xffff  }
0x310: {  	v27 =	vor.u32 v36, v31;
	v26 =	vor.u32 v38, v51;
	v5 =	vmul.f32 v12, v37;
	v12 =	vld.idx.msk [tilespmem:v33+s26+$0x0], $0xffff  }
0x311: {  	[tilespmem:$0x1FD00] =	vst v27;
	v54 =	vor.u32 v28, v51;
	v27 =	vor.u32 v36, v51;
	v29 =	vadd.f32 v1, v29;
	v1 =	vld [tilespmem:$0x1FC10]  }
0x312: {  	v28 =	vor.u32 v15, v51;
	v43 =	vadd.f32 v60, v18;
	v18 =	vor.u32 v15, v31;
	v15 =	vmovc v6;
	v6 =	vld [tilespmem:$0x1FC40]  }
0x313: {  	v13 =	vld.idx.msk [tilespmem:v55+s26+$0x0], $0xffff;
	v14 =	vor.u32 v39, v51  }
0x314: {  	v48 =	vor.u32 v36, v49;
	v55 =	vor.u32 v36, v56;
	v36 =	vmov v22;
	v22 =	vld [tilespmem:$0x1FC30]  }
0x315: {  	v46 =	vor.u32 v39, v31;
	v61 =	vld.idx.msk [tilespmem:v26+s26+$0x0], $0xffff  }
0x316: {  	p0 =	slt.u32 s9, $0x3C;
	v57 =	vmul.f32 v57, v23;
	v30 =	vor.u32 v41, v51;
	v60 =	vadd.f32 v1, v29;
	v1 =	vld [tilespmem:$0x1FC20]  }
.Ltmp6:
0x317: {  	v59 =	vmul.f32 v53, v50;
	v39 =	vmov v19;
	v19 =	vadd.f32 v5, v6;
	v6 =	vld.idx.msk [tilespmem:v27+s26+$0x0], $0xffff;
	(pc) =	sbr.rel @p0 .LBB2_11-.Ltmp6, $4  }
0x318: {  	v53 =	vmul.f32 v32, v20;
	v35 =	vmov v24;
	v40 =	vor.u32 v41, v56;
	v2 =	vld.idx.msk [tilespmem:v14+s26+$0x0], $0xffff  }
0x319: {  	v8 =	vor.u32 v41, v49;
	v49 =	vor.u32 v41, v31;
	v16 =	vld.idx.msk [tilespmem:v21+s26+$0x0], $0xffff;
	v21 =	vmul.f32 v17, v37  }
0x31a: {  	v0 =	vor.u32 v38, v56;
	v56 =	vor.u32 v34, v56;
	v5 =	vor.u32 v38, v31;
	v14 =	vld.idx.msk [tilespmem:v28+s26+$0x0], $0xffff  }
0x31b: {  	s9 =	sadd.s32 $0x4, s9;
	[tilespmem:$0x1FCD0] =	vst v15;
	v28 =	vlaneseq.u32;
	v17 =	vld.idx.msk [tilespmem:v30+s26+$0x0], $0xffff;
	v10 =	vadd.f32 v21, v10;
	v41 =	vmovc v1;
	v1 =	vor.u32 v25, v31  }
0x31c: {  	_ =	sdelay $0x2  }
0x31d: {  	v15 =	vld [tilespmem:$0x1FC60]  }
0x31e: {  	v8 =	vld.idx.msk [tilespmem:v8+s26+$0x0], $0xffff  }
0x31f: {  	v34 =	vld [tilespmem:$0x1FC80]  }
0x320: {  	v38 =	vld.idx.msk [tilespmem:v54+s26+$0x0], $0xffff  }
0x321: {  	v54 =	vld [tilespmem:$0x1FFA0]  }
0x322: {  	v0 =	vld.idx.msk [tilespmem:v0+s26+$0x0], $0xffff  }
0x323: {  	v25 =	vld.idx.msk [tilespmem:v48+s26+$0x0], $0xffff  }
0x324: {  	v13 =	vmul.f32 v13, v37;
	v5 =	vld.idx.msk [tilespmem:v5+s26+$0x0], $0xffff  }
0x325: {  	v11 =	vmul.f32 v11, v37;
	v26 =	vld.idx.msk [tilespmem:v55+s26+$0x0], $0xffff  }
0x326: {  	v21 =	vmul.f32 v63, v37;
	v7 =	vadd.f32 v13, v7;
	v13 =	vld.idx.msk [tilespmem:v18+s26+$0x0], $0xffff  }
0x327: {  	v11 =	vadd.f32 v11, v22;
	v22 =	vld [tilespmem:$0x1FC50]  }
0x328: {  	v3 =	vadd.f32 v21, v3;
	v16 =	vmul.f32 v16, v37;
	v21 =	vld.idx.msk [tilespmem:v46+s26+$0x0], $0xffff  }
0x329: {  	v14 =	vmul.f32 v14, v37;
	v11 =	vadd.f32 v45, v11;
	v45 =	vld [tilespmem:$0x1FCC0]  }
0x32a: {  	v16 =	vadd.f32 v16, v60;
	v60 =	vld [tilespmem:$0x1FC90]  }
0x32b: {  	v14 =	vadd.f32 v14, v62;
	v62 =	vld [tilespmem:$0x1FD00]  }
0x32c: {  	v46 =	vadd.f32 v47, v11;
	v11 =	vld.idx.msk [tilespmem:v49+s26+$0x0], $0xffff  }
0x32d: {  	v47 =	vld [tilespmem:$0x1FCF0]  }
0x32e: {  	v49 =	vor.u32 v54, v51;
	v51 =	vld.idx.msk [tilespmem:v56+s26+$0x0], $0xffff  }
0x32f: {  	v24 =	vmul.f32 v61, v37;
	v19 =	vadd.f32 v15, v19;
	v56 =	vld [tilespmem:$0x1FC70]  }
0x330: {  	v2 =	vmul.f32 v2, v37;
	v17 =	vmul.f32 v17, v37;
	v14 =	vadd.f32 v59, v14;
	v59 =	vld [tilespmem:$0x1FD40]  }
0x331: {  	v18 =	vadd.f32 v34, v19;
	v19 =	vmul.f32 v38, v37;
	v38 =	vmul.f32 v25, v50;
	v25 =	vld [tilespmem:$0x1FD50]  }
0x332: {  	v12 =	vmul.f32 v12, v50;
	v2 =	vadd.f32 v2, v9;
	v4 =	vadd.f32 v4, v7;
	v34 =	vld [tilespmem:$0x1FF90]  }
0x333: {  	v8 =	vmul.f32 v8, v50;
	v17 =	vadd.f32 v17, v58;
	v58 =	vadd.f32 v24, v52;
	v50 =	vld [tilespmem:$0x1FD20]  }
0x334: {  	v6 =	vmul.f32 v6, v37;
	v10 =	vadd.f32 v22, v10;
	v9 =	vadd.f32 v42, v46;
	v42 =	vld [tilespmem:$0x1FCB0]  }
0x335: {  	v0 =	vmul.f32 v0, v20;
	v8 =	vadd.f32 v8, v17;
	v12 =	vadd.f32 v12, v58;
	v7 =	vld.idx.msk [tilespmem:v49+s26+$0x0], $0xffff  }
0x336: {  	v3 =	vadd.f32 v45, v3;
	v6 =	vadd.f32 v6, v25;
	v25 =	vld.idx.msk [tilespmem:v40+s26+$0x0], $0xffff  }
0x337: {  	v5 =	vmul.f32 v5, v23;
	v18 =	vadd.f32 v57, v18;
	v0 =	vadd.f32 v0, v12;
	v40 =	vld [tilespmem:$0x1FCD0]  }
0x338: {  	v1 =	vld.idx.msk [tilespmem:v1+s26+$0x0], $0xffff;
	v2 =	vadd.f32 v56, v2;
	v19 =	vadd.f32 v19, v59;
	v24 =	vor.u32 v34, v31  }
0x339: {  	v58 =	vld [tilespmem:$0x1FD30];
	v3 =	vadd.f32 v47, v3;
	v0 =	vadd.f32 v5, v0  }
0x33a: {  	v59 =	vmul.f32 v21, v23;
	v2 =	vadd.f32 v53, v2;
	v63 =	vld.idx.msk [tilespmem:v62+s26+$0x0], $0xffff;
	v61 =	vadd.f32 v60, v19  }
0x33b: {  	v48 =	vmul.f32 v51, v20;
	v51 =	vld [tilespmem:$0x1FCA0];
	v3 =	vadd.f32 v50, v3;
	v6 =	vadd.f32 v38, v6  }
0x33c: {  	v2 =	vadd.f32 v59, v2;
	v17 =	vld.idx.msk [tilespmem:v42+s26+$0x0], $0xffff;
	v7 =	vmul.f32 v7, v37;
	v12 =	vadd.f32 v40, v61  }
0x33d: {  	v45 =	vld.idx.msk [tilespmem:v24+s26+$0x0], $0xffff;
	v24 =	vmul.f32 v26, v20;
	[tilespmem:$0x16A50] =	vst v18;
	v49 =	vmul.f32 v25, v20  }
0x33e: {  	v26 =	vld [tilespmem:$0x1FD10];
	[tilespmem:$0x16A70] =	vst v0;
	v53 =	vadd.f32 v7, v43;
	v12 =	vadd.f32 v44, v12  }
0x33f: {  	[tilespmem:$0x16A80] =	vst v3;
	v47 =	vmul.f32 v63, v23;
	v46 =	vadd.f32 v24, v6;
	v56 =	vadd.f32 v49, v8  }
0x340: {  	v52 =	vmul.f32 v13, v23;
	v8 =	vadd.f32 v58, v16;
	[tilespmem:$0x16A60] =	vst v12;
	v12 =	vadd.f32 v51, v14  }
0x341: {  	v57 =	vmul.f32 v11, v23;
	[tilespmem:$0x16AA0] =	vst v9;
	v6 =	vadd.f32 v41, v53;
	v5 =	vadd.f32 v47, v46  }
0x342: {  	[tilespmem:$0x16AE0] =	vst v2;
	v61 =	vadd.f32 v36, v8;
	v0 =	vadd.f32 v52, v12  }
0x343: {  	v10 =	vadd.f32 v26, v10;
	v55 =	vmul.f32 v45, v23;
	[tilespmem:$0x16A90] =	vst v5;
	v5 =	vadd.f32 v57, v56  }
0x344: {  	v1 =	vmul.f32 v1, v23;
	v62 =	vadd.f32 v39, v6;
	v63 =	vadd.f32 v35, v61;
	[tilespmem:$0x16AB0] =	vst v0  }
0x345: {  	v4 =	vadd.f32 v48, v4;
	v60 =	vmul.f32 v17, v23;
	v3 =	vadd.f32 v55, v10;
	[tilespmem:$0x16AD0] =	vst v5  }
0x346: {  	v1 =	vadd.f32 v1, v62;
	[tilespmem:$0x16B00] =	vst v63  }
0x347: {  	s8 =	sor.u32 s3, s8;
	v0 =	vadd.f32 v60, v4;
	[tilespmem:$0x16AC0] =	vst v3  }
.Ltmp7:
0x348: {  	v33 =	vld [tilespmem:$0x1FFF0];
	s8 =	sshll.u32 s8, $0x4;
	[tilespmem:$0x16B10] =	vst v1;
	(pc) =	sbr.rel @p1 .LBB2_14-.Ltmp7, $4  }
0x349: {  	v32 =	vld [tilespmem:$0x1FFE0];
	s9 =	sadd.s32 s5, s8;
	[tilespmem:$0x16AF0] =	vst v0  }
0x34a: {  	v30 =	vld [tilespmem:$0x1FFB0];
	[hbm4b:s9+s2] =	stream.linear.scatter [tilespmem:s19], [sflag:$0x5], $0x80, $0x38  }
0x34b: {  	v29 =	vld [tilespmem:$0x1FFD0];
	s8 =	sadd.s32 s6, s8  }
0x34c: {  	v27 =	vld [tilespmem:$0x1FFC0];
	v44 =	vmov v54;
	[hbm4b:s8+s2] =	stream.linear.scatter [tilespmem:s23], [sflag:$0x5], $0x80, $0x38  }
0x34d: {  	v31 =	vmov v33;
	v33 =	vld [tilespmem:$0x1FF40]  }
.Ltmp8:
0x34e: {  	s8 =	sshll.u32 s7, $0x8;
	v35 =	vld [tilespmem:$0x1FF50];
	(pc) =	sbr.rel .LBB2_8-.Ltmp8, $4  }
0x34f: {  	v48 =	vld [tilespmem:$0x1FF60];
	s9 =	sadd.s32 $0x280, s8  }
0x350: {  	v41 =	vld [tilespmem:$0x1FF70];
	[tilespmem:s26], [sflag:$0x3] =	stream.indirect.gather [hbm4b:s4+s15], $0x40, s9, s15, $0xb8  }
0x351: {  	s7 =	sadd.s32 $0x1, s7;
	v51 =	vld [tilespmem:$0x1FF80];
	s8 =	sadd.s32 $0x42B8, s8  }
0x352: {  	v26 =	vmovc v29;
	v29 =	vmov v30;
	v30 =	vmov v32;
	v32 =	vld [tilespmem:$0x1FF30];
	[tilespmem:s29], [sflag:$0x3] =	stream.indirect.gather [hbm4b:s4+s22], $0x40, s8, s22, $0xb8;
	v24 =	vmov v27  }
.LBB2_15:
0x353: {  	_ =	sfence.sel $0x180000  }
0x354: {  	[bflag:$0x0] =	sbarrier.arrive $0xFFFF  }
0x355: {  	_ =	strace $0x9000004A  }
0x356: {  	s0 =	stileid.u32;
	[bflag:$0x2] =	sbarrier.arrive $0xFFFF  }
0x357: {  	p0 =	sne.s32 s0, $0x0;
	s0 =	rddreg [dreg:$0x4]  }
0x358: {  	s0 =	sadd.s32 @!p0 $0x100000, s0  }
0x359: {  	[sflag:s0] =	ssyncadd.tile.s32 @!p0 $0x1;
	_ =	shalt  }
.Lfunc_end2:
_tile_overlayer_lowered:
.L_overlay_start_2:
0x35a: {  	(tag) =	ssettag $0x2  }
0x35b: {  	s0 =	rddreg [dreg:$0x0];
	s2 =	stileid.u32  }
0x35c: {  	s1 =	rddreg [dreg:$0x1];
	p0 =	sne.s32 s2, $0x0  }
0x35d: {  	s3 =	rddreg [dreg:$0x2];
	[bflag:$0x3] =	sbarrier.arrive $0xFFFF;
	s2 =	simm.s32 @!p0 $0x1C06  }
0x35e: {  	[timem:s3], [sflag:s2] =	dma.local @!p0 [hbm:s0], s1  }
0x35f: {  	s0 =	simm.s32 @!p0 $0x6  }
0x360: {  	_ =	swait.ge @!p0 [sflag:s0], s1  }
0x361: {  	s1 =	ssub.s32 @!p0 $0x0, s1;
	[sflag:s0] =	ssyncset.done @!p0 $0x0  }
0x362: {  	[sflag:s0] =	ssyncadd.s32 @!p0 s1  }
0x363: {  	[bflag:$0x3] =	sbarrier.arrive $0xFFFF  }
0x364: {  	_ =	shalt  }

</sc_bundles>
